<compile_context>
chip_gen: v7x
topology: tpu7x:2x2x1
jax: 0.10.2.dev20260603
libtpu: 0.0.44.dev20260713+nightly
codegen_flags: <defaults>
</compile_context>

<pallas_src>
import functools

import jax
import jax.numpy as jnp
from jax import lax
from jax.experimental import pallas as pl
from jax.experimental.pallas import tpu as pltpu
from jax.experimental.pallas import tpu_sc as plsc

N = 10000
E = 320000
F_IN = 128
C = 64

NC = 2
NS = 16
NW = NC * NS
EPT = 10240
EPAD = EPT * NW
CHUNK = 128
NCHUNK = EPT // CHUNK
KF = 4

NPAD = 10240
ROWS_PT = NPAD // NS
RS = NPAD // NS

@functools.cache
def _make_deg_kernel():
    mesh = plsc.VectorSubcoreMesh(
        core_axis_name="c", subcore_axis_name="s", num_cores=NC, num_subcores=NS
    )
    return pl.kernel(
        _deg_body,
        out_type=jax.ShapeDtypeStruct((NC, NPAD, 16), jnp.float32),
        mesh=mesh,
        compiler_params=pltpu.CompilerParams(use_tc_tiling_on_sc=False),
        scratch_types=[
            pltpu.VMEM_SHARED((NPAD, 16), jnp.float32),
            pltpu.VMEM((NCHUNK, CHUNK), jnp.int32),
            pltpu.VMEM((CHUNK, 16), jnp.float32),
            pltpu.SemaphoreType.DMA,
        ],
    )


def _deg_body(dst3_hbm, zeros_hbm, ones_hbm, out_hbm, deg_sh, didx, ones, ssem):
    cid = lax.axis_index("c")
    sid = lax.axis_index("s")
    wid = cid * NS + sid

    pltpu.sync_copy(ones_hbm, ones)
    pltpu.sync_copy(dst3_hbm.at[wid], didx)
    pltpu.sync_copy(
        zeros_hbm.at[pl.ds(sid * ROWS_PT, ROWS_PT)],
        deg_sh.at[pl.ds(sid * ROWS_PT, ROWS_PT)],
    )
    plsc.subcore_barrier()

    def fire_round(r):
        for b in range(KF):
            pltpu.async_copy(ones, deg_sh.at[didx.at[r * KF + b]], ssem,
                             add=True)

    def drain_round():
        for b in range(KF):
            pltpu.make_async_copy(ones, deg_sh.at[didx.at[0]], ssem).wait()

    fire_round(0)

    def round_body(r, _):
        fire_round(r + 1)
        drain_round()
        return 0

    lax.fori_loop(0, NCHUNK // KF - 1, round_body, 0)
    drain_round()
    plsc.subcore_barrier()
    pltpu.sync_copy(
        deg_sh.at[pl.ds(sid * ROWS_PT, ROWS_PT)],
        out_hbm.at[cid, pl.ds(sid * ROWS_PT, ROWS_PT)],
    )


@functools.cache
def _make_hop_kernel():
    mesh = plsc.VectorSubcoreMesh(
        core_axis_name="c", subcore_axis_name="s", num_cores=NC, num_subcores=NS
    )
    return pl.kernel(
        _hop_body,
        out_type=jax.ShapeDtypeStruct((NC, NPAD, C), jnp.float32),
        mesh=mesh,
        compiler_params=pltpu.CompilerParams(use_tc_tiling_on_sc=False),
        scratch_types=[
            pltpu.VMEM_SHARED((NPAD, C), jnp.float32),
            pltpu.VMEM((NCHUNK, CHUNK), jnp.int32),
            pltpu.VMEM((NCHUNK, CHUNK), jnp.int32),
            pltpu.VMEM((KF * CHUNK, C), jnp.float32),
            pltpu.VMEM((KF * CHUNK, C), jnp.float32),
            pltpu.SemaphoreType.DMA,
            pltpu.SemaphoreType.DMA,
            pltpu.SemaphoreType.DMA,
            pltpu.SemaphoreType.DMA,
        ],
    )


NROUND = NCHUNK // KF


def _hop_body(u_hbm, src3_hbm, dst3_hbm, out_hbm, acc_sh, sidx, didx,
              rows0, rows1, gsem0, gsem1, ssem0, ssem1):
    cid = lax.axis_index("c")
    sid = lax.axis_index("s")
    wid = cid * NS + sid

    rows = (rows0, rows1)
    gsem = (gsem0, gsem1)
    ssem = (ssem0, ssem1)

    def fire_gathers(r, x):
        for b in range(KF):
            pltpu.async_copy(u_hbm.at[sidx.at[r * KF + b]],
                             rows[x].at[pl.ds(b * CHUNK, CHUNK)], gsem[x])

    def drain_gathers(x):
        for b in range(KF):
            pltpu.make_async_copy(u_hbm.at[sidx.at[0]],
                                  rows[x].at[pl.ds(b * CHUNK, CHUNK)],
                                  gsem[x]).wait()

    def fire_scatters(r, x):
        for b in range(KF):
            pltpu.async_copy(rows[x].at[pl.ds(b * CHUNK, CHUNK)],
                             acc_sh.at[didx.at[r * KF + b]], ssem[x],
                             add=True)

    def drain_scatters(x):
        for b in range(KF):
            pltpu.make_async_copy(rows[x].at[pl.ds(b * CHUNK, CHUNK)],
                                  acc_sh.at[didx.at[0]], ssem[x]).wait()

    pltpu.sync_copy(u_hbm.at[pl.ds(sid * RS, RS)], acc_sh.at[pl.ds(sid * RS, RS)])
    pltpu.sync_copy(src3_hbm.at[wid], sidx)
    pltpu.sync_copy(dst3_hbm.at[wid], didx)
    plsc.subcore_barrier()

    fire_gathers(0, 0)
    drain_gathers(0)
    fire_scatters(0, 0)
    fire_gathers(1, 1)

    def pair_body(i, _):
        for (roff, x) in ((1, 1), (2, 0)):
            r = 2 * i + roff
            drain_gathers(x)
            fire_scatters(r, x)
            drain_scatters(1 - x)
            fire_gathers(r + 1, 1 - x)
        return 0

    lax.fori_loop(0, (NROUND - 2) // 2, pair_body, 0)
    drain_gathers(1)
    fire_scatters(NROUND - 1, 1)
    drain_scatters(0)
    drain_scatters(1)
    plsc.subcore_barrier()
    pltpu.sync_copy(
        acc_sh.at[pl.ds(sid * RS, RS)],
        out_hbm.at[cid, pl.ds(sid * RS, RS)],
    )


def _matmul_body(x_ref, w_ref, z_ref):
    z = lax.dot_general(
        x_ref[...], w_ref[...],
        dimension_numbers=(((1,), (1,)), ((), ())),
        preferred_element_type=jnp.float32,
        precision=lax.Precision.HIGHEST,
    )
    z_ref[...] = jnp.concatenate(
        [z, jnp.zeros((NPAD - N, C), jnp.float32)], axis=0)


_matmul = pl.pallas_call(
    _matmul_body,
    out_shape=jax.ShapeDtypeStruct((NPAD, C), jnp.float32),
)


def _scale_body(z_ref, degp_ref, u_ref, dinv_ref, winv_ref):
    deg = degp_ref[0, :, 0:1] + degp_ref[1, :, 0:1] + 1.0
    dinv = lax.rsqrt(deg)
    u_ref[...] = z_ref[...] * dinv
    dinv_ref[...] = dinv
    winv_ref[...] = 1.0 / deg


_scale = pl.pallas_call(
    _scale_body,
    out_shape=(
        jax.ShapeDtypeStruct((NPAD, C), jnp.float32),
        jax.ShapeDtypeStruct((NPAD, 1), jnp.float32),
        jax.ShapeDtypeStruct((NPAD, 1), jnp.float32),
    ),
)


def _combine_body(p_ref, u_ref, winv_ref, w_ref):
    w_ref[...] = (p_ref[0] + p_ref[1] - u_ref[...]) * winv_ref[...]


_combine = pl.pallas_call(
    _combine_body,
    out_shape=jax.ShapeDtypeStruct((NPAD, C), jnp.float32),
)


def _final_body(q_ref, w_ref, dinv_ref, b_ref, o_ref):
    h = (q_ref[0] + q_ref[1] - w_ref[...]) * dinv_ref[...]
    o = h[:N] + b_ref[...]
    m = jnp.max(o, axis=1, keepdims=True)
    s = jnp.sum(jnp.exp(o - m), axis=1, keepdims=True)
    o_ref[...] = (o - m) - jnp.log(s)


_final = pl.pallas_call(
    _final_body,
    out_shape=jax.ShapeDtypeStruct((N, C), jnp.float32),
)


def kernel(x, edge_index, W, b):
    pad = N + jax.lax.rem(jnp.arange(EPAD - E, dtype=jnp.int32),
                          jnp.int32(NPAD - N))
    src3 = jnp.reshape(jnp.concatenate([edge_index[0], pad]), (NW, NCHUNK, CHUNK))
    dst3 = jnp.reshape(jnp.concatenate([edge_index[1], pad]), (NW, NCHUNK, CHUNK))
    zeros16 = jnp.zeros((NPAD, 16), jnp.float32)
    ones16 = jnp.ones((CHUNK, 16), jnp.float32)
    deg_kernel = _make_deg_kernel()
    hop_kernel = _make_hop_kernel()
    z = _matmul(x, W)
    degp = deg_kernel(dst3, zeros16, ones16)
    u, dinv, winv = _scale(z, degp)
    p = hop_kernel(u, src3, dst3)
    w = _combine(p, u, winv)
    q = hop_kernel(w, src3, dst3)
    return _final(q, w, dinv, jnp.reshape(b, (1, C)))

# --- scband reference (transcript-rebuilt; emitter-appended) ---
"""Pipeline reference for scband-sgc-41515153883312 (READ-ONLY COPY).

The authoritative reference and input builder live on the scoring server;
editing this copy changes nothing except your own understanding.
"""

import jax, jax.numpy as jnp
import numpy as np

N = 10000
E = 320000
F_IN = 128
C = 64
K = 2


def setup_inputs(seed: int = 0) -> dict:
    key = jax.random.key(seed)
    k1, k2, k3, k4 = jax.random.split(key, 4)
    x = jax.random.normal(k1, (N, F_IN), dtype=jnp.float32)
    edge_index = jax.random.randint(k2, (2, E), 0, N, dtype=jnp.int32)
    # SGConv's internal Linear(features, classes) parameters
    W = jax.random.normal(k3, (C, F_IN), dtype=jnp.float32) * (1.0 / np.sqrt(F_IN))
    b = jax.random.normal(k4, (C,), dtype=jnp.float32) * 0.01
    return {"x": x, "edge_index": edge_index, "W": W, "b": b}


def reference(x, edge_index, W, b):
    # SGC forward (eval mode: dropout is identity).
    # SGConv = K hops of GCN-normalized propagation (with self-loops), then Linear.
    src = edge_index[0]
    dst = edge_index[1]
    loop = jnp.arange(N, dtype=src.dtype)
    src = jnp.concatenate([src, loop], axis=0)
    dst = jnpp_concat(dst, loop) if False else jnp.concatenate([dst, loop], axis=0)
    ew = jnp.ones(src.shape[0], dtype=x.dtype)
    # gcn_norm: deg computed over destination nodes
    deg = jax.ops.segment_sum(ew, dst, num_segments=N)
    deg_inv_sqrt = jnp.where(deg > 0, jax.lax.rsqrt(jnp.maximum(deg, 1e-12)), 0.0)
    norm = deg_inv_sqrt[src] * ew * deg_inv_sqrt[dst]
    h = x
    for _ in range(K):
        msgs = norm[:, None] * jnp.take(h, src, axis=0)
        h = jax.ops.segment_sum(msgs, dst, num_segments=N)
    out = h @ W.T + b
    return jax.nn.log_softmax(out, axis=1)

if __name__ == "__main__":
    import jax
    _d = setup_inputs()
    print(jax.jit(kernel)(*tuple(_d.values())))

</pallas_src>

<mosaic_0001>
#map = affine_map<(d0, d1) -> (0, 0, 0)>
#map1 = affine_map<(d0, d1) -> (0, 0)>
module attributes {stable_mosaic.version = 14 : i64} {
  func.func @_deg_body(%arg0: i32, %arg1: i32, %arg2: memref<32x80x128xi32, #tpu.memory_space<hbm>>, %arg3: memref<10240x16xf32, #tpu.memory_space<hbm>>, %arg4: memref<128x16xf32, #tpu.memory_space<hbm>>, %arg5: memref<2x10240x16xf32, #tpu.memory_space<hbm>>, %arg6: memref<10240x16xf32, #tpu.memory_space<vmem_shared>>, %arg7: memref<80x128xi32, #tpu.memory_space<vmem>>, %arg8: memref<128x16xf32, #tpu.memory_space<vmem>>, %arg9: memref<!tpu.dma_semaphore, #tpu.memory_space<semaphore_mem>>) attributes {dimension_semantics = [#tpu.dimension_semantics<core_parallel>, #tpu.dimension_semantics<subcore_parallel>], iteration_bounds = array<i64: 2, 16>, scalar_prefetch = 0 : i64, scratch_operands = 4 : i64, tpu.core_type = #tpu.core_type<sc_vector_subcore>, window_params = [{transform_indices = #map}, {transform_indices = #map1}, {transform_indices = #map1}, {transform_indices = #map}]} {
    %mul3A = arith.constant 16 : i32
    %mul3A_0 = arith.muli %arg0, %mul3A : i32
    %add3A = arith.addi %mul3A_0, %arg1 : i32
    "tpu.region"() ({
      %run_scoped3A = tpu.sem_alloc : memref<!tpu.dma_semaphore, #tpu.memory_space<semaphore_mem>>
      tpu.enqueue_dma source(%arg4 : memref<128x16xf32, #tpu.memory_space<hbm>>) target(%arg8 : memref<128x16xf32, #tpu.memory_space<vmem>>) target_semaphore(%run_scoped3A : memref<!tpu.dma_semaphore, #tpu.memory_space<semaphore_mem>>)
      tpu.wait_dma2 semaphore(%run_scoped3A : memref<!tpu.dma_semaphore, #tpu.memory_space<semaphore_mem>>) src(%arg4 : memref<128x16xf32, #tpu.memory_space<hbm>>) dst(%arg8 : memref<128x16xf32, #tpu.memory_space<vmem>>)
      tpu.yield
    }) : () -> ()
    "tpu.region"() ({
      %run_scoped3A = tpu.sem_alloc : memref<!tpu.dma_semaphore, #tpu.memory_space<semaphore_mem>>
      %dma_start3A_70 = arith.constant 0 : i32
      %dma_start3A_71 = arith.constant 0 : i32
      %dma_start3A_72 = tpu.memref_slice %arg2[%add3A, %dma_start3A_70, %dma_start3A_71] : memref<32x80x128xi32, #tpu.memory_space<hbm>> -> memref<1x80x128xi32, #tpu.memory_space<hbm>>
      %dma_start3A_73 = tpu.memref_squeeze %dma_start3A_72 : memref<1x80x128xi32, #tpu.memory_space<hbm>> -> memref<80x128xi32, #tpu.memory_space<hbm>>
      %dma_start3A_74 = arith.constant 0 : i32
      %dma_start3A_75 = arith.constant 0 : i32
      %dma_start3A_76 = tpu.memref_slice %arg2[%add3A, %dma_start3A_74, %dma_start3A_75] : memref<32x80x128xi32, #tpu.memory_space<hbm>> -> memref<1x80x128xi32, #tpu.memory_space<hbm>>
      %dma_start3A_77 = tpu.memref_squeeze %dma_start3A_76 : memref<1x80x128xi32, #tpu.memory_space<hbm>> -> memref<80x128xi32, #tpu.memory_space<hbm>>
      tpu.enqueue_dma source(%dma_start3A_77 : memref<80x128xi32, #tpu.memory_space<hbm>>) target(%arg7 : memref<80x128xi32, #tpu.memory_space<vmem>>) target_semaphore(%run_scoped3A : memref<!tpu.dma_semaphore, #tpu.memory_space<semaphore_mem>>)
      %dma_wait3A_78 = arith.constant 0 : i32
      %dma_wait3A_79 = arith.constant 0 : i32
      %dma_wait3A_80 = tpu.memref_slice %arg2[%add3A, %dma_wait3A_78, %dma_wait3A_79] : memref<32x80x128xi32, #tpu.memory_space<hbm>> -> memref<1x80x128xi32, #tpu.memory_space<hbm>>
      %dma_wait3A_81 = tpu.memref_squeeze %dma_wait3A_80 : memref<1x80x128xi32, #tpu.memory_space<hbm>> -> memref<80x128xi32, #tpu.memory_space<hbm>>
      %dma_wait3A_82 = arith.constant 0 : i32
      %dma_wait3A_83 = arith.constant 0 : i32
      %dma_wait3A_84 = tpu.memref_slice %arg2[%add3A, %dma_wait3A_82, %dma_wait3A_83] : memref<32x80x128xi32, #tpu.memory_space<hbm>> -> memref<1x80x128xi32, #tpu.memory_space<hbm>>
      %dma_wait3A_85 = tpu.memref_squeeze %dma_wait3A_84 : memref<1x80x128xi32, #tpu.memory_space<hbm>> -> memref<80x128xi32, #tpu.memory_space<hbm>>
      tpu.wait_dma2 semaphore(%run_scoped3A : memref<!tpu.dma_semaphore, #tpu.memory_space<semaphore_mem>>) src(%dma_wait3A_85 : memref<80x128xi32, #tpu.memory_space<hbm>>) dst(%arg7 : memref<80x128xi32, #tpu.memory_space<vmem>>)
      tpu.yield
    }) : () -> ()
    %mul3A_1 = arith.constant 640 : i32
    %mul3A_2 = arith.muli %arg1, %mul3A_1 : i32
    %mul3A_3 = arith.constant 640 : i32
    %mul3A_4 = arith.muli %arg1, %mul3A_3 : i32
    "tpu.region"() ({
      %run_scoped3A = tpu.sem_alloc : memref<!tpu.dma_semaphore, #tpu.memory_space<semaphore_mem>>
      %dma_start3A_70 = arith.constant 0 : i32
      %dma_start3A_71 = tpu.memref_slice %arg6[%mul3A_4, %dma_start3A_70] : memref<10240x16xf32, #tpu.memory_space<vmem_shared>> -> memref<640x16xf32, #tpu.memory_space<vmem_shared>>
      %dma_start3A_72 = arith.constant 0 : i32
      %dma_start3A_73 = tpu.memref_slice %arg3[%mul3A_2, %dma_start3A_72] : memref<10240x16xf32, #tpu.memory_space<hbm>> -> memref<640x16xf32, #tpu.memory_space<hbm>>
      tpu.enqueue_dma source(%dma_start3A_73 : memref<640x16xf32, #tpu.memory_space<hbm>>) target(%dma_start3A_71 : memref<640x16xf32, #tpu.memory_space<vmem_shared>>) target_semaphore(%run_scoped3A : memref<!tpu.dma_semaphore, #tpu.memory_space<semaphore_mem>>)
      %dma_wait3A_74 = arith.constant 0 : i32
      %dma_wait3A_75 = tpu.memref_slice %arg6[%mul3A_4, %dma_wait3A_74] : memref<10240x16xf32, #tpu.memory_space<vmem_shared>> -> memref<640x16xf32, #tpu.memory_space<vmem_shared>>
      %dma_wait3A_76 = arith.constant 0 : i32
      %dma_wait3A_77 = tpu.memref_slice %arg3[%mul3A_2, %dma_wait3A_76] : memref<10240x16xf32, #tpu.memory_space<hbm>> -> memref<640x16xf32, #tpu.memory_space<hbm>>
      tpu.wait_dma2 semaphore(%run_scoped3A : memref<!tpu.dma_semaphore, #tpu.memory_space<semaphore_mem>>) src(%dma_wait3A_77 : memref<640x16xf32, #tpu.memory_space<hbm>>) dst(%dma_wait3A_75 : memref<640x16xf32, #tpu.memory_space<vmem_shared>>)
      tpu.yield
    }) : () -> ()
    %barrier3A = arith.constant 0 : index
    tpu.barrier barrier_id(%barrier3A)
    %dma_start3A = arith.constant 0 : i32
    %dma_start3A_5 = arith.constant 0 : i32
    %dma_start3A_6 = tpu.memref_slice %arg7[%dma_start3A, %dma_start3A_5] : memref<80x128xi32, #tpu.memory_space<vmem>> -> memref<1x128xi32, #tpu.memory_space<vmem>>
    %dma_start3A_7 = tpu.memref_squeeze %dma_start3A_6 : memref<1x128xi32, #tpu.memory_space<vmem>> -> memref<128xi32, #tpu.memory_space<vmem>>
    %dma_start3A_8 = arith.constant 0 : i32
    %dma_start3A_9 = arith.constant 0 : i32
    %dma_start3A_10 = tpu.memref_slice %arg6[%dma_start3A_8, %dma_start3A_9] : memref<10240x16xf32, #tpu.memory_space<vmem_shared>> -> memref<10240x16xf32, #tpu.memory_space<vmem_shared>>
    tpu.enqueue_indirect_dma source(%arg8 : memref<128x16xf32, #tpu.memory_space<vmem>>) target(%dma_start3A_10 : memref<10240x16xf32, #tpu.memory_space<vmem_shared>>) offsets(%dma_start3A_7 : memref<128xi32, #tpu.memory_space<vmem>>) semaphore(%arg9 : memref<!tpu.dma_semaphore, #tpu.memory_space<semaphore_mem>>) {add = true}
    %dma_start3A_11 = arith.constant 1 : i32
    %dma_start3A_12 = arith.constant 0 : i32
    %dma_start3A_13 = tpu.memref_slice %arg7[%dma_start3A_11, %dma_start3A_12] : memref<80x128xi32, #tpu.memory_space<vmem>> -> memref<1x128xi32, #tpu.memory_space<vmem>>
    %dma_start3A_14 = tpu.memref_squeeze %dma_start3A_13 : memref<1x128xi32, #tpu.memory_space<vmem>> -> memref<128xi32, #tpu.memory_space<vmem>>
    %dma_start3A_15 = arith.constant 0 : i32
    %dma_start3A_16 = arith.constant 0 : i32
    %dma_start3A_17 = tpu.memref_slice %arg6[%dma_start3A_15, %dma_start3A_16] : memref<10240x16xf32, #tpu.memory_space<vmem_shared>> -> memref<10240x16xf32, #tpu.memory_space<vmem_shared>>
    tpu.enqueue_indirect_dma source(%arg8 : memref<128x16xf32, #tpu.memory_space<vmem>>) target(%dma_start3A_17 : memref<10240x16xf32, #tpu.memory_space<vmem_shared>>) offsets(%dma_start3A_14 : memref<128xi32, #tpu.memory_space<vmem>>) semaphore(%arg9 : memref<!tpu.dma_semaphore, #tpu.memory_space<semaphore_mem>>) {add = true}
    %dma_start3A_18 = arith.constant 2 : i32
    %dma_start3A_19 = arith.constant 0 : i32
    %dma_start3A_20 = tpu.memref_slice %arg7[%dma_start3A_18, %dma_start3A_19] : memref<80x128xi32, #tpu.memory_space<vmem>> -> memref<1x128xi32, #tpu.memory_space<vmem>>
    %dma_start3A_21 = tpu.memref_squeeze %dma_start3A_20 : memref<1x128xi32, #tpu.memory_space<vmem>> -> memref<128xi32, #tpu.memory_space<vmem>>
    %dma_start3A_22 = arith.constant 0 : i32
    %dma_start3A_23 = arith.constant 0 : i32
    %dma_start3A_24 = tpu.memref_slice %arg6[%dma_start3A_22, %dma_start3A_23] : memref<10240x16xf32, #tpu.memory_space<vmem_shared>> -> memref<10240x16xf32, #tpu.memory_space<vmem_shared>>
    tpu.enqueue_indirect_dma source(%arg8 : memref<128x16xf32, #tpu.memory_space<vmem>>) target(%dma_start3A_24 : memref<10240x16xf32, #tpu.memory_space<vmem_shared>>) offsets(%dma_start3A_21 : memref<128xi32, #tpu.memory_space<vmem>>) semaphore(%arg9 : memref<!tpu.dma_semaphore, #tpu.memory_space<semaphore_mem>>) {add = true}
    %dma_start3A_25 = arith.constant 3 : i32
    %dma_start3A_26 = arith.constant 0 : i32
    %dma_start3A_27 = tpu.memref_slice %arg7[%dma_start3A_25, %dma_start3A_26] : memref<80x128xi32, #tpu.memory_space<vmem>> -> memref<1x128xi32, #tpu.memory_space<vmem>>
    %dma_start3A_28 = tpu.memref_squeeze %dma_start3A_27 : memref<1x128xi32, #tpu.memory_space<vmem>> -> memref<128xi32, #tpu.memory_space<vmem>>
    %dma_start3A_29 = arith.constant 0 : i32
    %dma_start3A_30 = arith.constant 0 : i32
    %dma_start3A_31 = tpu.memref_slice %arg6[%dma_start3A_29, %dma_start3A_30] : memref<10240x16xf32, #tpu.memory_space<vmem_shared>> -> memref<10240x16xf32, #tpu.memory_space<vmem_shared>>
    tpu.enqueue_indirect_dma source(%arg8 : memref<128x16xf32, #tpu.memory_space<vmem>>) target(%dma_start3A_31 : memref<10240x16xf32, #tpu.memory_space<vmem_shared>>) offsets(%dma_start3A_28 : memref<128xi32, #tpu.memory_space<vmem>>) semaphore(%arg9 : memref<!tpu.dma_semaphore, #tpu.memory_space<semaphore_mem>>) {add = true}
    %scan3A = arith.constant 0 : i32
    %scan3A_32 = arith.constant 0 : i32
    %scan3A_33 = arith.constant 19 : i32
    %scan3A_34 = arith.addi %scan3A_32, %scan3A_33 : i32
    %scan3A_35 = arith.constant 1 : i32
    %scan3A_36 = scf.for %scan3A_70 = %scan3A_32 to %scan3A_34 step %scan3A_35 iter_args(%scan3A_71 = %scan3A) -> (i32)  : i32 {
      %add3A_72 = arith.constant 1 : i32
      %add3A_73 = arith.addi %scan3A_70, %add3A_72 : i32
      %mul3A_74 = arith.constant 4 : i32
      %mul3A_75 = arith.muli %add3A_73, %mul3A_74 : i32
      %add3A_76 = arith.constant 0 : i32
      %add3A_77 = arith.addi %mul3A_75, %add3A_76 : i32
      %dma_start3A_78 = arith.constant 0 : i32
      %dma_start3A_79 = tpu.memref_slice %arg7[%add3A_77, %dma_start3A_78] : memref<80x128xi32, #tpu.memory_space<vmem>> -> memref<1x128xi32, #tpu.memory_space<vmem>>
      %dma_start3A_80 = tpu.memref_squeeze %dma_start3A_79 : memref<1x128xi32, #tpu.memory_space<vmem>> -> memref<128xi32, #tpu.memory_space<vmem>>
      %dma_start3A_81 = arith.constant 0 : i32
      %dma_start3A_82 = arith.constant 0 : i32
      %dma_start3A_83 = tpu.memref_slice %arg6[%dma_start3A_81, %dma_start3A_82] : memref<10240x16xf32, #tpu.memory_space<vmem_shared>> -> memref<10240x16xf32, #tpu.memory_space<vmem_shared>>
      tpu.enqueue_indirect_dma source(%arg8 : memref<128x16xf32, #tpu.memory_space<vmem>>) target(%dma_start3A_83 : memref<10240x16xf32, #tpu.memory_space<vmem_shared>>) offsets(%dma_start3A_80 : memref<128xi32, #tpu.memory_space<vmem>>) semaphore(%arg9 : memref<!tpu.dma_semaphore, #tpu.memory_space<semaphore_mem>>) {add = true}
      %mul3A_84 = arith.constant 4 : i32
      %mul3A_85 = arith.muli %add3A_73, %mul3A_84 : i32
      %add3A_86 = arith.constant 1 : i32
      %add3A_87 = arith.addi %mul3A_85, %add3A_86 : i32
      %dma_start3A_88 = arith.constant 0 : i32
      %dma_start3A_89 = tpu.memref_slice %arg7[%add3A_87, %dma_start3A_88] : memref<80x128xi32, #tpu.memory_space<vmem>> -> memref<1x128xi32, #tpu.memory_space<vmem>>
      %dma_start3A_90 = tpu.memref_squeeze %dma_start3A_89 : memref<1x128xi32, #tpu.memory_space<vmem>> -> memref<128xi32, #tpu.memory_space<vmem>>
      %dma_start3A_91 = arith.constant 0 : i32
      %dma_start3A_92 = arith.constant 0 : i32
      %dma_start3A_93 = tpu.memref_slice %arg6[%dma_start3A_91, %dma_start3A_92] : memref<10240x16xf32, #tpu.memory_space<vmem_shared>> -> memref<10240x16xf32, #tpu.memory_space<vmem_shared>>
      tpu.enqueue_indirect_dma source(%arg8 : memref<128x16xf32, #tpu.memory_space<vmem>>) target(%dma_start3A_93 : memref<10240x16xf32, #tpu.memory_space<vmem_shared>>) offsets(%dma_start3A_90 : memref<128xi32, #tpu.memory_space<vmem>>) semaphore(%arg9 : memref<!tpu.dma_semaphore, #tpu.memory_space<semaphore_mem>>) {add = true}
      %mul3A_94 = arith.constant 4 : i32
      %mul3A_95 = arith.muli %add3A_73, %mul3A_94 : i32
      %add3A_96 = arith.constant 2 : i32
      %add3A_97 = arith.addi %mul3A_95, %add3A_96 : i32
      %dma_start3A_98 = arith.constant 0 : i32
      %dma_start3A_99 = tpu.memref_slice %arg7[%add3A_97, %dma_start3A_98] : memref<80x128xi32, #tpu.memory_space<vmem>> -> memref<1x128xi32, #tpu.memory_space<vmem>>
      %dma_start3A_100 = tpu.memref_squeeze %dma_start3A_99 : memref<1x128xi32, #tpu.memory_space<vmem>> -> memref<128xi32, #tpu.memory_space<vmem>>
      %dma_start3A_101 = arith.constant 0 : i32
      %dma_start3A_102 = arith.constant 0 : i32
      %dma_start3A_103 = tpu.memref_slice %arg6[%dma_start3A_101, %dma_start3A_102] : memref<10240x16xf32, #tpu.memory_space<vmem_shared>> -> memref<10240x16xf32, #tpu.memory_space<vmem_shared>>
      tpu.enqueue_indirect_dma source(%arg8 : memref<128x16xf32, #tpu.memory_space<vmem>>) target(%dma_start3A_103 : memref<10240x16xf32, #tpu.memory_space<vmem_shared>>) offsets(%dma_start3A_100 : memref<128xi32, #tpu.memory_space<vmem>>) semaphore(%arg9 : memref<!tpu.dma_semaphore, #tpu.memory_space<semaphore_mem>>) {add = true}
      %mul3A_104 = arith.constant 4 : i32
      %mul3A_105 = arith.muli %add3A_73, %mul3A_104 : i32
      %add3A_106 = arith.constant 3 : i32
      %add3A_107 = arith.addi %mul3A_105, %add3A_106 : i32
      %dma_start3A_108 = arith.constant 0 : i32
      %dma_start3A_109 = tpu.memref_slice %arg7[%add3A_107, %dma_start3A_108] : memref<80x128xi32, #tpu.memory_space<vmem>> -> memref<1x128xi32, #tpu.memory_space<vmem>>
      %dma_start3A_110 = tpu.memref_squeeze %dma_start3A_109 : memref<1x128xi32, #tpu.memory_space<vmem>> -> memref<128xi32, #tpu.memory_space<vmem>>
      %dma_start3A_111 = arith.constant 0 : i32
      %dma_start3A_112 = arith.constant 0 : i32
      %dma_start3A_113 = tpu.memref_slice %arg6[%dma_start3A_111, %dma_start3A_112] : memref<10240x16xf32, #tpu.memory_space<vmem_shared>> -> memref<10240x16xf32, #tpu.memory_space<vmem_shared>>
      tpu.enqueue_indirect_dma source(%arg8 : memref<128x16xf32, #tpu.memory_space<vmem>>) target(%dma_start3A_113 : memref<10240x16xf32, #tpu.memory_space<vmem_shared>>) offsets(%dma_start3A_110 : memref<128xi32, #tpu.memory_space<vmem>>) semaphore(%arg9 : memref<!tpu.dma_semaphore, #tpu.memory_space<semaphore_mem>>) {add = true}
      %dma_wait3A_114 = arith.constant 0 : i32
      %dma_wait3A_115 = arith.constant 0 : i32
      %dma_wait3A_116 = tpu.memref_slice %arg7[%dma_wait3A_114, %dma_wait3A_115] : memref<80x128xi32, #tpu.memory_space<vmem>> -> memref<1x128xi32, #tpu.memory_space<vmem>>
      %dma_wait3A_117 = tpu.memref_squeeze %dma_wait3A_116 : memref<1x128xi32, #tpu.memory_space<vmem>> -> memref<128xi32, #tpu.memory_space<vmem>>
      %dma_wait3A_118 = arith.constant 0 : i32
      %dma_wait3A_119 = arith.constant 0 : i32
      %dma_wait3A_120 = tpu.memref_slice %arg6[%dma_wait3A_118, %dma_wait3A_119] : memref<10240x16xf32, #tpu.memory_space<vmem_shared>> -> memref<10240x16xf32, #tpu.memory_space<vmem_shared>>
      tpu.wait_indirect_dma semaphore(%arg9 : memref<!tpu.dma_semaphore, #tpu.memory_space<semaphore_mem>>) src(%arg8 : memref<128x16xf32, #tpu.memory_space<vmem>>) dst(%dma_wait3A_120 : memref<10240x16xf32, #tpu.memory_space<vmem_shared>>)
      %dma_wait3A_121 = arith.constant 0 : i32
      %dma_wait3A_122 = arith.constant 0 : i32
      %dma_wait3A_123 = tpu.memref_slice %arg7[%dma_wait3A_121, %dma_wait3A_122] : memref<80x128xi32, #tpu.memory_space<vmem>> -> memref<1x128xi32, #tpu.memory_space<vmem>>
      %dma_wait3A_124 = tpu.memref_squeeze %dma_wait3A_123 : memref<1x128xi32, #tpu.memory_space<vmem>> -> memref<128xi32, #tpu.memory_space<vmem>>
      %dma_wait3A_125 = arith.constant 0 : i32
      %dma_wait3A_126 = arith.constant 0 : i32
      %dma_wait3A_127 = tpu.memref_slice %arg6[%dma_wait3A_125, %dma_wait3A_126] : memref<10240x16xf32, #tpu.memory_space<vmem_shared>> -> memref<10240x16xf32, #tpu.memory_space<vmem_shared>>
      tpu.wait_indirect_dma semaphore(%arg9 : memref<!tpu.dma_semaphore, #tpu.memory_space<semaphore_mem>>) src(%arg8 : memref<128x16xf32, #tpu.memory_space<vmem>>) dst(%dma_wait3A_127 : memref<10240x16xf32, #tpu.memory_space<vmem_shared>>)
      %dma_wait3A_128 = arith.constant 0 : i32
      %dma_wait3A_129 = arith.constant 0 : i32
      %dma_wait3A_130 = tpu.memref_slice %arg7[%dma_wait3A_128, %dma_wait3A_129] : memref<80x128xi32, #tpu.memory_space<vmem>> -> memref<1x128xi32, #tpu.memory_space<vmem>>
      %dma_wait3A_131 = tpu.memref_squeeze %dma_wait3A_130 : memref<1x128xi32, #tpu.memory_space<vmem>> -> memref<128xi32, #tpu.memory_space<vmem>>
      %dma_wait3A_132 = arith.constant 0 : i32
      %dma_wait3A_133 = arith.constant 0 : i32
      %dma_wait3A_134 = tpu.memref_slice %arg6[%dma_wait3A_132, %dma_wait3A_133] : memref<10240x16xf32, #tpu.memory_space<vmem_shared>> -> memref<10240x16xf32, #tpu.memory_space<vmem_shared>>
      tpu.wait_indirect_dma semaphore(%arg9 : memref<!tpu.dma_semaphore, #tpu.memory_space<semaphore_mem>>) src(%arg8 : memref<128x16xf32, #tpu.memory_space<vmem>>) dst(%dma_wait3A_134 : memref<10240x16xf32, #tpu.memory_space<vmem_shared>>)
      %dma_wait3A_135 = arith.constant 0 : i32
      %dma_wait3A_136 = arith.constant 0 : i32
      %dma_wait3A_137 = tpu.memref_slice %arg7[%dma_wait3A_135, %dma_wait3A_136] : memref<80x128xi32, #tpu.memory_space<vmem>> -> memref<1x128xi32, #tpu.memory_space<vmem>>
      %dma_wait3A_138 = tpu.memref_squeeze %dma_wait3A_137 : memref<1x128xi32, #tpu.memory_space<vmem>> -> memref<128xi32, #tpu.memory_space<vmem>>
      %dma_wait3A_139 = arith.constant 0 : i32
      %dma_wait3A_140 = arith.constant 0 : i32
      %dma_wait3A_141 = tpu.memref_slice %arg6[%dma_wait3A_139, %dma_wait3A_140] : memref<10240x16xf32, #tpu.memory_space<vmem_shared>> -> memref<10240x16xf32, #tpu.memory_space<vmem_shared>>
      tpu.wait_indirect_dma semaphore(%arg9 : memref<!tpu.dma_semaphore, #tpu.memory_space<semaphore_mem>>) src(%arg8 : memref<128x16xf32, #tpu.memory_space<vmem>>) dst(%dma_wait3A_141 : memref<10240x16xf32, #tpu.memory_space<vmem_shared>>)
      %scan3A_142 = arith.constant 0 : i32
      scf.yield %scan3A_142 : i32
    }
    %scan3A_37 = arith.constant 19 : i32
    %dma_wait3A = arith.constant 0 : i32
    %dma_wait3A_38 = arith.constant 0 : i32
    %dma_wait3A_39 = tpu.memref_slice %arg7[%dma_wait3A, %dma_wait3A_38] : memref<80x128xi32, #tpu.memory_space<vmem>> -> memref<1x128xi32, #tpu.memory_space<vmem>>
    %dma_wait3A_40 = tpu.memref_squeeze %dma_wait3A_39 : memref<1x128xi32, #tpu.memory_space<vmem>> -> memref<128xi32, #tpu.memory_space<vmem>>
    %dma_wait3A_41 = arith.constant 0 : i32
    %dma_wait3A_42 = arith.constant 0 : i32
    %dma_wait3A_43 = tpu.memref_slice %arg6[%dma_wait3A_41, %dma_wait3A_42] : memref<10240x16xf32, #tpu.memory_space<vmem_shared>> -> memref<10240x16xf32, #tpu.memory_space<vmem_shared>>
    tpu.wait_indirect_dma semaphore(%arg9 : memref<!tpu.dma_semaphore, #tpu.memory_space<semaphore_mem>>) src(%arg8 : memref<128x16xf32, #tpu.memory_space<vmem>>) dst(%dma_wait3A_43 : memref<10240x16xf32, #tpu.memory_space<vmem_shared>>)
    %dma_wait3A_44 = arith.constant 0 : i32
    %dma_wait3A_45 = arith.constant 0 : i32
    %dma_wait3A_46 = tpu.memref_slice %arg7[%dma_wait3A_44, %dma_wait3A_45] : memref<80x128xi32, #tpu.memory_space<vmem>> -> memref<1x128xi32, #tpu.memory_space<vmem>>
    %dma_wait3A_47 = tpu.memref_squeeze %dma_wait3A_46 : memref<1x128xi32, #tpu.memory_space<vmem>> -> memref<128xi32, #tpu.memory_space<vmem>>
    %dma_wait3A_48 = arith.constant 0 : i32
    %dma_wait3A_49 = arith.constant 0 : i32
    %dma_wait3A_50 = tpu.memref_slice %arg6[%dma_wait3A_48, %dma_wait3A_49] : memref<10240x16xf32, #tpu.memory_space<vmem_shared>> -> memref<10240x16xf32, #tpu.memory_space<vmem_shared>>
    tpu.wait_indirect_dma semaphore(%arg9 : memref<!tpu.dma_semaphore, #tpu.memory_space<semaphore_mem>>) src(%arg8 : memref<128x16xf32, #tpu.memory_space<vmem>>) dst(%dma_wait3A_50 : memref<10240x16xf32, #tpu.memory_space<vmem_shared>>)
    %dma_wait3A_51 = arith.constant 0 : i32
    %dma_wait3A_52 = arith.constant 0 : i32
    %dma_wait3A_53 = tpu.memref_slice %arg7[%dma_wait3A_51, %dma_wait3A_52] : memref<80x128xi32, #tpu.memory_space<vmem>> -> memref<1x128xi32, #tpu.memory_space<vmem>>
    %dma_wait3A_54 = tpu.memref_squeeze %dma_wait3A_53 : memref<1x128xi32, #tpu.memory_space<vmem>> -> memref<128xi32, #tpu.memory_space<vmem>>
    %dma_wait3A_55 = arith.constant 0 : i32
    %dma_wait3A_56 = arith.constant 0 : i32
    %dma_wait3A_57 = tpu.memref_slice %arg6[%dma_wait3A_55, %dma_wait3A_56] : memref<10240x16xf32, #tpu.memory_space<vmem_shared>> -> memref<10240x16xf32, #tpu.memory_space<vmem_shared>>
    tpu.wait_indirect_dma semaphore(%arg9 : memref<!tpu.dma_semaphore, #tpu.memory_space<semaphore_mem>>) src(%arg8 : memref<128x16xf32, #tpu.memory_space<vmem>>) dst(%dma_wait3A_57 : memref<10240x16xf32, #tpu.memory_space<vmem_shared>>)
    %dma_wait3A_58 = arith.constant 0 : i32
    %dma_wait3A_59 = arith.constant 0 : i32
    %dma_wait3A_60 = tpu.memref_slice %arg7[%dma_wait3A_58, %dma_wait3A_59] : memref<80x128xi32, #tpu.memory_space<vmem>> -> memref<1x128xi32, #tpu.memory_space<vmem>>
    %dma_wait3A_61 = tpu.memref_squeeze %dma_wait3A_60 : memref<1x128xi32, #tpu.memory_space<vmem>> -> memref<128xi32, #tpu.memory_space<vmem>>
    %dma_wait3A_62 = arith.constant 0 : i32
    %dma_wait3A_63 = arith.constant 0 : i32
    %dma_wait3A_64 = tpu.memref_slice %arg6[%dma_wait3A_62, %dma_wait3A_63] : memref<10240x16xf32, #tpu.memory_space<vmem_shared>> -> memref<10240x16xf32, #tpu.memory_space<vmem_shared>>
    tpu.wait_indirect_dma semaphore(%arg9 : memref<!tpu.dma_semaphore, #tpu.memory_space<semaphore_mem>>) src(%arg8 : memref<128x16xf32, #tpu.memory_space<vmem>>) dst(%dma_wait3A_64 : memref<10240x16xf32, #tpu.memory_space<vmem_shared>>)
    %barrier3A_65 = arith.constant 0 : index
    tpu.barrier barrier_id(%barrier3A_65)
    %mul3A_66 = arith.constant 640 : i32
    %mul3A_67 = arith.muli %arg1, %mul3A_66 : i32
    %mul3A_68 = arith.constant 640 : i32
    %mul3A_69 = arith.muli %arg1, %mul3A_68 : i32
    "tpu.region"() ({
      %run_scoped3A = tpu.sem_alloc : memref<!tpu.dma_semaphore, #tpu.memory_space<semaphore_mem>>
      %dma_start3A_70 = arith.constant 0 : i32
      %dma_start3A_71 = tpu.memref_slice %arg5[%arg0, %mul3A_69, %dma_start3A_70] : memref<2x10240x16xf32, #tpu.memory_space<hbm>> -> memref<1x640x16xf32, #tpu.memory_space<hbm>>
      %dma_start3A_72 = tpu.memref_squeeze %dma_start3A_71 : memref<1x640x16xf32, #tpu.memory_space<hbm>> -> memref<640x16xf32, #tpu.memory_space<hbm>>
      %dma_start3A_73 = arith.constant 0 : i32
      %dma_start3A_74 = tpu.memref_slice %arg6[%mul3A_67, %dma_start3A_73] : memref<10240x16xf32, #tpu.memory_space<vmem_shared>> -> memref<640x16xf32, #tpu.memory_space<vmem_shared>>
      tpu.enqueue_dma source(%dma_start3A_74 : memref<640x16xf32, #tpu.memory_space<vmem_shared>>) target(%dma_start3A_72 : memref<640x16xf32, #tpu.memory_space<hbm>>) target_semaphore(%run_scoped3A : memref<!tpu.dma_semaphore, #tpu.memory_space<semaphore_mem>>)
      %dma_wait3A_75 = arith.constant 0 : i32
      %dma_wait3A_76 = tpu.memref_slice %arg5[%arg0, %mul3A_69, %dma_wait3A_75] : memref<2x10240x16xf32, #tpu.memory_space<hbm>> -> memref<1x640x16xf32, #tpu.memory_space<hbm>>
      %dma_wait3A_77 = tpu.memref_squeeze %dma_wait3A_76 : memref<1x640x16xf32, #tpu.memory_space<hbm>> -> memref<640x16xf32, #tpu.memory_space<hbm>>
      %dma_wait3A_78 = arith.constant 0 : i32
      %dma_wait3A_79 = tpu.memref_slice %arg6[%mul3A_67, %dma_wait3A_78] : memref<10240x16xf32, #tpu.memory_space<vmem_shared>> -> memref<640x16xf32, #tpu.memory_space<vmem_shared>>
      tpu.wait_dma2 semaphore(%run_scoped3A : memref<!tpu.dma_semaphore, #tpu.memory_space<semaphore_mem>>) src(%dma_wait3A_79 : memref<640x16xf32, #tpu.memory_space<vmem_shared>>) dst(%dma_wait3A_77 : memref<640x16xf32, #tpu.memory_space<hbm>>)
      tpu.yield
    }) : () -> ()
    return
  }
}

#map = affine_map<(d0, d1) -> (0, 0)>
#map1 = affine_map<(d0, d1) -> (0, 0, 0)>
module attributes {stable_mosaic.version = 14 : i64} {
  func.func @_hop_body(%arg0: i32, %arg1: i32, %arg2: memref<10240x64xf32, #tpu.memory_space<hbm>>, %arg3: memref<32x80x128xi32, #tpu.memory_space<hbm>>, %arg4: memref<32x80x128xi32, #tpu.memory_space<hbm>>, %arg5: memref<2x10240x64xf32, #tpu.memory_space<hbm>>, %arg6: memref<10240x64xf32, #tpu.memory_space<vmem_shared>>, %arg7: memref<80x128xi32, #tpu.memory_space<vmem>>, %arg8: memref<80x128xi32, #tpu.memory_space<vmem>>, %arg9: memref<512x64xf32, #tpu.memory_space<vmem>>, %arg10: memref<512x64xf32, #tpu.memory_space<vmem>>, %arg11: memref<!tpu.dma_semaphore, #tpu.memory_space<semaphore_mem>>, %arg12: memref<!tpu.dma_semaphore, #tpu.memory_space<semaphore_mem>>, %arg13: memref<!tpu.dma_semaphore, #tpu.memory_space<semaphore_mem>>, %arg14: memref<!tpu.dma_semaphore, #tpu.memory_space<semaphore_mem>>) attributes {dimension_semantics = [#tpu.dimension_semantics<core_parallel>, #tpu.dimension_semantics<subcore_parallel>], iteration_bounds = array<i64: 2, 16>, scalar_prefetch = 0 : i64, scratch_operands = 9 : i64, tpu.core_type = #tpu.core_type<sc_vector_subcore>, window_params = [{transform_indices = #map}, {transform_indices = #map1}, {transform_indices = #map1}, {transform_indices = #map1}]} {
    %mul3A = arith.constant 16 : i32
    %mul3A_0 = arith.muli %arg0, %mul3A : i32
    %add3A = arith.addi %mul3A_0, %arg1 : i32
    %mul3A_1 = arith.constant 640 : i32
    %mul3A_2 = arith.muli %arg1, %mul3A_1 : i32
    %mul3A_3 = arith.constant 640 : i32
    %mul3A_4 = arith.muli %arg1, %mul3A_3 : i32
    "tpu.region"() ({
      %run_scoped3A = tpu.sem_alloc : memref<!tpu.dma_semaphore, #tpu.memory_space<semaphore_mem>>
      %dma_start3A_334 = arith.constant 0 : i32
      %dma_start3A_335 = tpu.memref_slice %arg6[%mul3A_4, %dma_start3A_334] : memref<10240x64xf32, #tpu.memory_space<vmem_shared>> -> memref<640x64xf32, #tpu.memory_space<vmem_shared>>
      %dma_start3A_336 = arith.constant 0 : i32
      %dma_start3A_337 = tpu.memref_slice %arg2[%mul3A_2, %dma_start3A_336] : memref<10240x64xf32, #tpu.memory_space<hbm>> -> memref<640x64xf32, #tpu.memory_space<hbm>>
      tpu.enqueue_dma source(%dma_start3A_337 : memref<640x64xf32, #tpu.memory_space<hbm>>) target(%dma_start3A_335 : memref<640x64xf32, #tpu.memory_space<vmem_shared>>) target_semaphore(%run_scoped3A : memref<!tpu.dma_semaphore, #tpu.memory_space<semaphore_mem>>)
      %dma_wait3A_338 = arith.constant 0 : i32
      %dma_wait3A_339 = tpu.memref_slice %arg6[%mul3A_4, %dma_wait3A_338] : memref<10240x64xf32, #tpu.memory_space<vmem_shared>> -> memref<640x64xf32, #tpu.memory_space<vmem_shared>>
      %dma_wait3A_340 = arith.constant 0 : i32
      %dma_wait3A_341 = tpu.memref_slice %arg2[%mul3A_2, %dma_wait3A_340] : memref<10240x64xf32, #tpu.memory_space<hbm>> -> memref<640x64xf32, #tpu.memory_space<hbm>>
      tpu.wait_dma2 semaphore(%run_scoped3A : memref<!tpu.dma_semaphore, #tpu.memory_space<semaphore_mem>>) src(%dma_wait3A_341 : memref<640x64xf32, #tpu.memory_space<hbm>>) dst(%dma_wait3A_339 : memref<640x64xf32, #tpu.memory_space<vmem_shared>>)
      tpu.yield
    }) : () -> ()
    "tpu.region"() ({
      %run_scoped3A = tpu.sem_alloc : memref<!tpu.dma_semaphore, #tpu.memory_space<semaphore_mem>>
      %dma_start3A_334 = arith.constant 0 : i32
      %dma_start3A_335 = arith.constant 0 : i32
      %dma_start3A_336 = tpu.memref_slice %arg3[%add3A, %dma_start3A_334, %dma_start3A_335] : memref<32x80x128xi32, #tpu.memory_space<hbm>> -> memref<1x80x128xi32, #tpu.memory_space<hbm>>
      %dma_start3A_337 = tpu.memref_squeeze %dma_start3A_336 : memref<1x80x128xi32, #tpu.memory_space<hbm>> -> memref<80x128xi32, #tpu.memory_space<hbm>>
      %dma_start3A_338 = arith.constant 0 : i32
      %dma_start3A_339 = arith.constant 0 : i32
      %dma_start3A_340 = tpu.memref_slice %arg3[%add3A, %dma_start3A_338, %dma_start3A_339] : memref<32x80x128xi32, #tpu.memory_space<hbm>> -> memref<1x80x128xi32, #tpu.memory_space<hbm>>
      %dma_start3A_341 = tpu.memref_squeeze %dma_start3A_340 : memref<1x80x128xi32, #tpu.memory_space<hbm>> -> memref<80x128xi32, #tpu.memory_space<hbm>>
      tpu.enqueue_dma source(%dma_start3A_341 : memref<80x128xi32, #tpu.memory_space<hbm>>) target(%arg7 : memref<80x128xi32, #tpu.memory_space<vmem>>) target_semaphore(%run_scoped3A : memref<!tpu.dma_semaphore, #tpu.memory_space<semaphore_mem>>)
      %dma_wait3A_342 = arith.constant 0 : i32
      %dma_wait3A_343 = arith.constant 0 : i32
      %dma_wait3A_344 = tpu.memref_slice %arg3[%add3A, %dma_wait3A_342, %dma_wait3A_343] : memref<32x80x128xi32, #tpu.memory_space<hbm>> -> memref<1x80x128xi32, #tpu.memory_space<hbm>>
      %dma_wait3A_345 = tpu.memref_squeeze %dma_wait3A_344 : memref<1x80x128xi32, #tpu.memory_space<hbm>> -> memref<80x128xi32, #tpu.memory_space<hbm>>
      %dma_wait3A_346 = arith.constant 0 : i32
      %dma_wait3A_347 = arith.constant 0 : i32
      %dma_wait3A_348 = tpu.memref_slice %arg3[%add3A, %dma_wait3A_346, %dma_wait3A_347] : memref<32x80x128xi32, #tpu.memory_space<hbm>> -> memref<1x80x128xi32, #tpu.memory_space<hbm>>
      %dma_wait3A_349 = tpu.memref_squeeze %dma_wait3A_348 : memref<1x80x128xi32, #tpu.memory_space<hbm>> -> memref<80x128xi32, #tpu.memory_space<hbm>>
      tpu.wait_dma2 semaphore(%run_scoped3A : memref<!tpu.dma_semaphore, #tpu.memory_space<semaphore_mem>>) src(%dma_wait3A_349 : memref<80x128xi32, #tpu.memory_space<hbm>>) dst(%arg7 : memref<80x128xi32, #tpu.memory_space<vmem>>)
      tpu.yield
    }) : () -> ()
    "tpu.region"() ({
      %run_scoped3A = tpu.sem_alloc : memref<!tpu.dma_semaphore, #tpu.memory_space<semaphore_mem>>
      %dma_start3A_334 = arith.constant 0 : i32
      %dma_start3A_335 = arith.constant 0 : i32
      %dma_start3A_336 = tpu.memref_slice %arg4[%add3A, %dma_start3A_334, %dma_start3A_335] : memref<32x80x128xi32, #tpu.memory_space<hbm>> -> memref<1x80x128xi32, #tpu.memory_space<hbm>>
      %dma_start3A_337 = tpu.memref_squeeze %dma_start3A_336 : memref<1x80x128xi32, #tpu.memory_space<hbm>> -> memref<80x128xi32, #tpu.memory_space<hbm>>
      %dma_start3A_338 = arith.constant 0 : i32
      %dma_start3A_339 = arith.constant 0 : i32
      %dma_start3A_340 = tpu.memref_slice %arg4[%add3A, %dma_start3A_338, %dma_start3A_339] : memref<32x80x128xi32, #tpu.memory_space<hbm>> -> memref<1x80x128xi32, #tpu.memory_space<hbm>>
      %dma_start3A_341 = tpu.memref_squeeze %dma_start3A_340 : memref<1x80x128xi32, #tpu.memory_space<hbm>> -> memref<80x128xi32, #tpu.memory_space<hbm>>
      tpu.enqueue_dma source(%dma_start3A_341 : memref<80x128xi32, #tpu.memory_space<hbm>>) target(%arg8 : memref<80x128xi32, #tpu.memory_space<vmem>>) target_semaphore(%run_scoped3A : memref<!tpu.dma_semaphore, #tpu.memory_space<semaphore_mem>>)
      %dma_wait3A_342 = arith.constant 0 : i32
      %dma_wait3A_343 = arith.constant 0 : i32
      %dma_wait3A_344 = tpu.memref_slice %arg4[%add3A, %dma_wait3A_342, %dma_wait3A_343] : memref<32x80x128xi32, #tpu.memory_space<hbm>> -> memref<1x80x128xi32, #tpu.memory_space<hbm>>
      %dma_wait3A_345 = tpu.memref_squeeze %dma_wait3A_344 : memref<1x80x128xi32, #tpu.memory_space<hbm>> -> memref<80x128xi32, #tpu.memory_space<hbm>>
      %dma_wait3A_346 = arith.constant 0 : i32
      %dma_wait3A_347 = arith.constant 0 : i32
      %dma_wait3A_348 = tpu.memref_slice %arg4[%add3A, %dma_wait3A_346, %dma_wait3A_347] : memref<32x80x128xi32, #tpu.memory_space<hbm>> -> memref<1x80x128xi32, #tpu.memory_space<hbm>>
      %dma_wait3A_349 = tpu.memref_squeeze %dma_wait3A_348 : memref<1x80x128xi32, #tpu.memory_space<hbm>> -> memref<80x128xi32, #tpu.memory_space<hbm>>
      tpu.wait_dma2 semaphore(%run_scoped3A : memref<!tpu.dma_semaphore, #tpu.memory_space<semaphore_mem>>) src(%dma_wait3A_349 : memref<80x128xi32, #tpu.memory_space<hbm>>) dst(%arg8 : memref<80x128xi32, #tpu.memory_space<vmem>>)
      tpu.yield
    }) : () -> ()
    %barrier3A = arith.constant 0 : index
    tpu.barrier barrier_id(%barrier3A)
    %dma_start3A = arith.constant 0 : i32
    %dma_start3A_5 = arith.constant 0 : i32
    %dma_start3A_6 = arith.constant 0 : i32
    %dma_start3A_7 = tpu.memref_slice %arg9[%dma_start3A_5, %dma_start3A_6] : memref<512x64xf32, #tpu.memory_space<vmem>> -> memref<128x64xf32, #tpu.memory_space<vmem>>
    %dma_start3A_8 = arith.constant 0 : i32
    %dma_start3A_9 = tpu.memref_slice %arg7[%dma_start3A, %dma_start3A_8] : memref<80x128xi32, #tpu.memory_space<vmem>> -> memref<1x128xi32, #tpu.memory_space<vmem>>
    %dma_start3A_10 = tpu.memref_squeeze %dma_start3A_9 : memref<1x128xi32, #tpu.memory_space<vmem>> -> memref<128xi32, #tpu.memory_space<vmem>>
    %dma_start3A_11 = arith.constant 0 : i32
    %dma_start3A_12 = arith.constant 0 : i32
    %dma_start3A_13 = tpu.memref_slice %arg2[%dma_start3A_11, %dma_start3A_12] : memref<10240x64xf32, #tpu.memory_space<hbm>> -> memref<10240x64xf32, #tpu.memory_space<hbm>>
    tpu.enqueue_indirect_dma source(%dma_start3A_13 : memref<10240x64xf32, #tpu.memory_space<hbm>>) target(%dma_start3A_7 : memref<128x64xf32, #tpu.memory_space<vmem>>) offsets(%dma_start3A_10 : memref<128xi32, #tpu.memory_space<vmem>>) semaphore(%arg11 : memref<!tpu.dma_semaphore, #tpu.memory_space<semaphore_mem>>)
    %dma_start3A_14 = arith.constant 1 : i32
    %dma_start3A_15 = arith.constant 128 : i32
    %dma_start3A_16 = arith.constant 0 : i32
    %dma_start3A_17 = tpu.memref_slice %arg9[%dma_start3A_15, %dma_start3A_16] : memref<512x64xf32, #tpu.memory_space<vmem>> -> memref<128x64xf32, #tpu.memory_space<vmem>>
    %dma_start3A_18 = arith.constant 0 : i32
    %dma_start3A_19 = tpu.memref_slice %arg7[%dma_start3A_14, %dma_start3A_18] : memref<80x128xi32, #tpu.memory_space<vmem>> -> memref<1x128xi32, #tpu.memory_space<vmem>>
    %dma_start3A_20 = tpu.memref_squeeze %dma_start3A_19 : memref<1x128xi32, #tpu.memory_space<vmem>> -> memref<128xi32, #tpu.memory_space<vmem>>
    %dma_start3A_21 = arith.constant 0 : i32
    %dma_start3A_22 = arith.constant 0 : i32
    %dma_start3A_23 = tpu.memref_slice %arg2[%dma_start3A_21, %dma_start3A_22] : memref<10240x64xf32, #tpu.memory_space<hbm>> -> memref<10240x64xf32, #tpu.memory_space<hbm>>
    tpu.enqueue_indirect_dma source(%dma_start3A_23 : memref<10240x64xf32, #tpu.memory_space<hbm>>) target(%dma_start3A_17 : memref<128x64xf32, #tpu.memory_space<vmem>>) offsets(%dma_start3A_20 : memref<128xi32, #tpu.memory_space<vmem>>) semaphore(%arg11 : memref<!tpu.dma_semaphore, #tpu.memory_space<semaphore_mem>>)
    %dma_start3A_24 = arith.constant 2 : i32
    %dma_start3A_25 = arith.constant 256 : i32
    %dma_start3A_26 = arith.constant 0 : i32
    %dma_start3A_27 = tpu.memref_slice %arg9[%dma_start3A_25, %dma_start3A_26] : memref<512x64xf32, #tpu.memory_space<vmem>> -> memref<128x64xf32, #tpu.memory_space<vmem>>
    %dma_start3A_28 = arith.constant 0 : i32
    %dma_start3A_29 = tpu.memref_slice %arg7[%dma_start3A_24, %dma_start3A_28] : memref<80x128xi32, #tpu.memory_space<vmem>> -> memref<1x128xi32, #tpu.memory_space<vmem>>
    %dma_start3A_30 = tpu.memref_squeeze %dma_start3A_29 : memref<1x128xi32, #tpu.memory_space<vmem>> -> memref<128xi32, #tpu.memory_space<vmem>>
    %dma_start3A_31 = arith.constant 0 : i32
    %dma_start3A_32 = arith.constant 0 : i32
    %dma_start3A_33 = tpu.memref_slice %arg2[%dma_start3A_31, %dma_start3A_32] : memref<10240x64xf32, #tpu.memory_space<hbm>> -> memref<10240x64xf32, #tpu.memory_space<hbm>>
    tpu.enqueue_indirect_dma source(%dma_start3A_33 : memref<10240x64xf32, #tpu.memory_space<hbm>>) target(%dma_start3A_27 : memref<128x64xf32, #tpu.memory_space<vmem>>) offsets(%dma_start3A_30 : memref<128xi32, #tpu.memory_space<vmem>>) semaphore(%arg11 : memref<!tpu.dma_semaphore, #tpu.memory_space<semaphore_mem>>)
    %dma_start3A_34 = arith.constant 3 : i32
    %dma_start3A_35 = arith.constant 384 : i32
    %dma_start3A_36 = arith.constant 0 : i32
    %dma_start3A_37 = tpu.memref_slice %arg9[%dma_start3A_35, %dma_start3A_36] : memref<512x64xf32, #tpu.memory_space<vmem>> -> memref<128x64xf32, #tpu.memory_space<vmem>>
    %dma_start3A_38 = arith.constant 0 : i32
    %dma_start3A_39 = tpu.memref_slice %arg7[%dma_start3A_34, %dma_start3A_38] : memref<80x128xi32, #tpu.memory_space<vmem>> -> memref<1x128xi32, #tpu.memory_space<vmem>>
    %dma_start3A_40 = tpu.memref_squeeze %dma_start3A_39 : memref<1x128xi32, #tpu.memory_space<vmem>> -> memref<128xi32, #tpu.memory_space<vmem>>
    %dma_start3A_41 = arith.constant 0 : i32
    %dma_start3A_42 = arith.constant 0 : i32
    %dma_start3A_43 = tpu.memref_slice %arg2[%dma_start3A_41, %dma_start3A_42] : memref<10240x64xf32, #tpu.memory_space<hbm>> -> memref<10240x64xf32, #tpu.memory_space<hbm>>
    tpu.enqueue_indirect_dma source(%dma_start3A_43 : memref<10240x64xf32, #tpu.memory_space<hbm>>) target(%dma_start3A_37 : memref<128x64xf32, #tpu.memory_space<vmem>>) offsets(%dma_start3A_40 : memref<128xi32, #tpu.memory_space<vmem>>) semaphore(%arg11 : memref<!tpu.dma_semaphore, #tpu.memory_space<semaphore_mem>>)
    %dma_wait3A = arith.constant 0 : i32
    %dma_wait3A_44 = arith.constant 0 : i32
    %dma_wait3A_45 = arith.constant 0 : i32
    %dma_wait3A_46 = tpu.memref_slice %arg9[%dma_wait3A_44, %dma_wait3A_45] : memref<512x64xf32, #tpu.memory_space<vmem>> -> memref<128x64xf32, #tpu.memory_space<vmem>>
    %dma_wait3A_47 = arith.constant 0 : i32
    %dma_wait3A_48 = tpu.memref_slice %arg7[%dma_wait3A, %dma_wait3A_47] : memref<80x128xi32, #tpu.memory_space<vmem>> -> memref<1x128xi32, #tpu.memory_space<vmem>>
    %dma_wait3A_49 = tpu.memref_squeeze %dma_wait3A_48 : memref<1x128xi32, #tpu.memory_space<vmem>> -> memref<128xi32, #tpu.memory_space<vmem>>
    %dma_wait3A_50 = arith.constant 0 : i32
    %dma_wait3A_51 = arith.constant 0 : i32
    %dma_wait3A_52 = tpu.memref_slice %arg2[%dma_wait3A_50, %dma_wait3A_51] : memref<10240x64xf32, #tpu.memory_space<hbm>> -> memref<10240x64xf32, #tpu.memory_space<hbm>>
    tpu.wait_indirect_dma semaphore(%arg11 : memref<!tpu.dma_semaphore, #tpu.memory_space<semaphore_mem>>) src(%dma_wait3A_52 : memref<10240x64xf32, #tpu.memory_space<hbm>>) dst(%dma_wait3A_46 : memref<128x64xf32, #tpu.memory_space<vmem>>)
    %dma_wait3A_53 = arith.constant 0 : i32
    %dma_wait3A_54 = arith.constant 128 : i32
    %dma_wait3A_55 = arith.constant 0 : i32
    %dma_wait3A_56 = tpu.memref_slice %arg9[%dma_wait3A_54, %dma_wait3A_55] : memref<512x64xf32, #tpu.memory_space<vmem>> -> memref<128x64xf32, #tpu.memory_space<vmem>>
    %dma_wait3A_57 = arith.constant 0 : i32
    %dma_wait3A_58 = tpu.memref_slice %arg7[%dma_wait3A_53, %dma_wait3A_57] : memref<80x128xi32, #tpu.memory_space<vmem>> -> memref<1x128xi32, #tpu.memory_space<vmem>>
    %dma_wait3A_59 = tpu.memref_squeeze %dma_wait3A_58 : memref<1x128xi32, #tpu.memory_space<vmem>> -> memref<128xi32, #tpu.memory_space<vmem>>
    %dma_wait3A_60 = arith.constant 0 : i32
    %dma_wait3A_61 = arith.constant 0 : i32
    %dma_wait3A_62 = tpu.memref_slice %arg2[%dma_wait3A_60, %dma_wait3A_61] : memref<10240x64xf32, #tpu.memory_space<hbm>> -> memref<10240x64xf32, #tpu.memory_space<hbm>>
    tpu.wait_indirect_dma semaphore(%arg11 : memref<!tpu.dma_semaphore, #tpu.memory_space<semaphore_mem>>) src(%dma_wait3A_62 : memref<10240x64xf32, #tpu.memory_space<hbm>>) dst(%dma_wait3A_56 : memref<128x64xf32, #tpu.memory_space<vmem>>)
    %dma_wait3A_63 = arith.constant 0 : i32
    %dma_wait3A_64 = arith.constant 256 : i32
    %dma_wait3A_65 = arith.constant 0 : i32
    %dma_wait3A_66 = tpu.memref_slice %arg9[%dma_wait3A_64, %dma_wait3A_65] : memref<512x64xf32, #tpu.memory_space<vmem>> -> memref<128x64xf32, #tpu.memory_space<vmem>>
    %dma_wait3A_67 = arith.constant 0 : i32
    %dma_wait3A_68 = tpu.memref_slice %arg7[%dma_wait3A_63, %dma_wait3A_67] : memref<80x128xi32, #tpu.memory_space<vmem>> -> memref<1x128xi32, #tpu.memory_space<vmem>>
    %dma_wait3A_69 = tpu.memref_squeeze %dma_wait3A_68 : memref<1x128xi32, #tpu.memory_space<vmem>> -> memref<128xi32, #tpu.memory_space<vmem>>
    %dma_wait3A_70 = arith.constant 0 : i32
    %dma_wait3A_71 = arith.constant 0 : i32
    %dma_wait3A_72 = tpu.memref_slice %arg2[%dma_wait3A_70, %dma_wait3A_71] : memref<10240x64xf32, #tpu.memory_space<hbm>> -> memref<10240x64xf32, #tpu.memory_space<hbm>>
    tpu.wait_indirect_dma semaphore(%arg11 : memref<!tpu.dma_semaphore, #tpu.memory_space<semaphore_mem>>) src(%dma_wait3A_72 : memref<10240x64xf32, #tpu.memory_space<hbm>>) dst(%dma_wait3A_66 : memref<128x64xf32, #tpu.memory_space<vmem>>)
    %dma_wait3A_73 = arith.constant 0 : i32
    %dma_wait3A_74 = arith.constant 384 : i32
    %dma_wait3A_75 = arith.constant 0 : i32
    %dma_wait3A_76 = tpu.memref_slice %arg9[%dma_wait3A_74, %dma_wait3A_75] : memref<512x64xf32, #tpu.memory_space<vmem>> -> memref<128x64xf32, #tpu.memory_space<vmem>>
    %dma_wait3A_77 = arith.constant 0 : i32
    %dma_wait3A_78 = tpu.memref_slice %arg7[%dma_wait3A_73, %dma_wait3A_77] : memref<80x128xi32, #tpu.memory_space<vmem>> -> memref<1x128xi32, #tpu.memory_space<vmem>>
    %dma_wait3A_79 = tpu.memref_squeeze %dma_wait3A_78 : memref<1x128xi32, #tpu.memory_space<vmem>> -> memref<128xi32, #tpu.memory_space<vmem>>
    %dma_wait3A_80 = arith.constant 0 : i32
    %dma_wait3A_81 = arith.constant 0 : i32
    %dma_wait3A_82 = tpu.memref_slice %arg2[%dma_wait3A_80, %dma_wait3A_81] : memref<10240x64xf32, #tpu.memory_space<hbm>> -> memref<10240x64xf32, #tpu.memory_space<hbm>>
    tpu.wait_indirect_dma semaphore(%arg11 : memref<!tpu.dma_semaphore, #tpu.memory_space<semaphore_mem>>) src(%dma_wait3A_82 : memref<10240x64xf32, #tpu.memory_space<hbm>>) dst(%dma_wait3A_76 : memref<128x64xf32, #tpu.memory_space<vmem>>)
    %dma_start3A_83 = arith.constant 0 : i32
    %dma_start3A_84 = arith.constant 0 : i32
    %dma_start3A_85 = arith.constant 0 : i32
    %dma_start3A_86 = tpu.memref_slice %arg9[%dma_start3A_84, %dma_start3A_85] : memref<512x64xf32, #tpu.memory_space<vmem>> -> memref<128x64xf32, #tpu.memory_space<vmem>>
    %dma_start3A_87 = arith.constant 0 : i32
    %dma_start3A_88 = tpu.memref_slice %arg8[%dma_start3A_83, %dma_start3A_87] : memref<80x128xi32, #tpu.memory_space<vmem>> -> memref<1x128xi32, #tpu.memory_space<vmem>>
    %dma_start3A_89 = tpu.memref_squeeze %dma_start3A_88 : memref<1x128xi32, #tpu.memory_space<vmem>> -> memref<128xi32, #tpu.memory_space<vmem>>
    %dma_start3A_90 = arith.constant 0 : i32
    %dma_start3A_91 = arith.constant 0 : i32
    %dma_start3A_92 = tpu.memref_slice %arg6[%dma_start3A_90, %dma_start3A_91] : memref<10240x64xf32, #tpu.memory_space<vmem_shared>> -> memref<10240x64xf32, #tpu.memory_space<vmem_shared>>
    tpu.enqueue_indirect_dma source(%dma_start3A_86 : memref<128x64xf32, #tpu.memory_space<vmem>>) target(%dma_start3A_92 : memref<10240x64xf32, #tpu.memory_space<vmem_shared>>) offsets(%dma_start3A_89 : memref<128xi32, #tpu.memory_space<vmem>>) semaphore(%arg13 : memref<!tpu.dma_semaphore, #tpu.memory_space<semaphore_mem>>) {add = true}
    %dma_start3A_93 = arith.constant 1 : i32
    %dma_start3A_94 = arith.constant 128 : i32
    %dma_start3A_95 = arith.constant 0 : i32
    %dma_start3A_96 = tpu.memref_slice %arg9[%dma_start3A_94, %dma_start3A_95] : memref<512x64xf32, #tpu.memory_space<vmem>> -> memref<128x64xf32, #tpu.memory_space<vmem>>
    %dma_start3A_97 = arith.constant 0 : i32
    %dma_start3A_98 = tpu.memref_slice %arg8[%dma_start3A_93, %dma_start3A_97] : memref<80x128xi32, #tpu.memory_space<vmem>> -> memref<1x128xi32, #tpu.memory_space<vmem>>
    %dma_start3A_99 = tpu.memref_squeeze %dma_start3A_98 : memref<1x128xi32, #tpu.memory_space<vmem>> -> memref<128xi32, #tpu.memory_space<vmem>>
    %dma_start3A_100 = arith.constant 0 : i32
    %dma_start3A_101 = arith.constant 0 : i32
    %dma_start3A_102 = tpu.memref_slice %arg6[%dma_start3A_100, %dma_start3A_101] : memref<10240x64xf32, #tpu.memory_space<vmem_shared>> -> memref<10240x64xf32, #tpu.memory_space<vmem_shared>>
    tpu.enqueue_indirect_dma source(%dma_start3A_96 : memref<128x64xf32, #tpu.memory_space<vmem>>) target(%dma_start3A_102 : memref<10240x64xf32, #tpu.memory_space<vmem_shared>>) offsets(%dma_start3A_99 : memref<128xi32, #tpu.memory_space<vmem>>) semaphore(%arg13 : memref<!tpu.dma_semaphore, #tpu.memory_space<semaphore_mem>>) {add = true}
    %dma_start3A_103 = arith.constant 2 : i32
    %dma_start3A_104 = arith.constant 256 : i32
    %dma_start3A_105 = arith.constant 0 : i32
    %dma_start3A_106 = tpu.memref_slice %arg9[%dma_start3A_104, %dma_start3A_105] : memref<512x64xf32, #tpu.memory_space<vmem>> -> memref<128x64xf32, #tpu.memory_space<vmem>>
    %dma_start3A_107 = arith.constant 0 : i32
    %dma_start3A_108 = tpu.memref_slice %arg8[%dma_start3A_103, %dma_start3A_107] : memref<80x128xi32, #tpu.memory_space<vmem>> -> memref<1x128xi32, #tpu.memory_space<vmem>>
    %dma_start3A_109 = tpu.memref_squeeze %dma_start3A_108 : memref<1x128xi32, #tpu.memory_space<vmem>> -> memref<128xi32, #tpu.memory_space<vmem>>
    %dma_start3A_110 = arith.constant 0 : i32
    %dma_start3A_111 = arith.constant 0 : i32
    %dma_start3A_112 = tpu.memref_slice %arg6[%dma_start3A_110, %dma_start3A_111] : memref<10240x64xf32, #tpu.memory_space<vmem_shared>> -> memref<10240x64xf32, #tpu.memory_space<vmem_shared>>
    tpu.enqueue_indirect_dma source(%dma_start3A_106 : memref<128x64xf32, #tpu.memory_space<vmem>>) target(%dma_start3A_112 : memref<10240x64xf32, #tpu.memory_space<vmem_shared>>) offsets(%dma_start3A_109 : memref<128xi32, #tpu.memory_space<vmem>>) semaphore(%arg13 : memref<!tpu.dma_semaphore, #tpu.memory_space<semaphore_mem>>) {add = true}
    %dma_start3A_113 = arith.constant 3 : i32
    %dma_start3A_114 = arith.constant 384 : i32
    %dma_start3A_115 = arith.constant 0 : i32
    %dma_start3A_116 = tpu.memref_slice %arg9[%dma_start3A_114, %dma_start3A_115] : memref<512x64xf32, #tpu.memory_space<vmem>> -> memref<128x64xf32, #tpu.memory_space<vmem>>
    %dma_start3A_117 = arith.constant 0 : i32
    %dma_start3A_118 = tpu.memref_slice %arg8[%dma_start3A_113, %dma_start3A_117] : memref<80x128xi32, #tpu.memory_space<vmem>> -> memref<1x128xi32, #tpu.memory_space<vmem>>
    %dma_start3A_119 = tpu.memref_squeeze %dma_start3A_118 : memref<1x128xi32, #tpu.memory_space<vmem>> -> memref<128xi32, #tpu.memory_space<vmem>>
    %dma_start3A_120 = arith.constant 0 : i32
    %dma_start3A_121 = arith.constant 0 : i32
    %dma_start3A_122 = tpu.memref_slice %arg6[%dma_start3A_120, %dma_start3A_121] : memref<10240x64xf32, #tpu.memory_space<vmem_shared>> -> memref<10240x64xf32, #tpu.memory_space<vmem_shared>>
    tpu.enqueue_indirect_dma source(%dma_start3A_116 : memref<128x64xf32, #tpu.memory_space<vmem>>) target(%dma_start3A_122 : memref<10240x64xf32, #tpu.memory_space<vmem_shared>>) offsets(%dma_start3A_119 : memref<128xi32, #tpu.memory_space<vmem>>) semaphore(%arg13 : memref<!tpu.dma_semaphore, #tpu.memory_space<semaphore_mem>>) {add = true}
    %dma_start3A_123 = arith.constant 4 : i32
    %dma_start3A_124 = arith.constant 0 : i32
    %dma_start3A_125 = arith.constant 0 : i32
    %dma_start3A_126 = tpu.memref_slice %arg10[%dma_start3A_124, %dma_start3A_125] : memref<512x64xf32, #tpu.memory_space<vmem>> -> memref<128x64xf32, #tpu.memory_space<vmem>>
    %dma_start3A_127 = arith.constant 0 : i32
    %dma_start3A_128 = tpu.memref_slice %arg7[%dma_start3A_123, %dma_start3A_127] : memref<80x128xi32, #tpu.memory_space<vmem>> -> memref<1x128xi32, #tpu.memory_space<vmem>>
    %dma_start3A_129 = tpu.memref_squeeze %dma_start3A_128 : memref<1x128xi32, #tpu.memory_space<vmem>> -> memref<128xi32, #tpu.memory_space<vmem>>
    %dma_start3A_130 = arith.constant 0 : i32
    %dma_start3A_131 = arith.constant 0 : i32
    %dma_start3A_132 = tpu.memref_slice %arg2[%dma_start3A_130, %dma_start3A_131] : memref<10240x64xf32, #tpu.memory_space<hbm>> -> memref<10240x64xf32, #tpu.memory_space<hbm>>
    tpu.enqueue_indirect_dma source(%dma_start3A_132 : memref<10240x64xf32, #tpu.memory_space<hbm>>) target(%dma_start3A_126 : memref<128x64xf32, #tpu.memory_space<vmem>>) offsets(%dma_start3A_129 : memref<128xi32, #tpu.memory_space<vmem>>) semaphore(%arg12 : memref<!tpu.dma_semaphore, #tpu.memory_space<semaphore_mem>>)
    %dma_start3A_133 = arith.constant 5 : i32
    %dma_start3A_134 = arith.constant 128 : i32
    %dma_start3A_135 = arith.constant 0 : i32
    %dma_start3A_136 = tpu.memref_slice %arg10[%dma_start3A_134, %dma_start3A_135] : memref<512x64xf32, #tpu.memory_space<vmem>> -> memref<128x64xf32, #tpu.memory_space<vmem>>
    %dma_start3A_137 = arith.constant 0 : i32
    %dma_start3A_138 = tpu.memref_slice %arg7[%dma_start3A_133, %dma_start3A_137] : memref<80x128xi32, #tpu.memory_space<vmem>> -> memref<1x128xi32, #tpu.memory_space<vmem>>
    %dma_start3A_139 = tpu.memref_squeeze %dma_start3A_138 : memref<1x128xi32, #tpu.memory_space<vmem>> -> memref<128xi32, #tpu.memory_space<vmem>>
    %dma_start3A_140 = arith.constant 0 : i32
    %dma_start3A_141 = arith.constant 0 : i32
    %dma_start3A_142 = tpu.memref_slice %arg2[%dma_start3A_140, %dma_start3A_141] : memref<10240x64xf32, #tpu.memory_space<hbm>> -> memref<10240x64xf32, #tpu.memory_space<hbm>>
    tpu.enqueue_indirect_dma source(%dma_start3A_142 : memref<10240x64xf32, #tpu.memory_space<hbm>>) target(%dma_start3A_136 : memref<128x64xf32, #tpu.memory_space<vmem>>) offsets(%dma_start3A_139 : memref<128xi32, #tpu.memory_space<vmem>>) semaphore(%arg12 : memref<!tpu.dma_semaphore, #tpu.memory_space<semaphore_mem>>)
    %dma_start3A_143 = arith.constant 6 : i32
    %dma_start3A_144 = arith.constant 256 : i32
    %dma_start3A_145 = arith.constant 0 : i32
    %dma_start3A_146 = tpu.memref_slice %arg10[%dma_start3A_144, %dma_start3A_145] : memref<512x64xf32, #tpu.memory_space<vmem>> -> memref<128x64xf32, #tpu.memory_space<vmem>>
    %dma_start3A_147 = arith.constant 0 : i32
    %dma_start3A_148 = tpu.memref_slice %arg7[%dma_start3A_143, %dma_start3A_147] : memref<80x128xi32, #tpu.memory_space<vmem>> -> memref<1x128xi32, #tpu.memory_space<vmem>>
    %dma_start3A_149 = tpu.memref_squeeze %dma_start3A_148 : memref<1x128xi32, #tpu.memory_space<vmem>> -> memref<128xi32, #tpu.memory_space<vmem>>
    %dma_start3A_150 = arith.constant 0 : i32
    %dma_start3A_151 = arith.constant 0 : i32
    %dma_start3A_152 = tpu.memref_slice %arg2[%dma_start3A_150, %dma_start3A_151] : memref<10240x64xf32, #tpu.memory_space<hbm>> -> memref<10240x64xf32, #tpu.memory_space<hbm>>
    tpu.enqueue_indirect_dma source(%dma_start3A_152 : memref<10240x64xf32, #tpu.memory_space<hbm>>) target(%dma_start3A_146 : memref<128x64xf32, #tpu.memory_space<vmem>>) offsets(%dma_start3A_149 : memref<128xi32, #tpu.memory_space<vmem>>) semaphore(%arg12 : memref<!tpu.dma_semaphore, #tpu.memory_space<semaphore_mem>>)
    %dma_start3A_153 = arith.constant 7 : i32
    %dma_start3A_154 = arith.constant 384 : i32
    %dma_start3A_155 = arith.constant 0 : i32
    %dma_start3A_156 = tpu.memref_slice %arg10[%dma_start3A_154, %dma_start3A_155] : memref<512x64xf32, #tpu.memory_space<vmem>> -> memref<128x64xf32, #tpu.memory_space<vmem>>
    %dma_start3A_157 = arith.constant 0 : i32
    %dma_start3A_158 = tpu.memref_slice %arg7[%dma_start3A_153, %dma_start3A_157] : memref<80x128xi32, #tpu.memory_space<vmem>> -> memref<1x128xi32, #tpu.memory_space<vmem>>
    %dma_start3A_159 = tpu.memref_squeeze %dma_start3A_158 : memref<1x128xi32, #tpu.memory_space<vmem>> -> memref<128xi32, #tpu.memory_space<vmem>>
    %dma_start3A_160 = arith.constant 0 : i32
    %dma_start3A_161 = arith.constant 0 : i32
    %dma_start3A_162 = tpu.memref_slice %arg2[%dma_start3A_160, %dma_start3A_161] : memref<10240x64xf32, #tpu.memory_space<hbm>> -> memref<10240x64xf32, #tpu.memory_space<hbm>>
    tpu.enqueue_indirect_dma source(%dma_start3A_162 : memref<10240x64xf32, #tpu.memory_space<hbm>>) target(%dma_start3A_156 : memref<128x64xf32, #tpu.memory_space<vmem>>) offsets(%dma_start3A_159 : memref<128xi32, #tpu.memory_space<vmem>>) semaphore(%arg12 : memref<!tpu.dma_semaphore, #tpu.memory_space<semaphore_mem>>)
    %scan3A = arith.constant 0 : i32
    %scan3A_163 = arith.constant 0 : i32
    %scan3A_164 = arith.constant 9 : i32
    %scan3A_165 = arith.addi %scan3A_163, %scan3A_164 : i32
    %scan3A_166 = arith.constant 1 : i32
    %scan3A_167 = scf.for %scan3A_334 = %scan3A_163 to %scan3A_165 step %scan3A_166 iter_args(%scan3A_335 = %scan3A) -> (i32)  : i32 {
      %mul3A_336 = arith.constant 2 : i32
      %mul3A_337 = arith.muli %mul3A_336, %scan3A_334 : i32
      %add3A_338 = arith.constant 1 : i32
      %add3A_339 = arith.addi %mul3A_337, %add3A_338 : i32
      %dma_wait3A_340 = arith.constant 0 : i32
      %dma_wait3A_341 = arith.constant 0 : i32
      %dma_wait3A_342 = arith.constant 0 : i32
      %dma_wait3A_343 = tpu.memref_slice %arg10[%dma_wait3A_341, %dma_wait3A_342] : memref<512x64xf32, #tpu.memory_space<vmem>> -> memref<128x64xf32, #tpu.memory_space<vmem>>
      %dma_wait3A_344 = arith.constant 0 : i32
      %dma_wait3A_345 = tpu.memref_slice %arg7[%dma_wait3A_340, %dma_wait3A_344] : memref<80x128xi32, #tpu.memory_space<vmem>> -> memref<1x128xi32, #tpu.memory_space<vmem>>
      %dma_wait3A_346 = tpu.memref_squeeze %dma_wait3A_345 : memref<1x128xi32, #tpu.memory_space<vmem>> -> memref<128xi32, #tpu.memory_space<vmem>>
      %dma_wait3A_347 = arith.constant 0 : i32
      %dma_wait3A_348 = arith.constant 0 : i32
      %dma_wait3A_349 = tpu.memref_slice %arg2[%dma_wait3A_347, %dma_wait3A_348] : memref<10240x64xf32, #tpu.memory_space<hbm>> -> memref<10240x64xf32, #tpu.memory_space<hbm>>
      tpu.wait_indirect_dma semaphore(%arg12 : memref<!tpu.dma_semaphore, #tpu.memory_space<semaphore_mem>>) src(%dma_wait3A_349 : memref<10240x64xf32, #tpu.memory_space<hbm>>) dst(%dma_wait3A_343 : memref<128x64xf32, #tpu.memory_space<vmem>>)
      %dma_wait3A_350 = arith.constant 0 : i32
      %dma_wait3A_351 = arith.constant 128 : i32
      %dma_wait3A_352 = arith.constant 0 : i32
      %dma_wait3A_353 = tpu.memref_slice %arg10[%dma_wait3A_351, %dma_wait3A_352] : memref<512x64xf32, #tpu.memory_space<vmem>> -> memref<128x64xf32, #tpu.memory_space<vmem>>
      %dma_wait3A_354 = arith.constant 0 : i32
      %dma_wait3A_355 = tpu.memref_slice %arg7[%dma_wait3A_350, %dma_wait3A_354] : memref<80x128xi32, #tpu.memory_space<vmem>> -> memref<1x128xi32, #tpu.memory_space<vmem>>
      %dma_wait3A_356 = tpu.memref_squeeze %dma_wait3A_355 : memref<1x128xi32, #tpu.memory_space<vmem>> -> memref<128xi32, #tpu.memory_space<vmem>>
      %dma_wait3A_357 = arith.constant 0 : i32
      %dma_wait3A_358 = arith.constant 0 : i32
      %dma_wait3A_359 = tpu.memref_slice %arg2[%dma_wait3A_357, %dma_wait3A_358] : memref<10240x64xf32, #tpu.memory_space<hbm>> -> memref<10240x64xf32, #tpu.memory_space<hbm>>
      tpu.wait_indirect_dma semaphore(%arg12 : memref<!tpu.dma_semaphore, #tpu.memory_space<semaphore_mem>>) src(%dma_wait3A_359 : memref<10240x64xf32, #tpu.memory_space<hbm>>) dst(%dma_wait3A_353 : memref<128x64xf32, #tpu.memory_space<vmem>>)
      %dma_wait3A_360 = arith.constant 0 : i32
      %dma_wait3A_361 = arith.constant 256 : i32
      %dma_wait3A_362 = arith.constant 0 : i32
      %dma_wait3A_363 = tpu.memref_slice %arg10[%dma_wait3A_361, %dma_wait3A_362] : memref<512x64xf32, #tpu.memory_space<vmem>> -> memref<128x64xf32, #tpu.memory_space<vmem>>
      %dma_wait3A_364 = arith.constant 0 : i32
      %dma_wait3A_365 = tpu.memref_slice %arg7[%dma_wait3A_360, %dma_wait3A_364] : memref<80x128xi32, #tpu.memory_space<vmem>> -> memref<1x128xi32, #tpu.memory_space<vmem>>
      %dma_wait3A_366 = tpu.memref_squeeze %dma_wait3A_365 : memref<1x128xi32, #tpu.memory_space<vmem>> -> memref<128xi32, #tpu.memory_space<vmem>>
      %dma_wait3A_367 = arith.constant 0 : i32
      %dma_wait3A_368 = arith.constant 0 : i32
      %dma_wait3A_369 = tpu.memref_slice %arg2[%dma_wait3A_367, %dma_wait3A_368] : memref<10240x64xf32, #tpu.memory_space<hbm>> -> memref<10240x64xf32, #tpu.memory_space<hbm>>
      tpu.wait_indirect_dma semaphore(%arg12 : memref<!tpu.dma_semaphore, #tpu.memory_space<semaphore_mem>>) src(%dma_wait3A_369 : memref<10240x64xf32, #tpu.memory_space<hbm>>) dst(%dma_wait3A_363 : memref<128x64xf32, #tpu.memory_space<vmem>>)
      %dma_wait3A_370 = arith.constant 0 : i32
      %dma_wait3A_371 = arith.constant 384 : i32
      %dma_wait3A_372 = arith.constant 0 : i32
      %dma_wait3A_373 = tpu.memref_slice %arg10[%dma_wait3A_371, %dma_wait3A_372] : memref<512x64xf32, #tpu.memory_space<vmem>> -> memref<128x64xf32, #tpu.memory_space<vmem>>
      %dma_wait3A_374 = arith.constant 0 : i32
      %dma_wait3A_375 = tpu.memref_slice %arg7[%dma_wait3A_370, %dma_wait3A_374] : memref<80x128xi32, #tpu.memory_space<vmem>> -> memref<1x128xi32, #tpu.memory_space<vmem>>
      %dma_wait3A_376 = tpu.memref_squeeze %dma_wait3A_375 : memref<1x128xi32, #tpu.memory_space<vmem>> -> memref<128xi32, #tpu.memory_space<vmem>>
      %dma_wait3A_377 = arith.constant 0 : i32
      %dma_wait3A_378 = arith.constant 0 : i32
      %dma_wait3A_379 = tpu.memref_slice %arg2[%dma_wait3A_377, %dma_wait3A_378] : memref<10240x64xf32, #tpu.memory_space<hbm>> -> memref<10240x64xf32, #tpu.memory_space<hbm>>
      tpu.wait_indirect_dma semaphore(%arg12 : memref<!tpu.dma_semaphore, #tpu.memory_space<semaphore_mem>>) src(%dma_wait3A_379 : memref<10240x64xf32, #tpu.memory_space<hbm>>) dst(%dma_wait3A_373 : memref<128x64xf32, #tpu.memory_space<vmem>>)
      %mul3A_380 = arith.constant 4 : i32
      %mul3A_381 = arith.muli %add3A_339, %mul3A_380 : i32
      %add3A_382 = arith.constant 0 : i32
      %add3A_383 = arith.addi %mul3A_381, %add3A_382 : i32
      %dma_start3A_384 = arith.constant 0 : i32
      %dma_start3A_385 = arith.constant 0 : i32
      %dma_start3A_386 = tpu.memref_slice %arg10[%dma_start3A_384, %dma_start3A_385] : memref<512x64xf32, #tpu.memory_space<vmem>> -> memref<128x64xf32, #tpu.memory_space<vmem>>
      %dma_start3A_387 = arith.constant 0 : i32
      %dma_start3A_388 = tpu.memref_slice %arg8[%add3A_383, %dma_start3A_387] : memref<80x128xi32, #tpu.memory_space<vmem>> -> memref<1x128xi32, #tpu.memory_space<vmem>>
      %dma_start3A_389 = tpu.memref_squeeze %dma_start3A_388 : memref<1x128xi32, #tpu.memory_space<vmem>> -> memref<128xi32, #tpu.memory_space<vmem>>
      %dma_start3A_390 = arith.constant 0 : i32
      %dma_start3A_391 = arith.constant 0 : i32
      %dma_start3A_392 = tpu.memref_slice %arg6[%dma_start3A_390, %dma_start3A_391] : memref<10240x64xf32, #tpu.memory_space<vmem_shared>> -> memref<10240x64xf32, #tpu.memory_space<vmem_shared>>
      tpu.enqueue_indirect_dma source(%dma_start3A_386 : memref<128x64xf32, #tpu.memory_space<vmem>>) target(%dma_start3A_392 : memref<10240x64xf32, #tpu.memory_space<vmem_shared>>) offsets(%dma_start3A_389 : memref<128xi32, #tpu.memory_space<vmem>>) semaphore(%arg14 : memref<!tpu.dma_semaphore, #tpu.memory_space<semaphore_mem>>) {add = true}
      %mul3A_393 = arith.constant 4 : i32
      %mul3A_394 = arith.muli %add3A_339, %mul3A_393 : i32
      %add3A_395 = arith.constant 1 : i32
      %add3A_396 = arith.addi %mul3A_394, %add3A_395 : i32
      %dma_start3A_397 = arith.constant 128 : i32
      %dma_start3A_398 = arith.constant 0 : i32
      %dma_start3A_399 = tpu.memref_slice %arg10[%dma_start3A_397, %dma_start3A_398] : memref<512x64xf32, #tpu.memory_space<vmem>> -> memref<128x64xf32, #tpu.memory_space<vmem>>
      %dma_start3A_400 = arith.constant 0 : i32
      %dma_start3A_401 = tpu.memref_slice %arg8[%add3A_396, %dma_start3A_400] : memref<80x128xi32, #tpu.memory_space<vmem>> -> memref<1x128xi32, #tpu.memory_space<vmem>>
      %dma_start3A_402 = tpu.memref_squeeze %dma_start3A_401 : memref<1x128xi32, #tpu.memory_space<vmem>> -> memref<128xi32, #tpu.memory_space<vmem>>
      %dma_start3A_403 = arith.constant 0 : i32
      %dma_start3A_404 = arith.constant 0 : i32
      %dma_start3A_405 = tpu.memref_slice %arg6[%dma_start3A_403, %dma_start3A_404] : memref<10240x64xf32, #tpu.memory_space<vmem_shared>> -> memref<10240x64xf32, #tpu.memory_space<vmem_shared>>
      tpu.enqueue_indirect_dma source(%dma_start3A_399 : memref<128x64xf32, #tpu.memory_space<vmem>>) target(%dma_start3A_405 : memref<10240x64xf32, #tpu.memory_space<vmem_shared>>) offsets(%dma_start3A_402 : memref<128xi32, #tpu.memory_space<vmem>>) semaphore(%arg14 : memref<!tpu.dma_semaphore, #tpu.memory_space<semaphore_mem>>) {add = true}
      %mul3A_406 = arith.constant 4 : i32
      %mul3A_407 = arith.muli %add3A_339, %mul3A_406 : i32
      %add3A_408 = arith.constant 2 : i32
      %add3A_409 = arith.addi %mul3A_407, %add3A_408 : i32
      %dma_start3A_410 = arith.constant 256 : i32
      %dma_start3A_411 = arith.constant 0 : i32
      %dma_start3A_412 = tpu.memref_slice %arg10[%dma_start3A_410, %dma_start3A_411] : memref<512x64xf32, #tpu.memory_space<vmem>> -> memref<128x64xf32, #tpu.memory_space<vmem>>
      %dma_start3A_413 = arith.constant 0 : i32
      %dma_start3A_414 = tpu.memref_slice %arg8[%add3A_409, %dma_start3A_413] : memref<80x128xi32, #tpu.memory_space<vmem>> -> memref<1x128xi32, #tpu.memory_space<vmem>>
      %dma_start3A_415 = tpu.memref_squeeze %dma_start3A_414 : memref<1x128xi32, #tpu.memory_space<vmem>> -> memref<128xi32, #tpu.memory_space<vmem>>
      %dma_start3A_416 = arith.constant 0 : i32
      %dma_start3A_417 = arith.constant 0 : i32
      %dma_start3A_418 = tpu.memref_slice %arg6[%dma_start3A_416, %dma_start3A_417] : memref<10240x64xf32, #tpu.memory_space<vmem_shared>> -> memref<10240x64xf32, #tpu.memory_space<vmem_shared>>
      tpu.enqueue_indirect_dma source(%dma_start3A_412 : memref<128x64xf32, #tpu.memory_space<vmem>>) target(%dma_start3A_418 : memref<10240x64xf32, #tpu.memory_space<vmem_shared>>) offsets(%dma_start3A_415 : memref<128xi32, #tpu.memory_space<vmem>>) semaphore(%arg14 : memref<!tpu.dma_semaphore, #tpu.memory_space<semaphore_mem>>) {add = true}
      %mul3A_419 = arith.constant 4 : i32
      %mul3A_420 = arith.muli %add3A_339, %mul3A_419 : i32
      %add3A_421 = arith.constant 3 : i32
      %add3A_422 = arith.addi %mul3A_420, %add3A_421 : i32
      %dma_start3A_423 = arith.constant 384 : i32
      %dma_start3A_424 = arith.constant 0 : i32
      %dma_start3A_425 = tpu.memref_slice %arg10[%dma_start3A_423, %dma_start3A_424] : memref<512x64xf32, #tpu.memory_space<vmem>> -> memref<128x64xf32, #tpu.memory_space<vmem>>
      %dma_start3A_426 = arith.constant 0 : i32
      %dma_start3A_427 = tpu.memref_slice %arg8[%add3A_422, %dma_start3A_426] : memref<80x128xi32, #tpu.memory_space<vmem>> -> memref<1x128xi32, #tpu.memory_space<vmem>>
      %dma_start3A_428 = tpu.memref_squeeze %dma_start3A_427 : memref<1x128xi32, #tpu.memory_space<vmem>> -> memref<128xi32, #tpu.memory_space<vmem>>
      %dma_start3A_429 = arith.constant 0 : i32
      %dma_start3A_430 = arith.constant 0 : i32
      %dma_start3A_431 = tpu.memref_slice %arg6[%dma_start3A_429, %dma_start3A_430] : memref<10240x64xf32, #tpu.memory_space<vmem_shared>> -> memref<10240x64xf32, #tpu.memory_space<vmem_shared>>
      tpu.enqueue_indirect_dma source(%dma_start3A_425 : memref<128x64xf32, #tpu.memory_space<vmem>>) target(%dma_start3A_431 : memref<10240x64xf32, #tpu.memory_space<vmem_shared>>) offsets(%dma_start3A_428 : memref<128xi32, #tpu.memory_space<vmem>>) semaphore(%arg14 : memref<!tpu.dma_semaphore, #tpu.memory_space<semaphore_mem>>) {add = true}
      %dma_wait3A_432 = arith.constant 0 : i32
      %dma_wait3A_433 = arith.constant 0 : i32
      %dma_wait3A_434 = arith.constant 0 : i32
      %dma_wait3A_435 = tpu.memref_slice %arg9[%dma_wait3A_433, %dma_wait3A_434] : memref<512x64xf32, #tpu.memory_space<vmem>> -> memref<128x64xf32, #tpu.memory_space<vmem>>
      %dma_wait3A_436 = arith.constant 0 : i32
      %dma_wait3A_437 = tpu.memref_slice %arg8[%dma_wait3A_432, %dma_wait3A_436] : memref<80x128xi32, #tpu.memory_space<vmem>> -> memref<1x128xi32, #tpu.memory_space<vmem>>
      %dma_wait3A_438 = tpu.memref_squeeze %dma_wait3A_437 : memref<1x128xi32, #tpu.memory_space<vmem>> -> memref<128xi32, #tpu.memory_space<vmem>>
      %dma_wait3A_439 = arith.constant 0 : i32
      %dma_wait3A_440 = arith.constant 0 : i32
      %dma_wait3A_441 = tpu.memref_slice %arg6[%dma_wait3A_439, %dma_wait3A_440] : memref<10240x64xf32, #tpu.memory_space<vmem_shared>> -> memref<10240x64xf32, #tpu.memory_space<vmem_shared>>
      tpu.wait_indirect_dma semaphore(%arg13 : memref<!tpu.dma_semaphore, #tpu.memory_space<semaphore_mem>>) src(%dma_wait3A_435 : memref<128x64xf32, #tpu.memory_space<vmem>>) dst(%dma_wait3A_441 : memref<10240x64xf32, #tpu.memory_space<vmem_shared>>)
      %dma_wait3A_442 = arith.constant 0 : i32
      %dma_wait3A_443 = arith.constant 128 : i32
      %dma_wait3A_444 = arith.constant 0 : i32
      %dma_wait3A_445 = tpu.memref_slice %arg9[%dma_wait3A_443, %dma_wait3A_444] : memref<512x64xf32, #tpu.memory_space<vmem>> -> memref<128x64xf32, #tpu.memory_space<vmem>>
      %dma_wait3A_446 = arith.constant 0 : i32
      %dma_wait3A_447 = tpu.memref_slice %arg8[%dma_wait3A_442, %dma_wait3A_446] : memref<80x128xi32, #tpu.memory_space<vmem>> -> memref<1x128xi32, #tpu.memory_space<vmem>>
      %dma_wait3A_448 = tpu.memref_squeeze %dma_wait3A_447 : memref<1x128xi32, #tpu.memory_space<vmem>> -> memref<128xi32, #tpu.memory_space<vmem>>
      %dma_wait3A_449 = arith.constant 0 : i32
      %dma_wait3A_450 = arith.constant 0 : i32
      %dma_wait3A_451 = tpu.memref_slice %arg6[%dma_wait3A_449, %dma_wait3A_450] : memref<10240x64xf32, #tpu.memory_space<vmem_shared>> -> memref<10240x64xf32, #tpu.memory_space<vmem_shared>>
      tpu.wait_indirect_dma semaphore(%arg13 : memref<!tpu.dma_semaphore, #tpu.memory_space<semaphore_mem>>) src(%dma_wait3A_445 : memref<128x64xf32, #tpu.memory_space<vmem>>) dst(%dma_wait3A_451 : memref<10240x64xf32, #tpu.memory_space<vmem_shared>>)
      %dma_wait3A_452 = arith.constant 0 : i32
      %dma_wait3A_453 = arith.constant 256 : i32
      %dma_wait3A_454 = arith.constant 0 : i32
      %dma_wait3A_455 = tpu.memref_slice %arg9[%dma_wait3A_453, %dma_wait3A_454] : memref<512x64xf32, #tpu.memory_space<vmem>> -> memref<128x64xf32, #tpu.memory_space<vmem>>
      %dma_wait3A_456 = arith.constant 0 : i32
      %dma_wait3A_457 = tpu.memref_slice %arg8[%dma_wait3A_452, %dma_wait3A_456] : memref<80x128xi32, #tpu.memory_space<vmem>> -> memref<1x128xi32, #tpu.memory_space<vmem>>
      %dma_wait3A_458 = tpu.memref_squeeze %dma_wait3A_457 : memref<1x128xi32, #tpu.memory_space<vmem>> -> memref<128xi32, #tpu.memory_space<vmem>>
      %dma_wait3A_459 = arith.constant 0 : i32
      %dma_wait3A_460 = arith.constant 0 : i32
      %dma_wait3A_461 = tpu.memref_slice %arg6[%dma_wait3A_459, %dma_wait3A_460] : memref<10240x64xf32, #tpu.memory_space<vmem_shared>> -> memref<10240x64xf32, #tpu.memory_space<vmem_shared>>
      tpu.wait_indirect_dma semaphore(%arg13 : memref<!tpu.dma_semaphore, #tpu.memory_space<semaphore_mem>>) src(%dma_wait3A_455 : memref<128x64xf32, #tpu.memory_space<vmem>>) dst(%dma_wait3A_461 : memref<10240x64xf32, #tpu.memory_space<vmem_shared>>)
      %dma_wait3A_462 = arith.constant 0 : i32
      %dma_wait3A_463 = arith.constant 384 : i32
      %dma_wait3A_464 = arith.constant 0 : i32
      %dma_wait3A_465 = tpu.memref_slice %arg9[%dma_wait3A_463, %dma_wait3A_464] : memref<512x64xf32, #tpu.memory_space<vmem>> -> memref<128x64xf32, #tpu.memory_space<vmem>>
      %dma_wait3A_466 = arith.constant 0 : i32
      %dma_wait3A_467 = tpu.memref_slice %arg8[%dma_wait3A_462, %dma_wait3A_466] : memref<80x128xi32, #tpu.memory_space<vmem>> -> memref<1x128xi32, #tpu.memory_space<vmem>>
      %dma_wait3A_468 = tpu.memref_squeeze %dma_wait3A_467 : memref<1x128xi32, #tpu.memory_space<vmem>> -> memref<128xi32, #tpu.memory_space<vmem>>
      %dma_wait3A_469 = arith.constant 0 : i32
      %dma_wait3A_470 = arith.constant 0 : i32
      %dma_wait3A_471 = tpu.memref_slice %arg6[%dma_wait3A_469, %dma_wait3A_470] : memref<10240x64xf32, #tpu.memory_space<vmem_shared>> -> memref<10240x64xf32, #tpu.memory_space<vmem_shared>>
      tpu.wait_indirect_dma semaphore(%arg13 : memref<!tpu.dma_semaphore, #tpu.memory_space<semaphore_mem>>) src(%dma_wait3A_465 : memref<128x64xf32, #tpu.memory_space<vmem>>) dst(%dma_wait3A_471 : memref<10240x64xf32, #tpu.memory_space<vmem_shared>>)
      %add3A_472 = arith.constant 1 : i32
      %add3A_473 = arith.addi %add3A_339, %add3A_472 : i32
      %mul3A_474 = arith.constant 4 : i32
      %mul3A_475 = arith.muli %add3A_473, %mul3A_474 : i32
      %add3A_476 = arith.constant 0 : i32
      %add3A_477 = arith.addi %mul3A_475, %add3A_476 : i32
      %dma_start3A_478 = arith.constant 0 : i32
      %dma_start3A_479 = arith.constant 0 : i32
      %dma_start3A_480 = tpu.memref_slice %arg9[%dma_start3A_478, %dma_start3A_479] : memref<512x64xf32, #tpu.memory_space<vmem>> -> memref<128x64xf32, #tpu.memory_space<vmem>>
      %dma_start3A_481 = arith.constant 0 : i32
      %dma_start3A_482 = tpu.memref_slice %arg7[%add3A_477, %dma_start3A_481] : memref<80x128xi32, #tpu.memory_space<vmem>> -> memref<1x128xi32, #tpu.memory_space<vmem>>
      %dma_start3A_483 = tpu.memref_squeeze %dma_start3A_482 : memref<1x128xi32, #tpu.memory_space<vmem>> -> memref<128xi32, #tpu.memory_space<vmem>>
      %dma_start3A_484 = arith.constant 0 : i32
      %dma_start3A_485 = arith.constant 0 : i32
      %dma_start3A_486 = tpu.memref_slice %arg2[%dma_start3A_484, %dma_start3A_485] : memref<10240x64xf32, #tpu.memory_space<hbm>> -> memref<10240x64xf32, #tpu.memory_space<hbm>>
      tpu.enqueue_indirect_dma source(%dma_start3A_486 : memref<10240x64xf32, #tpu.memory_space<hbm>>) target(%dma_start3A_480 : memref<128x64xf32, #tpu.memory_space<vmem>>) offsets(%dma_start3A_483 : memref<128xi32, #tpu.memory_space<vmem>>) semaphore(%arg11 : memref<!tpu.dma_semaphore, #tpu.memory_space<semaphore_mem>>)
      %mul3A_487 = arith.constant 4 : i32
      %mul3A_488 = arith.muli %add3A_473, %mul3A_487 : i32
      %add3A_489 = arith.constant 1 : i32
      %add3A_490 = arith.addi %mul3A_488, %add3A_489 : i32
      %dma_start3A_491 = arith.constant 128 : i32
      %dma_start3A_492 = arith.constant 0 : i32
      %dma_start3A_493 = tpu.memref_slice %arg9[%dma_start3A_491, %dma_start3A_492] : memref<512x64xf32, #tpu.memory_space<vmem>> -> memref<128x64xf32, #tpu.memory_space<vmem>>
      %dma_start3A_494 = arith.constant 0 : i32
      %dma_start3A_495 = tpu.memref_slice %arg7[%add3A_490, %dma_start3A_494] : memref<80x128xi32, #tpu.memory_space<vmem>> -> memref<1x128xi32, #tpu.memory_space<vmem>>
      %dma_start3A_496 = tpu.memref_squeeze %dma_start3A_495 : memref<1x128xi32, #tpu.memory_space<vmem>> -> memref<128xi32, #tpu.memory_space<vmem>>
      %dma_start3A_497 = arith.constant 0 : i32
      %dma_start3A_498 = arith.constant 0 : i32
      %dma_start3A_499 = tpu.memref_slice %arg2[%dma_start3A_497, %dma_start3A_498] : memref<10240x64xf32, #tpu.memory_space<hbm>> -> memref<10240x64xf32, #tpu.memory_space<hbm>>
      tpu.enqueue_indirect_dma source(%dma_start3A_499 : memref<10240x64xf32, #tpu.memory_space<hbm>>) target(%dma_start3A_493 : memref<128x64xf32, #tpu.memory_space<vmem>>) offsets(%dma_start3A_496 : memref<128xi32, #tpu.memory_space<vmem>>) semaphore(%arg11 : memref<!tpu.dma_semaphore, #tpu.memory_space<semaphore_mem>>)
      %mul3A_500 = arith.constant 4 : i32
      %mul3A_501 = arith.muli %add3A_473, %mul3A_500 : i32
      %add3A_502 = arith.constant 2 : i32
      %add3A_503 = arith.addi %mul3A_501, %add3A_502 : i32
      %dma_start3A_504 = arith.constant 256 : i32
      %dma_start3A_505 = arith.constant 0 : i32
      %dma_start3A_506 = tpu.memref_slice %arg9[%dma_start3A_504, %dma_start3A_505] : memref<512x64xf32, #tpu.memory_space<vmem>> -> memref<128x64xf32, #tpu.memory_space<vmem>>
      %dma_start3A_507 = arith.constant 0 : i32
      %dma_start3A_508 = tpu.memref_slice %arg7[%add3A_503, %dma_start3A_507] : memref<80x128xi32, #tpu.memory_space<vmem>> -> memref<1x128xi32, #tpu.memory_space<vmem>>
      %dma_start3A_509 = tpu.memref_squeeze %dma_start3A_508 : memref<1x128xi32, #tpu.memory_space<vmem>> -> memref<128xi32, #tpu.memory_space<vmem>>
      %dma_start3A_510 = arith.constant 0 : i32
      %dma_start3A_511 = arith.constant 0 : i32
      %dma_start3A_512 = tpu.memref_slice %arg2[%dma_start3A_510, %dma_start3A_511] : memref<10240x64xf32, #tpu.memory_space<hbm>> -> memref<10240x64xf32, #tpu.memory_space<hbm>>
      tpu.enqueue_indirect_dma source(%dma_start3A_512 : memref<10240x64xf32, #tpu.memory_space<hbm>>) target(%dma_start3A_506 : memref<128x64xf32, #tpu.memory_space<vmem>>) offsets(%dma_start3A_509 : memref<128xi32, #tpu.memory_space<vmem>>) semaphore(%arg11 : memref<!tpu.dma_semaphore, #tpu.memory_space<semaphore_mem>>)
      %mul3A_513 = arith.constant 4 : i32
      %mul3A_514 = arith.muli %add3A_473, %mul3A_513 : i32
      %add3A_515 = arith.constant 3 : i32
      %add3A_516 = arith.addi %mul3A_514, %add3A_515 : i32
      %dma_start3A_517 = arith.constant 384 : i32
      %dma_start3A_518 = arith.constant 0 : i32
      %dma_start3A_519 = tpu.memref_slice %arg9[%dma_start3A_517, %dma_start3A_518] : memref<512x64xf32, #tpu.memory_space<vmem>> -> memref<128x64xf32, #tpu.memory_space<vmem>>
      %dma_start3A_520 = arith.constant 0 : i32
      %dma_start3A_521 = tpu.memref_slice %arg7[%add3A_516, %dma_start3A_520] : memref<80x128xi32, #tpu.memory_space<vmem>> -> memref<1x128xi32, #tpu.memory_space<vmem>>
      %dma_start3A_522 = tpu.memref_squeeze %dma_start3A_521 : memref<1x128xi32, #tpu.memory_space<vmem>> -> memref<128xi32, #tpu.memory_space<vmem>>
      %dma_start3A_523 = arith.constant 0 : i32
      %dma_start3A_524 = arith.constant 0 : i32
      %dma_start3A_525 = tpu.memref_slice %arg2[%dma_start3A_523, %dma_start3A_524] : memref<10240x64xf32, #tpu.memory_space<hbm>> -> memref<10240x64xf32, #tpu.memory_space<hbm>>
      tpu.enqueue_indirect_dma source(%dma_start3A_525 : memref<10240x64xf32, #tpu.memory_space<hbm>>) target(%dma_start3A_519 : memref<128x64xf32, #tpu.memory_space<vmem>>) offsets(%dma_start3A_522 : memref<128xi32, #tpu.memory_space<vmem>>) semaphore(%arg11 : memref<!tpu.dma_semaphore, #tpu.memory_space<semaphore_mem>>)
      %mul3A_526 = arith.constant 2 : i32
      %mul3A_527 = arith.muli %mul3A_526, %scan3A_334 : i32
      %add3A_528 = arith.constant 2 : i32
      %add3A_529 = arith.addi %mul3A_527, %add3A_528 : i32
      %dma_wait3A_530 = arith.constant 0 : i32
      %dma_wait3A_531 = arith.constant 0 : i32
      %dma_wait3A_532 = arith.constant 0 : i32
      %dma_wait3A_533 = tpu.memref_slice %arg9[%dma_wait3A_531, %dma_wait3A_532] : memref<512x64xf32, #tpu.memory_space<vmem>> -> memref<128x64xf32, #tpu.memory_space<vmem>>
      %dma_wait3A_534 = arith.constant 0 : i32
      %dma_wait3A_535 = tpu.memref_slice %arg7[%dma_wait3A_530, %dma_wait3A_534] : memref<80x128xi32, #tpu.memory_space<vmem>> -> memref<1x128xi32, #tpu.memory_space<vmem>>
      %dma_wait3A_536 = tpu.memref_squeeze %dma_wait3A_535 : memref<1x128xi32, #tpu.memory_space<vmem>> -> memref<128xi32, #tpu.memory_space<vmem>>
      %dma_wait3A_537 = arith.constant 0 : i32
      %dma_wait3A_538 = arith.constant 0 : i32
      %dma_wait3A_539 = tpu.memref_slice %arg2[%dma_wait3A_537, %dma_wait3A_538] : memref<10240x64xf32, #tpu.memory_space<hbm>> -> memref<10240x64xf32, #tpu.memory_space<hbm>>
      tpu.wait_indirect_dma semaphore(%arg11 : memref<!tpu.dma_semaphore, #tpu.memory_space<semaphore_mem>>) src(%dma_wait3A_539 : memref<10240x64xf32, #tpu.memory_space<hbm>>) dst(%dma_wait3A_533 : memref<128x64xf32, #tpu.memory_space<vmem>>)
      %dma_wait3A_540 = arith.constant 0 : i32
      %dma_wait3A_541 = arith.constant 128 : i32
      %dma_wait3A_542 = arith.constant 0 : i32
      %dma_wait3A_543 = tpu.memref_slice %arg9[%dma_wait3A_541, %dma_wait3A_542] : memref<512x64xf32, #tpu.memory_space<vmem>> -> memref<128x64xf32, #tpu.memory_space<vmem>>
      %dma_wait3A_544 = arith.constant 0 : i32
      %dma_wait3A_545 = tpu.memref_slice %arg7[%dma_wait3A_540, %dma_wait3A_544] : memref<80x128xi32, #tpu.memory_space<vmem>> -> memref<1x128xi32, #tpu.memory_space<vmem>>
      %dma_wait3A_546 = tpu.memref_squeeze %dma_wait3A_545 : memref<1x128xi32, #tpu.memory_space<vmem>> -> memref<128xi32, #tpu.memory_space<vmem>>
      %dma_wait3A_547 = arith.constant 0 : i32
      %dma_wait3A_548 = arith.constant 0 : i32
      %dma_wait3A_549 = tpu.memref_slice %arg2[%dma_wait3A_547, %dma_wait3A_548] : memref<10240x64xf32, #tpu.memory_space<hbm>> -> memref<10240x64xf32, #tpu.memory_space<hbm>>
      tpu.wait_indirect_dma semaphore(%arg11 : memref<!tpu.dma_semaphore, #tpu.memory_space<semaphore_mem>>) src(%dma_wait3A_549 : memref<10240x64xf32, #tpu.memory_space<hbm>>) dst(%dma_wait3A_543 : memref<128x64xf32, #tpu.memory_space<vmem>>)
      %dma_wait3A_550 = arith.constant 0 : i32
      %dma_wait3A_551 = arith.constant 256 : i32
      %dma_wait3A_552 = arith.constant 0 : i32
      %dma_wait3A_553 = tpu.memref_slice %arg9[%dma_wait3A_551, %dma_wait3A_552] : memref<512x64xf32, #tpu.memory_space<vmem>> -> memref<128x64xf32, #tpu.memory_space<vmem>>
      %dma_wait3A_554 = arith.constant 0 : i32
      %dma_wait3A_555 = tpu.memref_slice %arg7[%dma_wait3A_550, %dma_wait3A_554] : memref<80x128xi32, #tpu.memory_space<vmem>> -> memref<1x128xi32, #tpu.memory_space<vmem>>
      %dma_wait3A_556 = tpu.memref_squeeze %dma_wait3A_555 : memref<1x128xi32, #tpu.memory_space<vmem>> -> memref<128xi32, #tpu.memory_space<vmem>>
      %dma_wait3A_557 = arith.constant 0 : i32
      %dma_wait3A_558 = arith.constant 0 : i32
      %dma_wait3A_559 = tpu.memref_slice %arg2[%dma_wait3A_557, %dma_wait3A_558] : memref<10240x64xf32, #tpu.memory_space<hbm>> -> memref<10240x64xf32, #tpu.memory_space<hbm>>
      tpu.wait_indirect_dma semaphore(%arg11 : memref<!tpu.dma_semaphore, #tpu.memory_space<semaphore_mem>>) src(%dma_wait3A_559 : memref<10240x64xf32, #tpu.memory_space<hbm>>) dst(%dma_wait3A_553 : memref<128x64xf32, #tpu.memory_space<vmem>>)
      %dma_wait3A_560 = arith.constant 0 : i32
      %dma_wait3A_561 = arith.constant 384 : i32
      %dma_wait3A_562 = arith.constant 0 : i32
      %dma_wait3A_563 = tpu.memref_slice %arg9[%dma_wait3A_561, %dma_wait3A_562] : memref<512x64xf32, #tpu.memory_space<vmem>> -> memref<128x64xf32, #tpu.memory_space<vmem>>
      %dma_wait3A_564 = arith.constant 0 : i32
      %dma_wait3A_565 = tpu.memref_slice %arg7[%dma_wait3A_560, %dma_wait3A_564] : memref<80x128xi32, #tpu.memory_space<vmem>> -> memref<1x128xi32, #tpu.memory_space<vmem>>
      %dma_wait3A_566 = tpu.memref_squeeze %dma_wait3A_565 : memref<1x128xi32, #tpu.memory_space<vmem>> -> memref<128xi32, #tpu.memory_space<vmem>>
      %dma_wait3A_567 = arith.constant 0 : i32
      %dma_wait3A_568 = arith.constant 0 : i32
      %dma_wait3A_569 = tpu.memref_slice %arg2[%dma_wait3A_567, %dma_wait3A_568] : memref<10240x64xf32, #tpu.memory_space<hbm>> -> memref<10240x64xf32, #tpu.memory_space<hbm>>
      tpu.wait_indirect_dma semaphore(%arg11 : memref<!tpu.dma_semaphore, #tpu.memory_space<semaphore_mem>>) src(%dma_wait3A_569 : memref<10240x64xf32, #tpu.memory_space<hbm>>) dst(%dma_wait3A_563 : memref<128x64xf32, #tpu.memory_space<vmem>>)
      %mul3A_570 = arith.constant 4 : i32
      %mul3A_571 = arith.muli %add3A_529, %mul3A_570 : i32
      %add3A_572 = arith.constant 0 : i32
      %add3A_573 = arith.addi %mul3A_571, %add3A_572 : i32
      %dma_start3A_574 = arith.constant 0 : i32
      %dma_start3A_575 = arith.constant 0 : i32
      %dma_start3A_576 = tpu.memref_slice %arg9[%dma_start3A_574, %dma_start3A_575] : memref<512x64xf32, #tpu.memory_space<vmem>> -> memref<128x64xf32, #tpu.memory_space<vmem>>
      %dma_start3A_577 = arith.constant 0 : i32
      %dma_start3A_578 = tpu.memref_slice %arg8[%add3A_573, %dma_start3A_577] : memref<80x128xi32, #tpu.memory_space<vmem>> -> memref<1x128xi32, #tpu.memory_space<vmem>>
      %dma_start3A_579 = tpu.memref_squeeze %dma_start3A_578 : memref<1x128xi32, #tpu.memory_space<vmem>> -> memref<128xi32, #tpu.memory_space<vmem>>
      %dma_start3A_580 = arith.constant 0 : i32
      %dma_start3A_581 = arith.constant 0 : i32
      %dma_start3A_582 = tpu.memref_slice %arg6[%dma_start3A_580, %dma_start3A_581] : memref<10240x64xf32, #tpu.memory_space<vmem_shared>> -> memref<10240x64xf32, #tpu.memory_space<vmem_shared>>
      tpu.enqueue_indirect_dma source(%dma_start3A_576 : memref<128x64xf32, #tpu.memory_space<vmem>>) target(%dma_start3A_582 : memref<10240x64xf32, #tpu.memory_space<vmem_shared>>) offsets(%dma_start3A_579 : memref<128xi32, #tpu.memory_space<vmem>>) semaphore(%arg13 : memref<!tpu.dma_semaphore, #tpu.memory_space<semaphore_mem>>) {add = true}
      %mul3A_583 = arith.constant 4 : i32
      %mul3A_584 = arith.muli %add3A_529, %mul3A_583 : i32
      %add3A_585 = arith.constant 1 : i32
      %add3A_586 = arith.addi %mul3A_584, %add3A_585 : i32
      %dma_start3A_587 = arith.constant 128 : i32
      %dma_start3A_588 = arith.constant 0 : i32
      %dma_start3A_589 = tpu.memref_slice %arg9[%dma_start3A_587, %dma_start3A_588] : memref<512x64xf32, #tpu.memory_space<vmem>> -> memref<128x64xf32, #tpu.memory_space<vmem>>
      %dma_start3A_590 = arith.constant 0 : i32
      %dma_start3A_591 = tpu.memref_slice %arg8[%add3A_586, %dma_start3A_590] : memref<80x128xi32, #tpu.memory_space<vmem>> -> memref<1x128xi32, #tpu.memory_space<vmem>>
      %dma_start3A_592 = tpu.memref_squeeze %dma_start3A_591 : memref<1x128xi32, #tpu.memory_space<vmem>> -> memref<128xi32, #tpu.memory_space<vmem>>
      %dma_start3A_593 = arith.constant 0 : i32
      %dma_start3A_594 = arith.constant 0 : i32
      %dma_start3A_595 = tpu.memref_slice %arg6[%dma_start3A_593, %dma_start3A_594] : memref<10240x64xf32, #tpu.memory_space<vmem_shared>> -> memref<10240x64xf32, #tpu.memory_space<vmem_shared>>
      tpu.enqueue_indirect_dma source(%dma_start3A_589 : memref<128x64xf32, #tpu.memory_space<vmem>>) target(%dma_start3A_595 : memref<10240x64xf32, #tpu.memory_space<vmem_shared>>) offsets(%dma_start3A_592 : memref<128xi32, #tpu.memory_space<vmem>>) semaphore(%arg13 : memref<!tpu.dma_semaphore, #tpu.memory_space<semaphore_mem>>) {add = true}
      %mul3A_596 = arith.constant 4 : i32
      %mul3A_597 = arith.muli %add3A_529, %mul3A_596 : i32
      %add3A_598 = arith.constant 2 : i32
      %add3A_599 = arith.addi %mul3A_597, %add3A_598 : i32
      %dma_start3A_600 = arith.constant 256 : i32
      %dma_start3A_601 = arith.constant 0 : i32
      %dma_start3A_602 = tpu.memref_slice %arg9[%dma_start3A_600, %dma_start3A_601] : memref<512x64xf32, #tpu.memory_space<vmem>> -> memref<128x64xf32, #tpu.memory_space<vmem>>
      %dma_start3A_603 = arith.constant 0 : i32
      %dma_start3A_604 = tpu.memref_slice %arg8[%add3A_599, %dma_start3A_603] : memref<80x128xi32, #tpu.memory_space<vmem>> -> memref<1x128xi32, #tpu.memory_space<vmem>>
      %dma_start3A_605 = tpu.memref_squeeze %dma_start3A_604 : memref<1x128xi32, #tpu.memory_space<vmem>> -> memref<128xi32, #tpu.memory_space<vmem>>
      %dma_start3A_606 = arith.constant 0 : i32
      %dma_start3A_607 = arith.constant 0 : i32
      %dma_start3A_608 = tpu.memref_slice %arg6[%dma_start3A_606, %dma_start3A_607] : memref<10240x64xf32, #tpu.memory_space<vmem_shared>> -> memref<10240x64xf32, #tpu.memory_space<vmem_shared>>
      tpu.enqueue_indirect_dma source(%dma_start3A_602 : memref<128x64xf32, #tpu.memory_space<vmem>>) target(%dma_start3A_608 : memref<10240x64xf32, #tpu.memory_space<vmem_shared>>) offsets(%dma_start3A_605 : memref<128xi32, #tpu.memory_space<vmem>>) semaphore(%arg13 : memref<!tpu.dma_semaphore, #tpu.memory_space<semaphore_mem>>) {add = true}
      %mul3A_609 = arith.constant 4 : i32
      %mul3A_610 = arith.muli %add3A_529, %mul3A_609 : i32
      %add3A_611 = arith.constant 3 : i32
      %add3A_612 = arith.addi %mul3A_610, %add3A_611 : i32
      %dma_start3A_613 = arith.constant 384 : i32
      %dma_start3A_614 = arith.constant 0 : i32
      %dma_start3A_615 = tpu.memref_slice %arg9[%dma_start3A_613, %dma_start3A_614] : memref<512x64xf32, #tpu.memory_space<vmem>> -> memref<128x64xf32, #tpu.memory_space<vmem>>
      %dma_start3A_616 = arith.constant 0 : i32
      %dma_start3A_617 = tpu.memref_slice %arg8[%add3A_612, %dma_start3A_616] : memref<80x128xi32, #tpu.memory_space<vmem>> -> memref<1x128xi32, #tpu.memory_space<vmem>>
      %dma_start3A_618 = tpu.memref_squeeze %dma_start3A_617 : memref<1x128xi32, #tpu.memory_space<vmem>> -> memref<128xi32, #tpu.memory_space<vmem>>
      %dma_start3A_619 = arith.constant 0 : i32
      %dma_start3A_620 = arith.constant 0 : i32
      %dma_start3A_621 = tpu.memref_slice %arg6[%dma_start3A_619, %dma_start3A_620] : memref<10240x64xf32, #tpu.memory_space<vmem_shared>> -> memref<10240x64xf32, #tpu.memory_space<vmem_shared>>
      tpu.enqueue_indirect_dma source(%dma_start3A_615 : memref<128x64xf32, #tpu.memory_space<vmem>>) target(%dma_start3A_621 : memref<10240x64xf32, #tpu.memory_space<vmem_shared>>) offsets(%dma_start3A_618 : memref<128xi32, #tpu.memory_space<vmem>>) semaphore(%arg13 : memref<!tpu.dma_semaphore, #tpu.memory_space<semaphore_mem>>) {add = true}
      %dma_wait3A_622 = arith.constant 0 : i32
      %dma_wait3A_623 = arith.constant 0 : i32
      %dma_wait3A_624 = arith.constant 0 : i32
      %dma_wait3A_625 = tpu.memref_slice %arg10[%dma_wait3A_623, %dma_wait3A_624] : memref<512x64xf32, #tpu.memory_space<vmem>> -> memref<128x64xf32, #tpu.memory_space<vmem>>
      %dma_wait3A_626 = arith.constant 0 : i32
      %dma_wait3A_627 = tpu.memref_slice %arg8[%dma_wait3A_622, %dma_wait3A_626] : memref<80x128xi32, #tpu.memory_space<vmem>> -> memref<1x128xi32, #tpu.memory_space<vmem>>
      %dma_wait3A_628 = tpu.memref_squeeze %dma_wait3A_627 : memref<1x128xi32, #tpu.memory_space<vmem>> -> memref<128xi32, #tpu.memory_space<vmem>>
      %dma_wait3A_629 = arith.constant 0 : i32
      %dma_wait3A_630 = arith.constant 0 : i32
      %dma_wait3A_631 = tpu.memref_slice %arg6[%dma_wait3A_629, %dma_wait3A_630] : memref<10240x64xf32, #tpu.memory_space<vmem_shared>> -> memref<10240x64xf32, #tpu.memory_space<vmem_shared>>
      tpu.wait_indirect_dma semaphore(%arg14 : memref<!tpu.dma_semaphore, #tpu.memory_space<semaphore_mem>>) src(%dma_wait3A_625 : memref<128x64xf32, #tpu.memory_space<vmem>>) dst(%dma_wait3A_631 : memref<10240x64xf32, #tpu.memory_space<vmem_shared>>)
      %dma_wait3A_632 = arith.constant 0 : i32
      %dma_wait3A_633 = arith.constant 128 : i32
      %dma_wait3A_634 = arith.constant 0 : i32
      %dma_wait3A_635 = tpu.memref_slice %arg10[%dma_wait3A_633, %dma_wait3A_634] : memref<512x64xf32, #tpu.memory_space<vmem>> -> memref<128x64xf32, #tpu.memory_space<vmem>>
      %dma_wait3A_636 = arith.constant 0 : i32
      %dma_wait3A_637 = tpu.memref_slice %arg8[%dma_wait3A_632, %dma_wait3A_636] : memref<80x128xi32, #tpu.memory_space<vmem>> -> memref<1x128xi32, #tpu.memory_space<vmem>>
      %dma_wait3A_638 = tpu.memref_squeeze %dma_wait3A_637 : memref<1x128xi32, #tpu.memory_space<vmem>> -> memref<128xi32, #tpu.memory_space<vmem>>
      %dma_wait3A_639 = arith.constant 0 : i32
      %dma_wait3A_640 = arith.constant 0 : i32
      %dma_wait3A_641 = tpu.memref_slice %arg6[%dma_wait3A_639, %dma_wait3A_640] : memref<10240x64xf32, #tpu.memory_space<vmem_shared>> -> memref<10240x64xf32, #tpu.memory_space<vmem_shared>>
      tpu.wait_indirect_dma semaphore(%arg14 : memref<!tpu.dma_semaphore, #tpu.memory_space<semaphore_mem>>) src(%dma_wait3A_635 : memref<128x64xf32, #tpu.memory_space<vmem>>) dst(%dma_wait3A_641 : memref<10240x64xf32, #tpu.memory_space<vmem_shared>>)
      %dma_wait3A_642 = arith.constant 0 : i32
      %dma_wait3A_643 = arith.constant 256 : i32
      %dma_wait3A_644 = arith.constant 0 : i32
      %dma_wait3A_645 = tpu.memref_slice %arg10[%dma_wait3A_643, %dma_wait3A_644] : memref<512x64xf32, #tpu.memory_space<vmem>> -> memref<128x64xf32, #tpu.memory_space<vmem>>
      %dma_wait3A_646 = arith.constant 0 : i32
      %dma_wait3A_647 = tpu.memref_slice %arg8[%dma_wait3A_642, %dma_wait3A_646] : memref<80x128xi32, #tpu.memory_space<vmem>> -> memref<1x128xi32, #tpu.memory_space<vmem>>
      %dma_wait3A_648 = tpu.memref_squeeze %dma_wait3A_647 : memref<1x128xi32, #tpu.memory_space<vmem>> -> memref<128xi32, #tpu.memory_space<vmem>>
      %dma_wait3A_649 = arith.constant 0 : i32
      %dma_wait3A_650 = arith.constant 0 : i32
      %dma_wait3A_651 = tpu.memref_slice %arg6[%dma_wait3A_649, %dma_wait3A_650] : memref<10240x64xf32, #tpu.memory_space<vmem_shared>> -> memref<10240x64xf32, #tpu.memory_space<vmem_shared>>
      tpu.wait_indirect_dma semaphore(%arg14 : memref<!tpu.dma_semaphore, #tpu.memory_space<semaphore_mem>>) src(%dma_wait3A_645 : memref<128x64xf32, #tpu.memory_space<vmem>>) dst(%dma_wait3A_651 : memref<10240x64xf32, #tpu.memory_space<vmem_shared>>)
      %dma_wait3A_652 = arith.constant 0 : i32
      %dma_wait3A_653 = arith.constant 384 : i32
      %dma_wait3A_654 = arith.constant 0 : i32
      %dma_wait3A_655 = tpu.memref_slice %arg10[%dma_wait3A_653, %dma_wait3A_654] : memref<512x64xf32, #tpu.memory_space<vmem>> -> memref<128x64xf32, #tpu.memory_space<vmem>>
      %dma_wait3A_656 = arith.constant 0 : i32
      %dma_wait3A_657 = tpu.memref_slice %arg8[%dma_wait3A_652, %dma_wait3A_656] : memref<80x128xi32, #tpu.memory_space<vmem>> -> memref<1x128xi32, #tpu.memory_space<vmem>>
      %dma_wait3A_658 = tpu.memref_squeeze %dma_wait3A_657 : memref<1x128xi32, #tpu.memory_space<vmem>> -> memref<128xi32, #tpu.memory_space<vmem>>
      %dma_wait3A_659 = arith.constant 0 : i32
      %dma_wait3A_660 = arith.constant 0 : i32
      %dma_wait3A_661 = tpu.memref_slice %arg6[%dma_wait3A_659, %dma_wait3A_660] : memref<10240x64xf32, #tpu.memory_space<vmem_shared>> -> memref<10240x64xf32, #tpu.memory_space<vmem_shared>>
      tpu.wait_indirect_dma semaphore(%arg14 : memref<!tpu.dma_semaphore, #tpu.memory_space<semaphore_mem>>) src(%dma_wait3A_655 : memref<128x64xf32, #tpu.memory_space<vmem>>) dst(%dma_wait3A_661 : memref<10240x64xf32, #tpu.memory_space<vmem_shared>>)
      %add3A_662 = arith.constant 1 : i32
      %add3A_663 = arith.addi %add3A_529, %add3A_662 : i32
      %mul3A_664 = arith.constant 4 : i32
      %mul3A_665 = arith.muli %add3A_663, %mul3A_664 : i32
      %add3A_666 = arith.constant 0 : i32
      %add3A_667 = arith.addi %mul3A_665, %add3A_666 : i32
      %dma_start3A_668 = arith.constant 0 : i32
      %dma_start3A_669 = arith.constant 0 : i32
      %dma_start3A_670 = tpu.memref_slice %arg10[%dma_start3A_668, %dma_start3A_669] : memref<512x64xf32, #tpu.memory_space<vmem>> -> memref<128x64xf32, #tpu.memory_space<vmem>>
      %dma_start3A_671 = arith.constant 0 : i32
      %dma_start3A_672 = tpu.memref_slice %arg7[%add3A_667, %dma_start3A_671] : memref<80x128xi32, #tpu.memory_space<vmem>> -> memref<1x128xi32, #tpu.memory_space<vmem>>
      %dma_start3A_673 = tpu.memref_squeeze %dma_start3A_672 : memref<1x128xi32, #tpu.memory_space<vmem>> -> memref<128xi32, #tpu.memory_space<vmem>>
      %dma_start3A_674 = arith.constant 0 : i32
      %dma_start3A_675 = arith.constant 0 : i32
      %dma_start3A_676 = tpu.memref_slice %arg2[%dma_start3A_674, %dma_start3A_675] : memref<10240x64xf32, #tpu.memory_space<hbm>> -> memref<10240x64xf32, #tpu.memory_space<hbm>>
      tpu.enqueue_indirect_dma source(%dma_start3A_676 : memref<10240x64xf32, #tpu.memory_space<hbm>>) target(%dma_start3A_670 : memref<128x64xf32, #tpu.memory_space<vmem>>) offsets(%dma_start3A_673 : memref<128xi32, #tpu.memory_space<vmem>>) semaphore(%arg12 : memref<!tpu.dma_semaphore, #tpu.memory_space<semaphore_mem>>)
      %mul3A_677 = arith.constant 4 : i32
      %mul3A_678 = arith.muli %add3A_663, %mul3A_677 : i32
      %add3A_679 = arith.constant 1 : i32
      %add3A_680 = arith.addi %mul3A_678, %add3A_679 : i32
      %dma_start3A_681 = arith.constant 128 : i32
      %dma_start3A_682 = arith.constant 0 : i32
      %dma_start3A_683 = tpu.memref_slice %arg10[%dma_start3A_681, %dma_start3A_682] : memref<512x64xf32, #tpu.memory_space<vmem>> -> memref<128x64xf32, #tpu.memory_space<vmem>>
      %dma_start3A_684 = arith.constant 0 : i32
      %dma_start3A_685 = tpu.memref_slice %arg7[%add3A_680, %dma_start3A_684] : memref<80x128xi32, #tpu.memory_space<vmem>> -> memref<1x128xi32, #tpu.memory_space<vmem>>
      %dma_start3A_686 = tpu.memref_squeeze %dma_start3A_685 : memref<1x128xi32, #tpu.memory_space<vmem>> -> memref<128xi32, #tpu.memory_space<vmem>>
      %dma_start3A_687 = arith.constant 0 : i32
      %dma_start3A_688 = arith.constant 0 : i32
      %dma_start3A_689 = tpu.memref_slice %arg2[%dma_start3A_687, %dma_start3A_688] : memref<10240x64xf32, #tpu.memory_space<hbm>> -> memref<10240x64xf32, #tpu.memory_space<hbm>>
      tpu.enqueue_indirect_dma source(%dma_start3A_689 : memref<10240x64xf32, #tpu.memory_space<hbm>>) target(%dma_start3A_683 : memref<128x64xf32, #tpu.memory_space<vmem>>) offsets(%dma_start3A_686 : memref<128xi32, #tpu.memory_space<vmem>>) semaphore(%arg12 : memref<!tpu.dma_semaphore, #tpu.memory_space<semaphore_mem>>)
      %mul3A_690 = arith.constant 4 : i32
      %mul3A_691 = arith.muli %add3A_663, %mul3A_690 : i32
      %add3A_692 = arith.constant 2 : i32
      %add3A_693 = arith.addi %mul3A_691, %add3A_692 : i32
      %dma_start3A_694 = arith.constant 256 : i32
      %dma_start3A_695 = arith.constant 0 : i32
      %dma_start3A_696 = tpu.memref_slice %arg10[%dma_start3A_694, %dma_start3A_695] : memref<512x64xf32, #tpu.memory_space<vmem>> -> memref<128x64xf32, #tpu.memory_space<vmem>>
      %dma_start3A_697 = arith.constant 0 : i32
      %dma_start3A_698 = tpu.memref_slice %arg7[%add3A_693, %dma_start3A_697] : memref<80x128xi32, #tpu.memory_space<vmem>> -> memref<1x128xi32, #tpu.memory_space<vmem>>
      %dma_start3A_699 = tpu.memref_squeeze %dma_start3A_698 : memref<1x128xi32, #tpu.memory_space<vmem>> -> memref<128xi32, #tpu.memory_space<vmem>>
      %dma_start3A_700 = arith.constant 0 : i32
      %dma_start3A_701 = arith.constant 0 : i32
      %dma_start3A_702 = tpu.memref_slice %arg2[%dma_start3A_700, %dma_start3A_701] : memref<10240x64xf32, #tpu.memory_space<hbm>> -> memref<10240x64xf32, #tpu.memory_space<hbm>>
      tpu.enqueue_indirect_dma source(%dma_start3A_702 : memref<10240x64xf32, #tpu.memory_space<hbm>>) target(%dma_start3A_696 : memref<128x64xf32, #tpu.memory_space<vmem>>) offsets(%dma_start3A_699 : memref<128xi32, #tpu.memory_space<vmem>>) semaphore(%arg12 : memref<!tpu.dma_semaphore, #tpu.memory_space<semaphore_mem>>)
      %mul3A_703 = arith.constant 4 : i32
      %mul3A_704 = arith.muli %add3A_663, %mul3A_703 : i32
      %add3A_705 = arith.constant 3 : i32
      %add3A_706 = arith.addi %mul3A_704, %add3A_705 : i32
      %dma_start3A_707 = arith.constant 384 : i32
      %dma_start3A_708 = arith.constant 0 : i32
      %dma_start3A_709 = tpu.memref_slice %arg10[%dma_start3A_707, %dma_start3A_708] : memref<512x64xf32, #tpu.memory_space<vmem>> -> memref<128x64xf32, #tpu.memory_space<vmem>>
      %dma_start3A_710 = arith.constant 0 : i32
      %dma_start3A_711 = tpu.memref_slice %arg7[%add3A_706, %dma_start3A_710] : memref<80x128xi32, #tpu.memory_space<vmem>> -> memref<1x128xi32, #tpu.memory_space<vmem>>
      %dma_start3A_712 = tpu.memref_squeeze %dma_start3A_711 : memref<1x128xi32, #tpu.memory_space<vmem>> -> memref<128xi32, #tpu.memory_space<vmem>>
      %dma_start3A_713 = arith.constant 0 : i32
      %dma_start3A_714 = arith.constant 0 : i32
      %dma_start3A_715 = tpu.memref_slice %arg2[%dma_start3A_713, %dma_start3A_714] : memref<10240x64xf32, #tpu.memory_space<hbm>> -> memref<10240x64xf32, #tpu.memory_space<hbm>>
      tpu.enqueue_indirect_dma source(%dma_start3A_715 : memref<10240x64xf32, #tpu.memory_space<hbm>>) target(%dma_start3A_709 : memref<128x64xf32, #tpu.memory_space<vmem>>) offsets(%dma_start3A_712 : memref<128xi32, #tpu.memory_space<vmem>>) semaphore(%arg12 : memref<!tpu.dma_semaphore, #tpu.memory_space<semaphore_mem>>)
      %scan3A_716 = arith.constant 0 : i32
      scf.yield %scan3A_716 : i32
    }
    %scan3A_168 = arith.constant 9 : i32
    %dma_wait3A_169 = arith.constant 0 : i32
    %dma_wait3A_170 = arith.constant 0 : i32
    %dma_wait3A_171 = arith.constant 0 : i32
    %dma_wait3A_172 = tpu.memref_slice %arg10[%dma_wait3A_170, %dma_wait3A_171] : memref<512x64xf32, #tpu.memory_space<vmem>> -> memref<128x64xf32, #tpu.memory_space<vmem>>
    %dma_wait3A_173 = arith.constant 0 : i32
    %dma_wait3A_174 = tpu.memref_slice %arg7[%dma_wait3A_169, %dma_wait3A_173] : memref<80x128xi32, #tpu.memory_space<vmem>> -> memref<1x128xi32, #tpu.memory_space<vmem>>
    %dma_wait3A_175 = tpu.memref_squeeze %dma_wait3A_174 : memref<1x128xi32, #tpu.memory_space<vmem>> -> memref<128xi32, #tpu.memory_space<vmem>>
    %dma_wait3A_176 = arith.constant 0 : i32
    %dma_wait3A_177 = arith.constant 0 : i32
    %dma_wait3A_178 = tpu.memref_slice %arg2[%dma_wait3A_176, %dma_wait3A_177] : memref<10240x64xf32, #tpu.memory_space<hbm>> -> memref<10240x64xf32, #tpu.memory_space<hbm>>
    tpu.wait_indirect_dma semaphore(%arg12 : memref<!tpu.dma_semaphore, #tpu.memory_space<semaphore_mem>>) src(%dma_wait3A_178 : memref<10240x64xf32, #tpu.memory_space<hbm>>) dst(%dma_wait3A_172 : memref<128x64xf32, #tpu.memory_space<vmem>>)
    %dma_wait3A_179 = arith.constant 0 : i32
    %dma_wait3A_180 = arith.constant 128 : i32
    %dma_wait3A_181 = arith.constant 0 : i32
    %dma_wait3A_182 = tpu.memref_slice %arg10[%dma_wait3A_180, %dma_wait3A_181] : memref<512x64xf32, #tpu.memory_space<vmem>> -> memref<128x64xf32, #tpu.memory_space<vmem>>
    %dma_wait3A_183 = arith.constant 0 : i32
    %dma_wait3A_184 = tpu.memref_slice %arg7[%dma_wait3A_179, %dma_wait3A_183] : memref<80x128xi32, #tpu.memory_space<vmem>> -> memref<1x128xi32, #tpu.memory_space<vmem>>
    %dma_wait3A_185 = tpu.memref_squeeze %dma_wait3A_184 : memref<1x128xi32, #tpu.memory_space<vmem>> -> memref<128xi32, #tpu.memory_space<vmem>>
    %dma_wait3A_186 = arith.constant 0 : i32
    %dma_wait3A_187 = arith.constant 0 : i32
    %dma_wait3A_188 = tpu.memref_slice %arg2[%dma_wait3A_186, %dma_wait3A_187] : memref<10240x64xf32, #tpu.memory_space<hbm>> -> memref<10240x64xf32, #tpu.memory_space<hbm>>
    tpu.wait_indirect_dma semaphore(%arg12 : memref<!tpu.dma_semaphore, #tpu.memory_space<semaphore_mem>>) src(%dma_wait3A_188 : memref<10240x64xf32, #tpu.memory_space<hbm>>) dst(%dma_wait3A_182 : memref<128x64xf32, #tpu.memory_space<vmem>>)
    %dma_wait3A_189 = arith.constant 0 : i32
    %dma_wait3A_190 = arith.constant 256 : i32
    %dma_wait3A_191 = arith.constant 0 : i32
    %dma_wait3A_192 = tpu.memref_slice %arg10[%dma_wait3A_190, %dma_wait3A_191] : memref<512x64xf32, #tpu.memory_space<vmem>> -> memref<128x64xf32, #tpu.memory_space<vmem>>
    %dma_wait3A_193 = arith.constant 0 : i32
    %dma_wait3A_194 = tpu.memref_slice %arg7[%dma_wait3A_189, %dma_wait3A_193] : memref<80x128xi32, #tpu.memory_space<vmem>> -> memref<1x128xi32, #tpu.memory_space<vmem>>
    %dma_wait3A_195 = tpu.memref_squeeze %dma_wait3A_194 : memref<1x128xi32, #tpu.memory_space<vmem>> -> memref<128xi32, #tpu.memory_space<vmem>>
    %dma_wait3A_196 = arith.constant 0 : i32
    %dma_wait3A_197 = arith.constant 0 : i32
    %dma_wait3A_198 = tpu.memref_slice %arg2[%dma_wait3A_196, %dma_wait3A_197] : memref<10240x64xf32, #tpu.memory_space<hbm>> -> memref<10240x64xf32, #tpu.memory_space<hbm>>
    tpu.wait_indirect_dma semaphore(%arg12 : memref<!tpu.dma_semaphore, #tpu.memory_space<semaphore_mem>>) src(%dma_wait3A_198 : memref<10240x64xf32, #tpu.memory_space<hbm>>) dst(%dma_wait3A_192 : memref<128x64xf32, #tpu.memory_space<vmem>>)
    %dma_wait3A_199 = arith.constant 0 : i32
    %dma_wait3A_200 = arith.constant 384 : i32
    %dma_wait3A_201 = arith.constant 0 : i32
    %dma_wait3A_202 = tpu.memref_slice %arg10[%dma_wait3A_200, %dma_wait3A_201] : memref<512x64xf32, #tpu.memory_space<vmem>> -> memref<128x64xf32, #tpu.memory_space<vmem>>
    %dma_wait3A_203 = arith.constant 0 : i32
    %dma_wait3A_204 = tpu.memref_slice %arg7[%dma_wait3A_199, %dma_wait3A_203] : memref<80x128xi32, #tpu.memory_space<vmem>> -> memref<1x128xi32, #tpu.memory_space<vmem>>
    %dma_wait3A_205 = tpu.memref_squeeze %dma_wait3A_204 : memref<1x128xi32, #tpu.memory_space<vmem>> -> memref<128xi32, #tpu.memory_space<vmem>>
    %dma_wait3A_206 = arith.constant 0 : i32
    %dma_wait3A_207 = arith.constant 0 : i32
    %dma_wait3A_208 = tpu.memref_slice %arg2[%dma_wait3A_206, %dma_wait3A_207] : memref<10240x64xf32, #tpu.memory_space<hbm>> -> memref<10240x64xf32, #tpu.memory_space<hbm>>
    tpu.wait_indirect_dma semaphore(%arg12 : memref<!tpu.dma_semaphore, #tpu.memory_space<semaphore_mem>>) src(%dma_wait3A_208 : memref<10240x64xf32, #tpu.memory_space<hbm>>) dst(%dma_wait3A_202 : memref<128x64xf32, #tpu.memory_space<vmem>>)
    %dma_start3A_209 = arith.constant 76 : i32
    %dma_start3A_210 = arith.constant 0 : i32
    %dma_start3A_211 = arith.constant 0 : i32
    %dma_start3A_212 = tpu.memref_slice %arg10[%dma_start3A_210, %dma_start3A_211] : memref<512x64xf32, #tpu.memory_space<vmem>> -> memref<128x64xf32, #tpu.memory_space<vmem>>
    %dma_start3A_213 = arith.constant 0 : i32
    %dma_start3A_214 = tpu.memref_slice %arg8[%dma_start3A_209, %dma_start3A_213] : memref<80x128xi32, #tpu.memory_space<vmem>> -> memref<1x128xi32, #tpu.memory_space<vmem>>
    %dma_start3A_215 = tpu.memref_squeeze %dma_start3A_214 : memref<1x128xi32, #tpu.memory_space<vmem>> -> memref<128xi32, #tpu.memory_space<vmem>>
    %dma_start3A_216 = arith.constant 0 : i32
    %dma_start3A_217 = arith.constant 0 : i32
    %dma_start3A_218 = tpu.memref_slice %arg6[%dma_start3A_216, %dma_start3A_217] : memref<10240x64xf32, #tpu.memory_space<vmem_shared>> -> memref<10240x64xf32, #tpu.memory_space<vmem_shared>>
    tpu.enqueue_indirect_dma source(%dma_start3A_212 : memref<128x64xf32, #tpu.memory_space<vmem>>) target(%dma_start3A_218 : memref<10240x64xf32, #tpu.memory_space<vmem_shared>>) offsets(%dma_start3A_215 : memref<128xi32, #tpu.memory_space<vmem>>) semaphore(%arg14 : memref<!tpu.dma_semaphore, #tpu.memory_space<semaphore_mem>>) {add = true}
    %dma_start3A_219 = arith.constant 77 : i32
    %dma_start3A_220 = arith.constant 128 : i32
    %dma_start3A_221 = arith.constant 0 : i32
    %dma_start3A_222 = tpu.memref_slice %arg10[%dma_start3A_220, %dma_start3A_221] : memref<512x64xf32, #tpu.memory_space<vmem>> -> memref<128x64xf32, #tpu.memory_space<vmem>>
    %dma_start3A_223 = arith.constant 0 : i32
    %dma_start3A_224 = tpu.memref_slice %arg8[%dma_start3A_219, %dma_start3A_223] : memref<80x128xi32, #tpu.memory_space<vmem>> -> memref<1x128xi32, #tpu.memory_space<vmem>>
    %dma_start3A_225 = tpu.memref_squeeze %dma_start3A_224 : memref<1x128xi32, #tpu.memory_space<vmem>> -> memref<128xi32, #tpu.memory_space<vmem>>
    %dma_start3A_226 = arith.constant 0 : i32
    %dma_start3A_227 = arith.constant 0 : i32
    %dma_start3A_228 = tpu.memref_slice %arg6[%dma_start3A_226, %dma_start3A_227] : memref<10240x64xf32, #tpu.memory_space<vmem_shared>> -> memref<10240x64xf32, #tpu.memory_space<vmem_shared>>
    tpu.enqueue_indirect_dma source(%dma_start3A_222 : memref<128x64xf32, #tpu.memory_space<vmem>>) target(%dma_start3A_228 : memref<10240x64xf32, #tpu.memory_space<vmem_shared>>) offsets(%dma_start3A_225 : memref<128xi32, #tpu.memory_space<vmem>>) semaphore(%arg14 : memref<!tpu.dma_semaphore, #tpu.memory_space<semaphore_mem>>) {add = true}
    %dma_start3A_229 = arith.constant 78 : i32
    %dma_start3A_230 = arith.constant 256 : i32
    %dma_start3A_231 = arith.constant 0 : i32
    %dma_start3A_232 = tpu.memref_slice %arg10[%dma_start3A_230, %dma_start3A_231] : memref<512x64xf32, #tpu.memory_space<vmem>> -> memref<128x64xf32, #tpu.memory_space<vmem>>
    %dma_start3A_233 = arith.constant 0 : i32
    %dma_start3A_234 = tpu.memref_slice %arg8[%dma_start3A_229, %dma_start3A_233] : memref<80x128xi32, #tpu.memory_space<vmem>> -> memref<1x128xi32, #tpu.memory_space<vmem>>
    %dma_start3A_235 = tpu.memref_squeeze %dma_start3A_234 : memref<1x128xi32, #tpu.memory_space<vmem>> -> memref<128xi32, #tpu.memory_space<vmem>>
    %dma_start3A_236 = arith.constant 0 : i32
    %dma_start3A_237 = arith.constant 0 : i32
    %dma_start3A_238 = tpu.memref_slice %arg6[%dma_start3A_236, %dma_start3A_237] : memref<10240x64xf32, #tpu.memory_space<vmem_shared>> -> memref<10240x64xf32, #tpu.memory_space<vmem_shared>>
    tpu.enqueue_indirect_dma source(%dma_start3A_232 : memref<128x64xf32, #tpu.memory_space<vmem>>) target(%dma_start3A_238 : memref<10240x64xf32, #tpu.memory_space<vmem_shared>>) offsets(%dma_start3A_235 : memref<128xi32, #tpu.memory_space<vmem>>) semaphore(%arg14 : memref<!tpu.dma_semaphore, #tpu.memory_space<semaphore_mem>>) {add = true}
    %dma_start3A_239 = arith.constant 79 : i32
    %dma_start3A_240 = arith.constant 384 : i32
    %dma_start3A_241 = arith.constant 0 : i32
    %dma_start3A_242 = tpu.memref_slice %arg10[%dma_start3A_240, %dma_start3A_241] : memref<512x64xf32, #tpu.memory_space<vmem>> -> memref<128x64xf32, #tpu.memory_space<vmem>>
    %dma_start3A_243 = arith.constant 0 : i32
    %dma_start3A_244 = tpu.memref_slice %arg8[%dma_start3A_239, %dma_start3A_243] : memref<80x128xi32, #tpu.memory_space<vmem>> -> memref<1x128xi32, #tpu.memory_space<vmem>>
    %dma_start3A_245 = tpu.memref_squeeze %dma_start3A_244 : memref<1x128xi32, #tpu.memory_space<vmem>> -> memref<128xi32, #tpu.memory_space<vmem>>
    %dma_start3A_246 = arith.constant 0 : i32
    %dma_start3A_247 = arith.constant 0 : i32
    %dma_start3A_248 = tpu.memref_slice %arg6[%dma_start3A_246, %dma_start3A_247] : memref<10240x64xf32, #tpu.memory_space<vmem_shared>> -> memref<10240x64xf32, #tpu.memory_space<vmem_shared>>
    tpu.enqueue_indirect_dma source(%dma_start3A_242 : memref<128x64xf32, #tpu.memory_space<vmem>>) target(%dma_start3A_248 : memref<10240x64xf32, #tpu.memory_space<vmem_shared>>) offsets(%dma_start3A_245 : memref<128xi32, #tpu.memory_space<vmem>>) semaphore(%arg14 : memref<!tpu.dma_semaphore, #tpu.memory_space<semaphore_mem>>) {add = true}
    %dma_wait3A_249 = arith.constant 0 : i32
    %dma_wait3A_250 = arith.constant 0 : i32
    %dma_wait3A_251 = arith.constant 0 : i32
    %dma_wait3A_252 = tpu.memref_slice %arg9[%dma_wait3A_250, %dma_wait3A_251] : memref<512x64xf32, #tpu.memory_space<vmem>> -> memref<128x64xf32, #tpu.memory_space<vmem>>
    %dma_wait3A_253 = arith.constant 0 : i32
    %dma_wait3A_254 = tpu.memref_slice %arg8[%dma_wait3A_249, %dma_wait3A_253] : memref<80x128xi32, #tpu.memory_space<vmem>> -> memref<1x128xi32, #tpu.memory_space<vmem>>
    %dma_wait3A_255 = tpu.memref_squeeze %dma_wait3A_254 : memref<1x128xi32, #tpu.memory_space<vmem>> -> memref<128xi32, #tpu.memory_space<vmem>>
    %dma_wait3A_256 = arith.constant 0 : i32
    %dma_wait3A_257 = arith.constant 0 : i32
    %dma_wait3A_258 = tpu.memref_slice %arg6[%dma_wait3A_256, %dma_wait3A_257] : memref<10240x64xf32, #tpu.memory_space<vmem_shared>> -> memref<10240x64xf32, #tpu.memory_space<vmem_shared>>
    tpu.wait_indirect_dma semaphore(%arg13 : memref<!tpu.dma_semaphore, #tpu.memory_space<semaphore_mem>>) src(%dma_wait3A_252 : memref<128x64xf32, #tpu.memory_space<vmem>>) dst(%dma_wait3A_258 : memref<10240x64xf32, #tpu.memory_space<vmem_shared>>)
    %dma_wait3A_259 = arith.constant 0 : i32
    %dma_wait3A_260 = arith.constant 128 : i32
    %dma_wait3A_261 = arith.constant 0 : i32
    %dma_wait3A_262 = tpu.memref_slice %arg9[%dma_wait3A_260, %dma_wait3A_261] : memref<512x64xf32, #tpu.memory_space<vmem>> -> memref<128x64xf32, #tpu.memory_space<vmem>>
    %dma_wait3A_263 = arith.constant 0 : i32
    %dma_wait3A_264 = tpu.memref_slice %arg8[%dma_wait3A_259, %dma_wait3A_263] : memref<80x128xi32, #tpu.memory_space<vmem>> -> memref<1x128xi32, #tpu.memory_space<vmem>>
    %dma_wait3A_265 = tpu.memref_squeeze %dma_wait3A_264 : memref<1x128xi32, #tpu.memory_space<vmem>> -> memref<128xi32, #tpu.memory_space<vmem>>
    %dma_wait3A_266 = arith.constant 0 : i32
    %dma_wait3A_267 = arith.constant 0 : i32
    %dma_wait3A_268 = tpu.memref_slice %arg6[%dma_wait3A_266, %dma_wait3A_267] : memref<10240x64xf32, #tpu.memory_space<vmem_shared>> -> memref<10240x64xf32, #tpu.memory_space<vmem_shared>>
    tpu.wait_indirect_dma semaphore(%arg13 : memref<!tpu.dma_semaphore, #tpu.memory_space<semaphore_mem>>) src(%dma_wait3A_262 : memref<128x64xf32, #tpu.memory_space<vmem>>) dst(%dma_wait3A_268 : memref<10240x64xf32, #tpu.memory_space<vmem_shared>>)
    %dma_wait3A_269 = arith.constant 0 : i32
    %dma_wait3A_270 = arith.constant 256 : i32
    %dma_wait3A_271 = arith.constant 0 : i32
    %dma_wait3A_272 = tpu.memref_slice %arg9[%dma_wait3A_270, %dma_wait3A_271] : memref<512x64xf32, #tpu.memory_space<vmem>> -> memref<128x64xf32, #tpu.memory_space<vmem>>
    %dma_wait3A_273 = arith.constant 0 : i32
    %dma_wait3A_274 = tpu.memref_slice %arg8[%dma_wait3A_269, %dma_wait3A_273] : memref<80x128xi32, #tpu.memory_space<vmem>> -> memref<1x128xi32, #tpu.memory_space<vmem>>
    %dma_wait3A_275 = tpu.memref_squeeze %dma_wait3A_274 : memref<1x128xi32, #tpu.memory_space<vmem>> -> memref<128xi32, #tpu.memory_space<vmem>>
    %dma_wait3A_276 = arith.constant 0 : i32
    %dma_wait3A_277 = arith.constant 0 : i32
    %dma_wait3A_278 = tpu.memref_slice %arg6[%dma_wait3A_276, %dma_wait3A_277] : memref<10240x64xf32, #tpu.memory_space<vmem_shared>> -> memref<10240x64xf32, #tpu.memory_space<vmem_shared>>
    tpu.wait_indirect_dma semaphore(%arg13 : memref<!tpu.dma_semaphore, #tpu.memory_space<semaphore_mem>>) src(%dma_wait3A_272 : memref<128x64xf32, #tpu.memory_space<vmem>>) dst(%dma_wait3A_278 : memref<10240x64xf32, #tpu.memory_space<vmem_shared>>)
    %dma_wait3A_279 = arith.constant 0 : i32
    %dma_wait3A_280 = arith.constant 384 : i32
    %dma_wait3A_281 = arith.constant 0 : i32
    %dma_wait3A_282 = tpu.memref_slice %arg9[%dma_wait3A_280, %dma_wait3A_281] : memref<512x64xf32, #tpu.memory_space<vmem>> -> memref<128x64xf32, #tpu.memory_space<vmem>>
    %dma_wait3A_283 = arith.constant 0 : i32
    %dma_wait3A_284 = tpu.memref_slice %arg8[%dma_wait3A_279, %dma_wait3A_283] : memref<80x128xi32, #tpu.memory_space<vmem>> -> memref<1x128xi32, #tpu.memory_space<vmem>>
    %dma_wait3A_285 = tpu.memref_squeeze %dma_wait3A_284 : memref<1x128xi32, #tpu.memory_space<vmem>> -> memref<128xi32, #tpu.memory_space<vmem>>
    %dma_wait3A_286 = arith.constant 0 : i32
    %dma_wait3A_287 = arith.constant 0 : i32
    %dma_wait3A_288 = tpu.memref_slice %arg6[%dma_wait3A_286, %dma_wait3A_287] : memref<10240x64xf32, #tpu.memory_space<vmem_shared>> -> memref<10240x64xf32, #tpu.memory_space<vmem_shared>>
    tpu.wait_indirect_dma semaphore(%arg13 : memref<!tpu.dma_semaphore, #tpu.memory_space<semaphore_mem>>) src(%dma_wait3A_282 : memref<128x64xf32, #tpu.memory_space<vmem>>) dst(%dma_wait3A_288 : memref<10240x64xf32, #tpu.memory_space<vmem_shared>>)
    %dma_wait3A_289 = arith.constant 0 : i32
    %dma_wait3A_290 = arith.constant 0 : i32
    %dma_wait3A_291 = arith.constant 0 : i32
    %dma_wait3A_292 = tpu.memref_slice %arg10[%dma_wait3A_290, %dma_wait3A_291] : memref<512x64xf32, #tpu.memory_space<vmem>> -> memref<128x64xf32, #tpu.memory_space<vmem>>
    %dma_wait3A_293 = arith.constant 0 : i32
    %dma_wait3A_294 = tpu.memref_slice %arg8[%dma_wait3A_289, %dma_wait3A_293] : memref<80x128xi32, #tpu.memory_space<vmem>> -> memref<1x128xi32, #tpu.memory_space<vmem>>
    %dma_wait3A_295 = tpu.memref_squeeze %dma_wait3A_294 : memref<1x128xi32, #tpu.memory_space<vmem>> -> memref<128xi32, #tpu.memory_space<vmem>>
    %dma_wait3A_296 = arith.constant 0 : i32
    %dma_wait3A_297 = arith.constant 0 : i32
    %dma_wait3A_298 = tpu.memref_slice %arg6[%dma_wait3A_296, %dma_wait3A_297] : memref<10240x64xf32, #tpu.memory_space<vmem_shared>> -> memref<10240x64xf32, #tpu.memory_space<vmem_shared>>
    tpu.wait_indirect_dma semaphore(%arg14 : memref<!tpu.dma_semaphore, #tpu.memory_space<semaphore_mem>>) src(%dma_wait3A_292 : memref<128x64xf32, #tpu.memory_space<vmem>>) dst(%dma_wait3A_298 : memref<10240x64xf32, #tpu.memory_space<vmem_shared>>)
    %dma_wait3A_299 = arith.constant 0 : i32
    %dma_wait3A_300 = arith.constant 128 : i32
    %dma_wait3A_301 = arith.constant 0 : i32
    %dma_wait3A_302 = tpu.memref_slice %arg10[%dma_wait3A_300, %dma_wait3A_301] : memref<512x64xf32, #tpu.memory_space<vmem>> -> memref<128x64xf32, #tpu.memory_space<vmem>>
    %dma_wait3A_303 = arith.constant 0 : i32
    %dma_wait3A_304 = tpu.memref_slice %arg8[%dma_wait3A_299, %dma_wait3A_303] : memref<80x128xi32, #tpu.memory_space<vmem>> -> memref<1x128xi32, #tpu.memory_space<vmem>>
    %dma_wait3A_305 = tpu.memref_squeeze %dma_wait3A_304 : memref<1x128xi32, #tpu.memory_space<vmem>> -> memref<128xi32, #tpu.memory_space<vmem>>
    %dma_wait3A_306 = arith.constant 0 : i32
    %dma_wait3A_307 = arith.constant 0 : i32
    %dma_wait3A_308 = tpu.memref_slice %arg6[%dma_wait3A_306, %dma_wait3A_307] : memref<10240x64xf32, #tpu.memory_space<vmem_shared>> -> memref<10240x64xf32, #tpu.memory_space<vmem_shared>>
    tpu.wait_indirect_dma semaphore(%arg14 : memref<!tpu.dma_semaphore, #tpu.memory_space<semaphore_mem>>) src(%dma_wait3A_302 : memref<128x64xf32, #tpu.memory_space<vmem>>) dst(%dma_wait3A_308 : memref<10240x64xf32, #tpu.memory_space<vmem_shared>>)
    %dma_wait3A_309 = arith.constant 0 : i32
    %dma_wait3A_310 = arith.constant 256 : i32
    %dma_wait3A_311 = arith.constant 0 : i32
    %dma_wait3A_312 = tpu.memref_slice %arg10[%dma_wait3A_310, %dma_wait3A_311] : memref<512x64xf32, #tpu.memory_space<vmem>> -> memref<128x64xf32, #tpu.memory_space<vmem>>
    %dma_wait3A_313 = arith.constant 0 : i32
    %dma_wait3A_314 = tpu.memref_slice %arg8[%dma_wait3A_309, %dma_wait3A_313] : memref<80x128xi32, #tpu.memory_space<vmem>> -> memref<1x128xi32, #tpu.memory_space<vmem>>
    %dma_wait3A_315 = tpu.memref_squeeze %dma_wait3A_314 : memref<1x128xi32, #tpu.memory_space<vmem>> -> memref<128xi32, #tpu.memory_space<vmem>>
    %dma_wait3A_316 = arith.constant 0 : i32
    %dma_wait3A_317 = arith.constant 0 : i32
    %dma_wait3A_318 = tpu.memref_slice %arg6[%dma_wait3A_316, %dma_wait3A_317] : memref<10240x64xf32, #tpu.memory_space<vmem_shared>> -> memref<10240x64xf32, #tpu.memory_space<vmem_shared>>
    tpu.wait_indirect_dma semaphore(%arg14 : memref<!tpu.dma_semaphore, #tpu.memory_space<semaphore_mem>>) src(%dma_wait3A_312 : memref<128x64xf32, #tpu.memory_space<vmem>>) dst(%dma_wait3A_318 : memref<10240x64xf32, #tpu.memory_space<vmem_shared>>)
    %dma_wait3A_319 = arith.constant 0 : i32
    %dma_wait3A_320 = arith.constant 384 : i32
    %dma_wait3A_321 = arith.constant 0 : i32
    %dma_wait3A_322 = tpu.memref_slice %arg10[%dma_wait3A_320, %dma_wait3A_321] : memref<512x64xf32, #tpu.memory_space<vmem>> -> memref<128x64xf32, #tpu.memory_space<vmem>>
    %dma_wait3A_323 = arith.constant 0 : i32
    %dma_wait3A_324 = tpu.memref_slice %arg8[%dma_wait3A_319, %dma_wait3A_323] : memref<80x128xi32, #tpu.memory_space<vmem>> -> memref<1x128xi32, #tpu.memory_space<vmem>>
    %dma_wait3A_325 = tpu.memref_squeeze %dma_wait3A_324 : memref<1x128xi32, #tpu.memory_space<vmem>> -> memref<128xi32, #tpu.memory_space<vmem>>
    %dma_wait3A_326 = arith.constant 0 : i32
    %dma_wait3A_327 = arith.constant 0 : i32
    %dma_wait3A_328 = tpu.memref_slice %arg6[%dma_wait3A_326, %dma_wait3A_327] : memref<10240x64xf32, #tpu.memory_space<vmem_shared>> -> memref<10240x64xf32, #tpu.memory_space<vmem_shared>>
    tpu.wait_indirect_dma semaphore(%arg14 : memref<!tpu.dma_semaphore, #tpu.memory_space<semaphore_mem>>) src(%dma_wait3A_322 : memref<128x64xf32, #tpu.memory_space<vmem>>) dst(%dma_wait3A_328 : memref<10240x64xf32, #tpu.memory_space<vmem_shared>>)
    %barrier3A_329 = arith.constant 0 : index
    tpu.barrier barrier_id(%barrier3A_329)
    %mul3A_330 = arith.constant 640 : i32
    %mul3A_331 = arith.muli %arg1, %mul3A_330 : i32
    %mul3A_332 = arith.constant 640 : i32
    %mul3A_333 = arith.muli %arg1, %mul3A_332 : i32
    "tpu.region"() ({
      %run_scoped3A = tpu.sem_alloc : memref<!tpu.dma_semaphore, #tpu.memory_space<semaphore_mem>>
      %dma_start3A_334 = arith.constant 0 : i32
      %dma_start3A_335 = tpu.memref_slice %arg5[%arg0, %mul3A_333, %dma_start3A_334] : memref<2x10240x64xf32, #tpu.memory_space<hbm>> -> memref<1x640x64xf32, #tpu.memory_space<hbm>>
      %dma_start3A_336 = tpu.memref_squeeze %dma_start3A_335 : memref<1x640x64xf32, #tpu.memory_space<hbm>> -> memref<640x64xf32, #tpu.memory_space<hbm>>
      %dma_start3A_337 = arith.constant 0 : i32
      %dma_start3A_338 = tpu.memref_slice %arg6[%mul3A_331, %dma_start3A_337] : memref<10240x64xf32, #tpu.memory_space<vmem_shared>> -> memref<640x64xf32, #tpu.memory_space<vmem_shared>>
      tpu.enqueue_dma source(%dma_start3A_338 : memref<640x64xf32, #tpu.memory_space<vmem_shared>>) target(%dma_start3A_336 : memref<640x64xf32, #tpu.memory_space<hbm>>) target_semaphore(%run_scoped3A : memref<!tpu.dma_semaphore, #tpu.memory_space<semaphore_mem>>)
      %dma_wait3A_339 = arith.constant 0 : i32
      %dma_wait3A_340 = tpu.memref_slice %arg5[%arg0, %mul3A_333, %dma_wait3A_339] : memref<2x10240x64xf32, #tpu.memory_space<hbm>> -> memref<1x640x64xf32, #tpu.memory_space<hbm>>
      %dma_wait3A_341 = tpu.memref_squeeze %dma_wait3A_340 : memref<1x640x64xf32, #tpu.memory_space<hbm>> -> memref<640x64xf32, #tpu.memory_space<hbm>>
      %dma_wait3A_342 = arith.constant 0 : i32
      %dma_wait3A_343 = tpu.memref_slice %arg6[%mul3A_331, %dma_wait3A_342] : memref<10240x64xf32, #tpu.memory_space<vmem_shared>> -> memref<640x64xf32, #tpu.memory_space<vmem_shared>>
      tpu.wait_dma2 semaphore(%run_scoped3A : memref<!tpu.dma_semaphore, #tpu.memory_space<semaphore_mem>>) src(%dma_wait3A_343 : memref<640x64xf32, #tpu.memory_space<vmem_shared>>) dst(%dma_wait3A_341 : memref<640x64xf32, #tpu.memory_space<hbm>>)
      tpu.yield
    }) : () -> ()
    return
  }
}

#map = affine_map<(d0, d1) -> (0, 0)>
#map1 = affine_map<(d0, d1) -> (0, 0, 0)>
module attributes {stable_mosaic.version = 14 : i64} {
  func.func @_hop_body(%arg0: i32, %arg1: i32, %arg2: memref<10240x64xf32, #tpu.memory_space<hbm>>, %arg3: memref<32x80x128xi32, #tpu.memory_space<hbm>>, %arg4: memref<32x80x128xi32, #tpu.memory_space<hbm>>, %arg5: memref<2x10240x64xf32, #tpu.memory_space<hbm>>, %arg6: memref<10240x64xf32, #tpu.memory_space<vmem_shared>>, %arg7: memref<80x128xi32, #tpu.memory_space<vmem>>, %arg8: memref<80x128xi32, #tpu.memory_space<vmem>>, %arg9: memref<512x64xf32, #tpu.memory_space<vmem>>, %arg10: memref<512x64xf32, #tpu.memory_space<vmem>>, %arg11: memref<!tpu.dma_semaphore, #tpu.memory_space<semaphore_mem>>, %arg12: memref<!tpu.dma_semaphore, #tpu.memory_space<semaphore_mem>>, %arg13: memref<!tpu.dma_semaphore, #tpu.memory_space<semaphore_mem>>, %arg14: memref<!tpu.dma_semaphore, #tpu.memory_space<semaphore_mem>>) attributes {dimension_semantics = [#tpu.dimension_semantics<core_parallel>, #tpu.dimension_semantics<subcore_parallel>], iteration_bounds = array<i64: 2, 16>, scalar_prefetch = 0 : i64, scratch_operands = 9 : i64, tpu.core_type = #tpu.core_type<sc_vector_subcore>, window_params = [{transform_indices = #map}, {transform_indices = #map1}, {transform_indices = #map1}, {transform_indices = #map1}]} {
    %mul3A = arith.constant 16 : i32
    %mul3A_0 = arith.muli %arg0, %mul3A : i32
    %add3A = arith.addi %mul3A_0, %arg1 : i32
    %mul3A_1 = arith.constant 640 : i32
    %mul3A_2 = arith.muli %arg1, %mul3A_1 : i32
    %mul3A_3 = arith.constant 640 : i32
    %mul3A_4 = arith.muli %arg1, %mul3A_3 : i32
    "tpu.region"() ({
      %run_scoped3A = tpu.sem_alloc : memref<!tpu.dma_semaphore, #tpu.memory_space<semaphore_mem>>
      %dma_start3A_334 = arith.constant 0 : i32
      %dma_start3A_335 = tpu.memref_slice %arg6[%mul3A_4, %dma_start3A_334] : memref<10240x64xf32, #tpu.memory_space<vmem_shared>> -> memref<640x64xf32, #tpu.memory_space<vmem_shared>>
      %dma_start3A_336 = arith.constant 0 : i32
      %dma_start3A_337 = tpu.memref_slice %arg2[%mul3A_2, %dma_start3A_336] : memref<10240x64xf32, #tpu.memory_space<hbm>> -> memref<640x64xf32, #tpu.memory_space<hbm>>
      tpu.enqueue_dma source(%dma_start3A_337 : memref<640x64xf32, #tpu.memory_space<hbm>>) target(%dma_start3A_335 : memref<640x64xf32, #tpu.memory_space<vmem_shared>>) target_semaphore(%run_scoped3A : memref<!tpu.dma_semaphore, #tpu.memory_space<semaphore_mem>>)
      %dma_wait3A_338 = arith.constant 0 : i32
      %dma_wait3A_339 = tpu.memref_slice %arg6[%mul3A_4, %dma_wait3A_338] : memref<10240x64xf32, #tpu.memory_space<vmem_shared>> -> memref<640x64xf32, #tpu.memory_space<vmem_shared>>
      %dma_wait3A_340 = arith.constant 0 : i32
      %dma_wait3A_341 = tpu.memref_slice %arg2[%mul3A_2, %dma_wait3A_340] : memref<10240x64xf32, #tpu.memory_space<hbm>> -> memref<640x64xf32, #tpu.memory_space<hbm>>
      tpu.wait_dma2 semaphore(%run_scoped3A : memref<!tpu.dma_semaphore, #tpu.memory_space<semaphore_mem>>) src(%dma_wait3A_341 : memref<640x64xf32, #tpu.memory_space<hbm>>) dst(%dma_wait3A_339 : memref<640x64xf32, #tpu.memory_space<vmem_shared>>)
      tpu.yield
    }) : () -> ()
    "tpu.region"() ({
      %run_scoped3A = tpu.sem_alloc : memref<!tpu.dma_semaphore, #tpu.memory_space<semaphore_mem>>
      %dma_start3A_334 = arith.constant 0 : i32
      %dma_start3A_335 = arith.constant 0 : i32
      %dma_start3A_336 = tpu.memref_slice %arg3[%add3A, %dma_start3A_334, %dma_start3A_335] : memref<32x80x128xi32, #tpu.memory_space<hbm>> -> memref<1x80x128xi32, #tpu.memory_space<hbm>>
      %dma_start3A_337 = tpu.memref_squeeze %dma_start3A_336 : memref<1x80x128xi32, #tpu.memory_space<hbm>> -> memref<80x128xi32, #tpu.memory_space<hbm>>
      %dma_start3A_338 = arith.constant 0 : i32
      %dma_start3A_339 = arith.constant 0 : i32
      %dma_start3A_340 = tpu.memref_slice %arg3[%add3A, %dma_start3A_338, %dma_start3A_339] : memref<32x80x128xi32, #tpu.memory_space<hbm>> -> memref<1x80x128xi32, #tpu.memory_space<hbm>>
      %dma_start3A_341 = tpu.memref_squeeze %dma_start3A_340 : memref<1x80x128xi32, #tpu.memory_space<hbm>> -> memref<80x128xi32, #tpu.memory_space<hbm>>
      tpu.enqueue_dma source(%dma_start3A_341 : memref<80x128xi32, #tpu.memory_space<hbm>>) target(%arg7 : memref<80x128xi32, #tpu.memory_space<vmem>>) target_semaphore(%run_scoped3A : memref<!tpu.dma_semaphore, #tpu.memory_space<semaphore_mem>>)
      %dma_wait3A_342 = arith.constant 0 : i32
      %dma_wait3A_343 = arith.constant 0 : i32
      %dma_wait3A_344 = tpu.memref_slice %arg3[%add3A, %dma_wait3A_342, %dma_wait3A_343] : memref<32x80x128xi32, #tpu.memory_space<hbm>> -> memref<1x80x128xi32, #tpu.memory_space<hbm>>
      %dma_wait3A_345 = tpu.memref_squeeze %dma_wait3A_344 : memref<1x80x128xi32, #tpu.memory_space<hbm>> -> memref<80x128xi32, #tpu.memory_space<hbm>>
      %dma_wait3A_346 = arith.constant 0 : i32
      %dma_wait3A_347 = arith.constant 0 : i32
      %dma_wait3A_348 = tpu.memref_slice %arg3[%add3A, %dma_wait3A_346, %dma_wait3A_347] : memref<32x80x128xi32, #tpu.memory_space<hbm>> -> memref<1x80x128xi32, #tpu.memory_space<hbm>>
      %dma_wait3A_349 = tpu.memref_squeeze %dma_wait3A_348 : memref<1x80x128xi32, #tpu.memory_space<hbm>> -> memref<80x128xi32, #tpu.memory_space<hbm>>
      tpu.wait_dma2 semaphore(%run_scoped3A : memref<!tpu.dma_semaphore, #tpu.memory_space<semaphore_mem>>) src(%dma_wait3A_349 : memref<80x128xi32, #tpu.memory_space<hbm>>) dst(%arg7 : memref<80x128xi32, #tpu.memory_space<vmem>>)
      tpu.yield
    }) : () -> ()
    "tpu.region"() ({
      %run_scoped3A = tpu.sem_alloc : memref<!tpu.dma_semaphore, #tpu.memory_space<semaphore_mem>>
      %dma_start3A_334 = arith.constant 0 : i32
      %dma_start3A_335 = arith.constant 0 : i32
      %dma_start3A_336 = tpu.memref_slice %arg4[%add3A, %dma_start3A_334, %dma_start3A_335] : memref<32x80x128xi32, #tpu.memory_space<hbm>> -> memref<1x80x128xi32, #tpu.memory_space<hbm>>
      %dma_start3A_337 = tpu.memref_squeeze %dma_start3A_336 : memref<1x80x128xi32, #tpu.memory_space<hbm>> -> memref<80x128xi32, #tpu.memory_space<hbm>>
      %dma_start3A_338 = arith.constant 0 : i32
      %dma_start3A_339 = arith.constant 0 : i32
      %dma_start3A_340 = tpu.memref_slice %arg4[%add3A, %dma_start3A_338, %dma_start3A_339] : memref<32x80x128xi32, #tpu.memory_space<hbm>> -> memref<1x80x128xi32, #tpu.memory_space<hbm>>
      %dma_start3A_341 = tpu.memref_squeeze %dma_start3A_340 : memref<1x80x128xi32, #tpu.memory_space<hbm>> -> memref<80x128xi32, #tpu.memory_space<hbm>>
      tpu.enqueue_dma source(%dma_start3A_341 : memref<80x128xi32, #tpu.memory_space<hbm>>) target(%arg8 : memref<80x128xi32, #tpu.memory_space<vmem>>) target_semaphore(%run_scoped3A : memref<!tpu.dma_semaphore, #tpu.memory_space<semaphore_mem>>)
      %dma_wait3A_342 = arith.constant 0 : i32
      %dma_wait3A_343 = arith.constant 0 : i32
      %dma_wait3A_344 = tpu.memref_slice %arg4[%add3A, %dma_wait3A_342, %dma_wait3A_343] : memref<32x80x128xi32, #tpu.memory_space<hbm>> -> memref<1x80x128xi32, #tpu.memory_space<hbm>>
      %dma_wait3A_345 = tpu.memref_squeeze %dma_wait3A_344 : memref<1x80x128xi32, #tpu.memory_space<hbm>> -> memref<80x128xi32, #tpu.memory_space<hbm>>
      %dma_wait3A_346 = arith.constant 0 : i32
      %dma_wait3A_347 = arith.constant 0 : i32
      %dma_wait3A_348 = tpu.memref_slice %arg4[%add3A, %dma_wait3A_346, %dma_wait3A_347] : memref<32x80x128xi32, #tpu.memory_space<hbm>> -> memref<1x80x128xi32, #tpu.memory_space<hbm>>
      %dma_wait3A_349 = tpu.memref_squeeze %dma_wait3A_348 : memref<1x80x128xi32, #tpu.memory_space<hbm>> -> memref<80x128xi32, #tpu.memory_space<hbm>>
      tpu.wait_dma2 semaphore(%run_scoped3A : memref<!tpu.dma_semaphore, #tpu.memory_space<semaphore_mem>>) src(%dma_wait3A_349 : memref<80x128xi32, #tpu.memory_space<hbm>>) dst(%arg8 : memref<80x128xi32, #tpu.memory_space<vmem>>)
      tpu.yield
    }) : () -> ()
    %barrier3A = arith.constant 0 : index
    tpu.barrier barrier_id(%barrier3A)
    %dma_start3A = arith.constant 0 : i32
    %dma_start3A_5 = arith.constant 0 : i32
    %dma_start3A_6 = arith.constant 0 : i32
    %dma_start3A_7 = tpu.memref_slice %arg9[%dma_start3A_5, %dma_start3A_6] : memref<512x64xf32, #tpu.memory_space<vmem>> -> memref<128x64xf32, #tpu.memory_space<vmem>>
    %dma_start3A_8 = arith.constant 0 : i32
    %dma_start3A_9 = tpu.memref_slice %arg7[%dma_start3A, %dma_start3A_8] : memref<80x128xi32, #tpu.memory_space<vmem>> -> memref<1x128xi32, #tpu.memory_space<vmem>>
    %dma_start3A_10 = tpu.memref_squeeze %dma_start3A_9 : memref<1x128xi32, #tpu.memory_space<vmem>> -> memref<128xi32, #tpu.memory_space<vmem>>
    %dma_start3A_11 = arith.constant 0 : i32
    %dma_start3A_12 = arith.constant 0 : i32
    %dma_start3A_13 = tpu.memref_slice %arg2[%dma_start3A_11, %dma_start3A_12] : memref<10240x64xf32, #tpu.memory_space<hbm>> -> memref<10240x64xf32, #tpu.memory_space<hbm>>
    tpu.enqueue_indirect_dma source(%dma_start3A_13 : memref<10240x64xf32, #tpu.memory_space<hbm>>) target(%dma_start3A_7 : memref<128x64xf32, #tpu.memory_space<vmem>>) offsets(%dma_start3A_10 : memref<128xi32, #tpu.memory_space<vmem>>) semaphore(%arg11 : memref<!tpu.dma_semaphore, #tpu.memory_space<semaphore_mem>>)
    %dma_start3A_14 = arith.constant 1 : i32
    %dma_start3A_15 = arith.constant 128 : i32
    %dma_start3A_16 = arith.constant 0 : i32
    %dma_start3A_17 = tpu.memref_slice %arg9[%dma_start3A_15, %dma_start3A_16] : memref<512x64xf32, #tpu.memory_space<vmem>> -> memref<128x64xf32, #tpu.memory_space<vmem>>
    %dma_start3A_18 = arith.constant 0 : i32
    %dma_start3A_19 = tpu.memref_slice %arg7[%dma_start3A_14, %dma_start3A_18] : memref<80x128xi32, #tpu.memory_space<vmem>> -> memref<1x128xi32, #tpu.memory_space<vmem>>
    %dma_start3A_20 = tpu.memref_squeeze %dma_start3A_19 : memref<1x128xi32, #tpu.memory_space<vmem>> -> memref<128xi32, #tpu.memory_space<vmem>>
    %dma_start3A_21 = arith.constant 0 : i32
    %dma_start3A_22 = arith.constant 0 : i32
    %dma_start3A_23 = tpu.memref_slice %arg2[%dma_start3A_21, %dma_start3A_22] : memref<10240x64xf32, #tpu.memory_space<hbm>> -> memref<10240x64xf32, #tpu.memory_space<hbm>>
    tpu.enqueue_indirect_dma source(%dma_start3A_23 : memref<10240x64xf32, #tpu.memory_space<hbm>>) target(%dma_start3A_17 : memref<128x64xf32, #tpu.memory_space<vmem>>) offsets(%dma_start3A_20 : memref<128xi32, #tpu.memory_space<vmem>>) semaphore(%arg11 : memref<!tpu.dma_semaphore, #tpu.memory_space<semaphore_mem>>)
    %dma_start3A_24 = arith.constant 2 : i32
    %dma_start3A_25 = arith.constant 256 : i32
    %dma_start3A_26 = arith.constant 0 : i32
    %dma_start3A_27 = tpu.memref_slice %arg9[%dma_start3A_25, %dma_start3A_26] : memref<512x64xf32, #tpu.memory_space<vmem>> -> memref<128x64xf32, #tpu.memory_space<vmem>>
    %dma_start3A_28 = arith.constant 0 : i32
    %dma_start3A_29 = tpu.memref_slice %arg7[%dma_start3A_24, %dma_start3A_28] : memref<80x128xi32, #tpu.memory_space<vmem>> -> memref<1x128xi32, #tpu.memory_space<vmem>>
    %dma_start3A_30 = tpu.memref_squeeze %dma_start3A_29 : memref<1x128xi32, #tpu.memory_space<vmem>> -> memref<128xi32, #tpu.memory_space<vmem>>
    %dma_start3A_31 = arith.constant 0 : i32
    %dma_start3A_32 = arith.constant 0 : i32
    %dma_start3A_33 = tpu.memref_slice %arg2[%dma_start3A_31, %dma_start3A_32] : memref<10240x64xf32, #tpu.memory_space<hbm>> -> memref<10240x64xf32, #tpu.memory_space<hbm>>
    tpu.enqueue_indirect_dma source(%dma_start3A_33 : memref<10240x64xf32, #tpu.memory_space<hbm>>) target(%dma_start3A_27 : memref<128x64xf32, #tpu.memory_space<vmem>>) offsets(%dma_start3A_30 : memref<128xi32, #tpu.memory_space<vmem>>) semaphore(%arg11 : memref<!tpu.dma_semaphore, #tpu.memory_space<semaphore_mem>>)
    %dma_start3A_34 = arith.constant 3 : i32
    %dma_start3A_35 = arith.constant 384 : i32
    %dma_start3A_36 = arith.constant 0 : i32
    %dma_start3A_37 = tpu.memref_slice %arg9[%dma_start3A_35, %dma_start3A_36] : memref<512x64xf32, #tpu.memory_space<vmem>> -> memref<128x64xf32, #tpu.memory_space<vmem>>
    %dma_start3A_38 = arith.constant 0 : i32
    %dma_start3A_39 = tpu.memref_slice %arg7[%dma_start3A_34, %dma_start3A_38] : memref<80x128xi32, #tpu.memory_space<vmem>> -> memref<1x128xi32, #tpu.memory_space<vmem>>
    %dma_start3A_40 = tpu.memref_squeeze %dma_start3A_39 : memref<1x128xi32, #tpu.memory_space<vmem>> -> memref<128xi32, #tpu.memory_space<vmem>>
    %dma_start3A_41 = arith.constant 0 : i32
    %dma_start3A_42 = arith.constant 0 : i32
    %dma_start3A_43 = tpu.memref_slice %arg2[%dma_start3A_41, %dma_start3A_42] : memref<10240x64xf32, #tpu.memory_space<hbm>> -> memref<10240x64xf32, #tpu.memory_space<hbm>>
    tpu.enqueue_indirect_dma source(%dma_start3A_43 : memref<10240x64xf32, #tpu.memory_space<hbm>>) target(%dma_start3A_37 : memref<128x64xf32, #tpu.memory_space<vmem>>) offsets(%dma_start3A_40 : memref<128xi32, #tpu.memory_space<vmem>>) semaphore(%arg11 : memref<!tpu.dma_semaphore, #tpu.memory_space<semaphore_mem>>)
    %dma_wait3A = arith.constant 0 : i32
    %dma_wait3A_44 = arith.constant 0 : i32
    %dma_wait3A_45 = arith.constant 0 : i32
    %dma_wait3A_46 = tpu.memref_slice %arg9[%dma_wait3A_44, %dma_wait3A_45] : memref<512x64xf32, #tpu.memory_space<vmem>> -> memref<128x64xf32, #tpu.memory_space<vmem>>
    %dma_wait3A_47 = arith.constant 0 : i32
    %dma_wait3A_48 = tpu.memref_slice %arg7[%dma_wait3A, %dma_wait3A_47] : memref<80x128xi32, #tpu.memory_space<vmem>> -> memref<1x128xi32, #tpu.memory_space<vmem>>
    %dma_wait3A_49 = tpu.memref_squeeze %dma_wait3A_48 : memref<1x128xi32, #tpu.memory_space<vmem>> -> memref<128xi32, #tpu.memory_space<vmem>>
    %dma_wait3A_50 = arith.constant 0 : i32
    %dma_wait3A_51 = arith.constant 0 : i32
    %dma_wait3A_52 = tpu.memref_slice %arg2[%dma_wait3A_50, %dma_wait3A_51] : memref<10240x64xf32, #tpu.memory_space<hbm>> -> memref<10240x64xf32, #tpu.memory_space<hbm>>
    tpu.wait_indirect_dma semaphore(%arg11 : memref<!tpu.dma_semaphore, #tpu.memory_space<semaphore_mem>>) src(%dma_wait3A_52 : memref<10240x64xf32, #tpu.memory_space<hbm>>) dst(%dma_wait3A_46 : memref<128x64xf32, #tpu.memory_space<vmem>>)
    %dma_wait3A_53 = arith.constant 0 : i32
    %dma_wait3A_54 = arith.constant 128 : i32
    %dma_wait3A_55 = arith.constant 0 : i32
    %dma_wait3A_56 = tpu.memref_slice %arg9[%dma_wait3A_54, %dma_wait3A_55] : memref<512x64xf32, #tpu.memory_space<vmem>> -> memref<128x64xf32, #tpu.memory_space<vmem>>
    %dma_wait3A_57 = arith.constant 0 : i32
    %dma_wait3A_58 = tpu.memref_slice %arg7[%dma_wait3A_53, %dma_wait3A_57] : memref<80x128xi32, #tpu.memory_space<vmem>> -> memref<1x128xi32, #tpu.memory_space<vmem>>
    %dma_wait3A_59 = tpu.memref_squeeze %dma_wait3A_58 : memref<1x128xi32, #tpu.memory_space<vmem>> -> memref<128xi32, #tpu.memory_space<vmem>>
    %dma_wait3A_60 = arith.constant 0 : i32
    %dma_wait3A_61 = arith.constant 0 : i32
    %dma_wait3A_62 = tpu.memref_slice %arg2[%dma_wait3A_60, %dma_wait3A_61] : memref<10240x64xf32, #tpu.memory_space<hbm>> -> memref<10240x64xf32, #tpu.memory_space<hbm>>
    tpu.wait_indirect_dma semaphore(%arg11 : memref<!tpu.dma_semaphore, #tpu.memory_space<semaphore_mem>>) src(%dma_wait3A_62 : memref<10240x64xf32, #tpu.memory_space<hbm>>) dst(%dma_wait3A_56 : memref<128x64xf32, #tpu.memory_space<vmem>>)
    %dma_wait3A_63 = arith.constant 0 : i32
    %dma_wait3A_64 = arith.constant 256 : i32
    %dma_wait3A_65 = arith.constant 0 : i32
    %dma_wait3A_66 = tpu.memref_slice %arg9[%dma_wait3A_64, %dma_wait3A_65] : memref<512x64xf32, #tpu.memory_space<vmem>> -> memref<128x64xf32, #tpu.memory_space<vmem>>
    %dma_wait3A_67 = arith.constant 0 : i32
    %dma_wait3A_68 = tpu.memref_slice %arg7[%dma_wait3A_63, %dma_wait3A_67] : memref<80x128xi32, #tpu.memory_space<vmem>> -> memref<1x128xi32, #tpu.memory_space<vmem>>
    %dma_wait3A_69 = tpu.memref_squeeze %dma_wait3A_68 : memref<1x128xi32, #tpu.memory_space<vmem>> -> memref<128xi32, #tpu.memory_space<vmem>>
    %dma_wait3A_70 = arith.constant 0 : i32
    %dma_wait3A_71 = arith.constant 0 : i32
    %dma_wait3A_72 = tpu.memref_slice %arg2[%dma_wait3A_70, %dma_wait3A_71] : memref<10240x64xf32, #tpu.memory_space<hbm>> -> memref<10240x64xf32, #tpu.memory_space<hbm>>
    tpu.wait_indirect_dma semaphore(%arg11 : memref<!tpu.dma_semaphore, #tpu.memory_space<semaphore_mem>>) src(%dma_wait3A_72 : memref<10240x64xf32, #tpu.memory_space<hbm>>) dst(%dma_wait3A_66 : memref<128x64xf32, #tpu.memory_space<vmem>>)
    %dma_wait3A_73 = arith.constant 0 : i32
    %dma_wait3A_74 = arith.constant 384 : i32
    %dma_wait3A_75 = arith.constant 0 : i32
    %dma_wait3A_76 = tpu.memref_slice %arg9[%dma_wait3A_74, %dma_wait3A_75] : memref<512x64xf32, #tpu.memory_space<vmem>> -> memref<128x64xf32, #tpu.memory_space<vmem>>
    %dma_wait3A_77 = arith.constant 0 : i32
    %dma_wait3A_78 = tpu.memref_slice %arg7[%dma_wait3A_73, %dma_wait3A_77] : memref<80x128xi32, #tpu.memory_space<vmem>> -> memref<1x128xi32, #tpu.memory_space<vmem>>
    %dma_wait3A_79 = tpu.memref_squeeze %dma_wait3A_78 : memref<1x128xi32, #tpu.memory_space<vmem>> -> memref<128xi32, #tpu.memory_space<vmem>>
    %dma_wait3A_80 = arith.constant 0 : i32
    %dma_wait3A_81 = arith.constant 0 : i32
    %dma_wait3A_82 = tpu.memref_slice %arg2[%dma_wait3A_80, %dma_wait3A_81] : memref<10240x64xf32, #tpu.memory_space<hbm>> -> memref<10240x64xf32, #tpu.memory_space<hbm>>
    tpu.wait_indirect_dma semaphore(%arg11 : memref<!tpu.dma_semaphore, #tpu.memory_space<semaphore_mem>>) src(%dma_wait3A_82 : memref<10240x64xf32, #tpu.memory_space<hbm>>) dst(%dma_wait3A_76 : memref<128x64xf32, #tpu.memory_space<vmem>>)
    %dma_start3A_83 = arith.constant 0 : i32
    %dma_start3A_84 = arith.constant 0 : i32
    %dma_start3A_85 = arith.constant 0 : i32
    %dma_start3A_86 = tpu.memref_slice %arg9[%dma_start3A_84, %dma_start3A_85] : memref<512x64xf32, #tpu.memory_space<vmem>> -> memref<128x64xf32, #tpu.memory_space<vmem>>
    %dma_start3A_87 = arith.constant 0 : i32
    %dma_start3A_88 = tpu.memref_slice %arg8[%dma_start3A_83, %dma_start3A_87] : memref<80x128xi32, #tpu.memory_space<vmem>> -> memref<1x128xi32, #tpu.memory_space<vmem>>
    %dma_start3A_89 = tpu.memref_squeeze %dma_start3A_88 : memref<1x128xi32, #tpu.memory_space<vmem>> -> memref<128xi32, #tpu.memory_space<vmem>>
    %dma_start3A_90 = arith.constant 0 : i32
    %dma_start3A_91 = arith.constant 0 : i32
    %dma_start3A_92 = tpu.memref_slice %arg6[%dma_start3A_90, %dma_start3A_91] : memref<10240x64xf32, #tpu.memory_space<vmem_shared>> -> memref<10240x64xf32, #tpu.memory_space<vmem_shared>>
    tpu.enqueue_indirect_dma source(%dma_start3A_86 : memref<128x64xf32, #tpu.memory_space<vmem>>) target(%dma_start3A_92 : memref<10240x64xf32, #tpu.memory_space<vmem_shared>>) offsets(%dma_start3A_89 : memref<128xi32, #tpu.memory_space<vmem>>) semaphore(%arg13 : memref<!tpu.dma_semaphore, #tpu.memory_space<semaphore_mem>>) {add = true}
    %dma_start3A_93 = arith.constant 1 : i32
    %dma_start3A_94 = arith.constant 128 : i32
    %dma_start3A_95 = arith.constant 0 : i32
    %dma_start3A_96 = tpu.memref_slice %arg9[%dma_start3A_94, %dma_start3A_95] : memref<512x64xf32, #tpu.memory_space<vmem>> -> memref<128x64xf32, #tpu.memory_space<vmem>>
    %dma_start3A_97 = arith.constant 0 : i32
    %dma_start3A_98 = tpu.memref_slice %arg8[%dma_start3A_93, %dma_start3A_97] : memref<80x128xi32, #tpu.memory_space<vmem>> -> memref<1x128xi32, #tpu.memory_space<vmem>>
    %dma_start3A_99 = tpu.memref_squeeze %dma_start3A_98 : memref<1x128xi32, #tpu.memory_space<vmem>> -> memref<128xi32, #tpu.memory_space<vmem>>
    %dma_start3A_100 = arith.constant 0 : i32
    %dma_start3A_101 = arith.constant 0 : i32
    %dma_start3A_102 = tpu.memref_slice %arg6[%dma_start3A_100, %dma_start3A_101] : memref<10240x64xf32, #tpu.memory_space<vmem_shared>> -> memref<10240x64xf32, #tpu.memory_space<vmem_shared>>
    tpu.enqueue_indirect_dma source(%dma_start3A_96 : memref<128x64xf32, #tpu.memory_space<vmem>>) target(%dma_start3A_102 : memref<10240x64xf32, #tpu.memory_space<vmem_shared>>) offsets(%dma_start3A_99 : memref<128xi32, #tpu.memory_space<vmem>>) semaphore(%arg13 : memref<!tpu.dma_semaphore, #tpu.memory_space<semaphore_mem>>) {add = true}
    %dma_start3A_103 = arith.constant 2 : i32
    %dma_start3A_104 = arith.constant 256 : i32
    %dma_start3A_105 = arith.constant 0 : i32
    %dma_start3A_106 = tpu.memref_slice %arg9[%dma_start3A_104, %dma_start3A_105] : memref<512x64xf32, #tpu.memory_space<vmem>> -> memref<128x64xf32, #tpu.memory_space<vmem>>
    %dma_start3A_107 = arith.constant 0 : i32
    %dma_start3A_108 = tpu.memref_slice %arg8[%dma_start3A_103, %dma_start3A_107] : memref<80x128xi32, #tpu.memory_space<vmem>> -> memref<1x128xi32, #tpu.memory_space<vmem>>
    %dma_start3A_109 = tpu.memref_squeeze %dma_start3A_108 : memref<1x128xi32, #tpu.memory_space<vmem>> -> memref<128xi32, #tpu.memory_space<vmem>>
    %dma_start3A_110 = arith.constant 0 : i32
    %dma_start3A_111 = arith.constant 0 : i32
    %dma_start3A_112 = tpu.memref_slice %arg6[%dma_start3A_110, %dma_start3A_111] : memref<10240x64xf32, #tpu.memory_space<vmem_shared>> -> memref<10240x64xf32, #tpu.memory_space<vmem_shared>>
    tpu.enqueue_indirect_dma source(%dma_start3A_106 : memref<128x64xf32, #tpu.memory_space<vmem>>) target(%dma_start3A_112 : memref<10240x64xf32, #tpu.memory_space<vmem_shared>>) offsets(%dma_start3A_109 : memref<128xi32, #tpu.memory_space<vmem>>) semaphore(%arg13 : memref<!tpu.dma_semaphore, #tpu.memory_space<semaphore_mem>>) {add = true}
    %dma_start3A_113 = arith.constant 3 : i32
    %dma_start3A_114 = arith.constant 384 : i32
    %dma_start3A_115 = arith.constant 0 : i32
    %dma_start3A_116 = tpu.memref_slice %arg9[%dma_start3A_114, %dma_start3A_115] : memref<512x64xf32, #tpu.memory_space<vmem>> -> memref<128x64xf32, #tpu.memory_space<vmem>>
    %dma_start3A_117 = arith.constant 0 : i32
    %dma_start3A_118 = tpu.memref_slice %arg8[%dma_start3A_113, %dma_start3A_117] : memref<80x128xi32, #tpu.memory_space<vmem>> -> memref<1x128xi32, #tpu.memory_space<vmem>>
    %dma_start3A_119 = tpu.memref_squeeze %dma_start3A_118 : memref<1x128xi32, #tpu.memory_space<vmem>> -> memref<128xi32, #tpu.memory_space<vmem>>
    %dma_start3A_120 = arith.constant 0 : i32
    %dma_start3A_121 = arith.constant 0 : i32
    %dma_start3A_122 = tpu.memref_slice %arg6[%dma_start3A_120, %dma_start3A_121] : memref<10240x64xf32, #tpu.memory_space<vmem_shared>> -> memref<10240x64xf32, #tpu.memory_space<vmem_shared>>
    tpu.enqueue_indirect_dma source(%dma_start3A_116 : memref<128x64xf32, #tpu.memory_space<vmem>>) target(%dma_start3A_122 : memref<10240x64xf32, #tpu.memory_space<vmem_shared>>) offsets(%dma_start3A_119 : memref<128xi32, #tpu.memory_space<vmem>>) semaphore(%arg13 : memref<!tpu.dma_semaphore, #tpu.memory_space<semaphore_mem>>) {add = true}
    %dma_start3A_123 = arith.constant 4 : i32
    %dma_start3A_124 = arith.constant 0 : i32
    %dma_start3A_125 = arith.constant 0 : i32
    %dma_start3A_126 = tpu.memref_slice %arg10[%dma_start3A_124, %dma_start3A_125] : memref<512x64xf32, #tpu.memory_space<vmem>> -> memref<128x64xf32, #tpu.memory_space<vmem>>
    %dma_start3A_127 = arith.constant 0 : i32
    %dma_start3A_128 = tpu.memref_slice %arg7[%dma_start3A_123, %dma_start3A_127] : memref<80x128xi32, #tpu.memory_space<vmem>> -> memref<1x128xi32, #tpu.memory_space<vmem>>
    %dma_start3A_129 = tpu.memref_squeeze %dma_start3A_128 : memref<1x128xi32, #tpu.memory_space<vmem>> -> memref<128xi32, #tpu.memory_space<vmem>>
    %dma_start3A_130 = arith.constant 0 : i32
    %dma_start3A_131 = arith.constant 0 : i32
    %dma_start3A_132 = tpu.memref_slice %arg2[%dma_start3A_130, %dma_start3A_131] : memref<10240x64xf32, #tpu.memory_space<hbm>> -> memref<10240x64xf32, #tpu.memory_space<hbm>>
    tpu.enqueue_indirect_dma source(%dma_start3A_132 : memref<10240x64xf32, #tpu.memory_space<hbm>>) target(%dma_start3A_126 : memref<128x64xf32, #tpu.memory_space<vmem>>) offsets(%dma_start3A_129 : memref<128xi32, #tpu.memory_space<vmem>>) semaphore(%arg12 : memref<!tpu.dma_semaphore, #tpu.memory_space<semaphore_mem>>)
    %dma_start3A_133 = arith.constant 5 : i32
    %dma_start3A_134 = arith.constant 128 : i32
    %dma_start3A_135 = arith.constant 0 : i32
    %dma_start3A_136 = tpu.memref_slice %arg10[%dma_start3A_134, %dma_start3A_135] : memref<512x64xf32, #tpu.memory_space<vmem>> -> memref<128x64xf32, #tpu.memory_space<vmem>>
    %dma_start3A_137 = arith.constant 0 : i32
    %dma_start3A_138 = tpu.memref_slice %arg7[%dma_start3A_133, %dma_start3A_137] : memref<80x128xi32, #tpu.memory_space<vmem>> -> memref<1x128xi32, #tpu.memory_space<vmem>>
    %dma_start3A_139 = tpu.memref_squeeze %dma_start3A_138 : memref<1x128xi32, #tpu.memory_space<vmem>> -> memref<128xi32, #tpu.memory_space<vmem>>
    %dma_start3A_140 = arith.constant 0 : i32
    %dma_start3A_141 = arith.constant 0 : i32
    %dma_start3A_142 = tpu.memref_slice %arg2[%dma_start3A_140, %dma_start3A_141] : memref<10240x64xf32, #tpu.memory_space<hbm>> -> memref<10240x64xf32, #tpu.memory_space<hbm>>
    tpu.enqueue_indirect_dma source(%dma_start3A_142 : memref<10240x64xf32, #tpu.memory_space<hbm>>) target(%dma_start3A_136 : memref<128x64xf32, #tpu.memory_space<vmem>>) offsets(%dma_start3A_139 : memref<128xi32, #tpu.memory_space<vmem>>) semaphore(%arg12 : memref<!tpu.dma_semaphore, #tpu.memory_space<semaphore_mem>>)
    %dma_start3A_143 = arith.constant 6 : i32
    %dma_start3A_144 = arith.constant 256 : i32
    %dma_start3A_145 = arith.constant 0 : i32
    %dma_start3A_146 = tpu.memref_slice %arg10[%dma_start3A_144, %dma_start3A_145] : memref<512x64xf32, #tpu.memory_space<vmem>> -> memref<128x64xf32, #tpu.memory_space<vmem>>
    %dma_start3A_147 = arith.constant 0 : i32
    %dma_start3A_148 = tpu.memref_slice %arg7[%dma_start3A_143, %dma_start3A_147] : memref<80x128xi32, #tpu.memory_space<vmem>> -> memref<1x128xi32, #tpu.memory_space<vmem>>
    %dma_start3A_149 = tpu.memref_squeeze %dma_start3A_148 : memref<1x128xi32, #tpu.memory_space<vmem>> -> memref<128xi32, #tpu.memory_space<vmem>>
    %dma_start3A_150 = arith.constant 0 : i32
    %dma_start3A_151 = arith.constant 0 : i32
    %dma_start3A_152 = tpu.memref_slice %arg2[%dma_start3A_150, %dma_start3A_151] : memref<10240x64xf32, #tpu.memory_space<hbm>> -> memref<10240x64xf32, #tpu.memory_space<hbm>>
    tpu.enqueue_indirect_dma source(%dma_start3A_152 : memref<10240x64xf32, #tpu.memory_space<hbm>>) target(%dma_start3A_146 : memref<128x64xf32, #tpu.memory_space<vmem>>) offsets(%dma_start3A_149 : memref<128xi32, #tpu.memory_space<vmem>>) semaphore(%arg12 : memref<!tpu.dma_semaphore, #tpu.memory_space<semaphore_mem>>)
    %dma_start3A_153 = arith.constant 7 : i32
    %dma_start3A_154 = arith.constant 384 : i32
    %dma_start3A_155 = arith.constant 0 : i32
    %dma_start3A_156 = tpu.memref_slice %arg10[%dma_start3A_154, %dma_start3A_155] : memref<512x64xf32, #tpu.memory_space<vmem>> -> memref<128x64xf32, #tpu.memory_space<vmem>>
    %dma_start3A_157 = arith.constant 0 : i32
    %dma_start3A_158 = tpu.memref_slice %arg7[%dma_start3A_153, %dma_start3A_157] : memref<80x128xi32, #tpu.memory_space<vmem>> -> memref<1x128xi32, #tpu.memory_space<vmem>>
    %dma_start3A_159 = tpu.memref_squeeze %dma_start3A_158 : memref<1x128xi32, #tpu.memory_space<vmem>> -> memref<128xi32, #tpu.memory_space<vmem>>
    %dma_start3A_160 = arith.constant 0 : i32
    %dma_start3A_161 = arith.constant 0 : i32
    %dma_start3A_162 = tpu.memref_slice %arg2[%dma_start3A_160, %dma_start3A_161] : memref<10240x64xf32, #tpu.memory_space<hbm>> -> memref<10240x64xf32, #tpu.memory_space<hbm>>
    tpu.enqueue_indirect_dma source(%dma_start3A_162 : memref<10240x64xf32, #tpu.memory_space<hbm>>) target(%dma_start3A_156 : memref<128x64xf32, #tpu.memory_space<vmem>>) offsets(%dma_start3A_159 : memref<128xi32, #tpu.memory_space<vmem>>) semaphore(%arg12 : memref<!tpu.dma_semaphore, #tpu.memory_space<semaphore_mem>>)
    %scan3A = arith.constant 0 : i32
    %scan3A_163 = arith.constant 0 : i32
    %scan3A_164 = arith.constant 9 : i32
    %scan3A_165 = arith.addi %scan3A_163, %scan3A_164 : i32
    %scan3A_166 = arith.constant 1 : i32
    %scan3A_167 = scf.for %scan3A_334 = %scan3A_163 to %scan3A_165 step %scan3A_166 iter_args(%scan3A_335 = %scan3A) -> (i32)  : i32 {
      %mul3A_336 = arith.constant 2 : i32
      %mul3A_337 = arith.muli %mul3A_336, %scan3A_334 : i32
      %add3A_338 = arith.constant 1 : i32
      %add3A_339 = arith.addi %mul3A_337, %add3A_338 : i32
      %dma_wait3A_340 = arith.constant 0 : i32
      %dma_wait3A_341 = arith.constant 0 : i32
      %dma_wait3A_342 = arith.constant 0 : i32
      %dma_wait3A_343 = tpu.memref_slice %arg10[%dma_wait3A_341, %dma_wait3A_342] : memref<512x64xf32, #tpu.memory_space<vmem>> -> memref<128x64xf32, #tpu.memory_space<vmem>>
      %dma_wait3A_344 = arith.constant 0 : i32
      %dma_wait3A_345 = tpu.memref_slice %arg7[%dma_wait3A_340, %dma_wait3A_344] : memref<80x128xi32, #tpu.memory_space<vmem>> -> memref<1x128xi32, #tpu.memory_space<vmem>>
      %dma_wait3A_346 = tpu.memref_squeeze %dma_wait3A_345 : memref<1x128xi32, #tpu.memory_space<vmem>> -> memref<128xi32, #tpu.memory_space<vmem>>
      %dma_wait3A_347 = arith.constant 0 : i32
      %dma_wait3A_348 = arith.constant 0 : i32
      %dma_wait3A_349 = tpu.memref_slice %arg2[%dma_wait3A_347, %dma_wait3A_348] : memref<10240x64xf32, #tpu.memory_space<hbm>> -> memref<10240x64xf32, #tpu.memory_space<hbm>>
      tpu.wait_indirect_dma semaphore(%arg12 : memref<!tpu.dma_semaphore, #tpu.memory_space<semaphore_mem>>) src(%dma_wait3A_349 : memref<10240x64xf32, #tpu.memory_space<hbm>>) dst(%dma_wait3A_343 : memref<128x64xf32, #tpu.memory_space<vmem>>)
      %dma_wait3A_350 = arith.constant 0 : i32
      %dma_wait3A_351 = arith.constant 128 : i32
      %dma_wait3A_352 = arith.constant 0 : i32
      %dma_wait3A_353 = tpu.memref_slice %arg10[%dma_wait3A_351, %dma_wait3A_352] : memref<512x64xf32, #tpu.memory_space<vmem>> -> memref<128x64xf32, #tpu.memory_space<vmem>>
      %dma_wait3A_354 = arith.constant 0 : i32
      %dma_wait3A_355 = tpu.memref_slice %arg7[%dma_wait3A_350, %dma_wait3A_354] : memref<80x128xi32, #tpu.memory_space<vmem>> -> memref<1x128xi32, #tpu.memory_space<vmem>>
      %dma_wait3A_356 = tpu.memref_squeeze %dma_wait3A_355 : memref<1x128xi32, #tpu.memory_space<vmem>> -> memref<128xi32, #tpu.memory_space<vmem>>
      %dma_wait3A_357 = arith.constant 0 : i32
      %dma_wait3A_358 = arith.constant 0 : i32
      %dma_wait3A_359 = tpu.memref_slice %arg2[%dma_wait3A_357, %dma_wait3A_358] : memref<10240x64xf32, #tpu.memory_space<hbm>> -> memref<10240x64xf32, #tpu.memory_space<hbm>>
      tpu.wait_indirect_dma semaphore(%arg12 : memref<!tpu.dma_semaphore, #tpu.memory_space<semaphore_mem>>) src(%dma_wait3A_359 : memref<10240x64xf32, #tpu.memory_space<hbm>>) dst(%dma_wait3A_353 : memref<128x64xf32, #tpu.memory_space<vmem>>)
      %dma_wait3A_360 = arith.constant 0 : i32
      %dma_wait3A_361 = arith.constant 256 : i32
      %dma_wait3A_362 = arith.constant 0 : i32
      %dma_wait3A_363 = tpu.memref_slice %arg10[%dma_wait3A_361, %dma_wait3A_362] : memref<512x64xf32, #tpu.memory_space<vmem>> -> memref<128x64xf32, #tpu.memory_space<vmem>>
      %dma_wait3A_364 = arith.constant 0 : i32
      %dma_wait3A_365 = tpu.memref_slice %arg7[%dma_wait3A_360, %dma_wait3A_364] : memref<80x128xi32, #tpu.memory_space<vmem>> -> memref<1x128xi32, #tpu.memory_space<vmem>>
      %dma_wait3A_366 = tpu.memref_squeeze %dma_wait3A_365 : memref<1x128xi32, #tpu.memory_space<vmem>> -> memref<128xi32, #tpu.memory_space<vmem>>
      %dma_wait3A_367 = arith.constant 0 : i32
      %dma_wait3A_368 = arith.constant 0 : i32
      %dma_wait3A_369 = tpu.memref_slice %arg2[%dma_wait3A_367, %dma_wait3A_368] : memref<10240x64xf32, #tpu.memory_space<hbm>> -> memref<10240x64xf32, #tpu.memory_space<hbm>>
      tpu.wait_indirect_dma semaphore(%arg12 : memref<!tpu.dma_semaphore, #tpu.memory_space<semaphore_mem>>) src(%dma_wait3A_369 : memref<10240x64xf32, #tpu.memory_space<hbm>>) dst(%dma_wait3A_363 : memref<128x64xf32, #tpu.memory_space<vmem>>)
      %dma_wait3A_370 = arith.constant 0 : i32
      %dma_wait3A_371 = arith.constant 384 : i32
      %dma_wait3A_372 = arith.constant 0 : i32
      %dma_wait3A_373 = tpu.memref_slice %arg10[%dma_wait3A_371, %dma_wait3A_372] : memref<512x64xf32, #tpu.memory_space<vmem>> -> memref<128x64xf32, #tpu.memory_space<vmem>>
      %dma_wait3A_374 = arith.constant 0 : i32
      %dma_wait3A_375 = tpu.memref_slice %arg7[%dma_wait3A_370, %dma_wait3A_374] : memref<80x128xi32, #tpu.memory_space<vmem>> -> memref<1x128xi32, #tpu.memory_space<vmem>>
      %dma_wait3A_376 = tpu.memref_squeeze %dma_wait3A_375 : memref<1x128xi32, #tpu.memory_space<vmem>> -> memref<128xi32, #tpu.memory_space<vmem>>
      %dma_wait3A_377 = arith.constant 0 : i32
      %dma_wait3A_378 = arith.constant 0 : i32
      %dma_wait3A_379 = tpu.memref_slice %arg2[%dma_wait3A_377, %dma_wait3A_378] : memref<10240x64xf32, #tpu.memory_space<hbm>> -> memref<10240x64xf32, #tpu.memory_space<hbm>>
      tpu.wait_indirect_dma semaphore(%arg12 : memref<!tpu.dma_semaphore, #tpu.memory_space<semaphore_mem>>) src(%dma_wait3A_379 : memref<10240x64xf32, #tpu.memory_space<hbm>>) dst(%dma_wait3A_373 : memref<128x64xf32, #tpu.memory_space<vmem>>)
      %mul3A_380 = arith.constant 4 : i32
      %mul3A_381 = arith.muli %add3A_339, %mul3A_380 : i32
      %add3A_382 = arith.constant 0 : i32
      %add3A_383 = arith.addi %mul3A_381, %add3A_382 : i32
      %dma_start3A_384 = arith.constant 0 : i32
      %dma_start3A_385 = arith.constant 0 : i32
      %dma_start3A_386 = tpu.memref_slice %arg10[%dma_start3A_384, %dma_start3A_385] : memref<512x64xf32, #tpu.memory_space<vmem>> -> memref<128x64xf32, #tpu.memory_space<vmem>>
      %dma_start3A_387 = arith.constant 0 : i32
      %dma_start3A_388 = tpu.memref_slice %arg8[%add3A_383, %dma_start3A_387] : memref<80x128xi32, #tpu.memory_space<vmem>> -> memref<1x128xi32, #tpu.memory_space<vmem>>
      %dma_start3A_389 = tpu.memref_squeeze %dma_start3A_388 : memref<1x128xi32, #tpu.memory_space<vmem>> -> memref<128xi32, #tpu.memory_space<vmem>>
      %dma_start3A_390 = arith.constant 0 : i32
      %dma_start3A_391 = arith.constant 0 : i32
      %dma_start3A_392 = tpu.memref_slice %arg6[%dma_start3A_390, %dma_start3A_391] : memref<10240x64xf32, #tpu.memory_space<vmem_shared>> -> memref<10240x64xf32, #tpu.memory_space<vmem_shared>>
      tpu.enqueue_indirect_dma source(%dma_start3A_386 : memref<128x64xf32, #tpu.memory_space<vmem>>) target(%dma_start3A_392 : memref<10240x64xf32, #tpu.memory_space<vmem_shared>>) offsets(%dma_start3A_389 : memref<128xi32, #tpu.memory_space<vmem>>) semaphore(%arg14 : memref<!tpu.dma_semaphore, #tpu.memory_space<semaphore_mem>>) {add = true}
      %mul3A_393 = arith.constant 4 : i32
      %mul3A_394 = arith.muli %add3A_339, %mul3A_393 : i32
      %add3A_395 = arith.constant 1 : i32
      %add3A_396 = arith.addi %mul3A_394, %add3A_395 : i32
      %dma_start3A_397 = arith.constant 128 : i32
      %dma_start3A_398 = arith.constant 0 : i32
      %dma_start3A_399 = tpu.memref_slice %arg10[%dma_start3A_397, %dma_start3A_398] : memref<512x64xf32, #tpu.memory_space<vmem>> -> memref<128x64xf32, #tpu.memory_space<vmem>>
      %dma_start3A_400 = arith.constant 0 : i32
      %dma_start3A_401 = tpu.memref_slice %arg8[%add3A_396, %dma_start3A_400] : memref<80x128xi32, #tpu.memory_space<vmem>> -> memref<1x128xi32, #tpu.memory_space<vmem>>
      %dma_start3A_402 = tpu.memref_squeeze %dma_start3A_401 : memref<1x128xi32, #tpu.memory_space<vmem>> -> memref<128xi32, #tpu.memory_space<vmem>>
      %dma_start3A_403 = arith.constant 0 : i32
      %dma_start3A_404 = arith.constant 0 : i32
      %dma_start3A_405 = tpu.memref_slice %arg6[%dma_start3A_403, %dma_start3A_404] : memref<10240x64xf32, #tpu.memory_space<vmem_shared>> -> memref<10240x64xf32, #tpu.memory_space<vmem_shared>>
      tpu.enqueue_indirect_dma source(%dma_start3A_399 : memref<128x64xf32, #tpu.memory_space<vmem>>) target(%dma_start3A_405 : memref<10240x64xf32, #tpu.memory_space<vmem_shared>>) offsets(%dma_start3A_402 : memref<128xi32, #tpu.memory_space<vmem>>) semaphore(%arg14 : memref<!tpu.dma_semaphore, #tpu.memory_space<semaphore_mem>>) {add = true}
      %mul3A_406 = arith.constant 4 : i32
      %mul3A_407 = arith.muli %add3A_339, %mul3A_406 : i32
      %add3A_408 = arith.constant 2 : i32
      %add3A_409 = arith.addi %mul3A_407, %add3A_408 : i32
      %dma_start3A_410 = arith.constant 256 : i32
      %dma_start3A_411 = arith.constant 0 : i32
      %dma_start3A_412 = tpu.memref_slice %arg10[%dma_start3A_410, %dma_start3A_411] : memref<512x64xf32, #tpu.memory_space<vmem>> -> memref<128x64xf32, #tpu.memory_space<vmem>>
      %dma_start3A_413 = arith.constant 0 : i32
      %dma_start3A_414 = tpu.memref_slice %arg8[%add3A_409, %dma_start3A_413] : memref<80x128xi32, #tpu.memory_space<vmem>> -> memref<1x128xi32, #tpu.memory_space<vmem>>
      %dma_start3A_415 = tpu.memref_squeeze %dma_start3A_414 : memref<1x128xi32, #tpu.memory_space<vmem>> -> memref<128xi32, #tpu.memory_space<vmem>>
      %dma_start3A_416 = arith.constant 0 : i32
      %dma_start3A_417 = arith.constant 0 : i32
      %dma_start3A_418 = tpu.memref_slice %arg6[%dma_start3A_416, %dma_start3A_417] : memref<10240x64xf32, #tpu.memory_space<vmem_shared>> -> memref<10240x64xf32, #tpu.memory_space<vmem_shared>>
      tpu.enqueue_indirect_dma source(%dma_start3A_412 : memref<128x64xf32, #tpu.memory_space<vmem>>) target(%dma_start3A_418 : memref<10240x64xf32, #tpu.memory_space<vmem_shared>>) offsets(%dma_start3A_415 : memref<128xi32, #tpu.memory_space<vmem>>) semaphore(%arg14 : memref<!tpu.dma_semaphore, #tpu.memory_space<semaphore_mem>>) {add = true}
      %mul3A_419 = arith.constant 4 : i32
      %mul3A_420 = arith.muli %add3A_339, %mul3A_419 : i32
      %add3A_421 = arith.constant 3 : i32
      %add3A_422 = arith.addi %mul3A_420, %add3A_421 : i32
      %dma_start3A_423 = arith.constant 384 : i32
      %dma_start3A_424 = arith.constant 0 : i32
      %dma_start3A_425 = tpu.memref_slice %arg10[%dma_start3A_423, %dma_start3A_424] : memref<512x64xf32, #tpu.memory_space<vmem>> -> memref<128x64xf32, #tpu.memory_space<vmem>>
      %dma_start3A_426 = arith.constant 0 : i32
      %dma_start3A_427 = tpu.memref_slice %arg8[%add3A_422, %dma_start3A_426] : memref<80x128xi32, #tpu.memory_space<vmem>> -> memref<1x128xi32, #tpu.memory_space<vmem>>
      %dma_start3A_428 = tpu.memref_squeeze %dma_start3A_427 : memref<1x128xi32, #tpu.memory_space<vmem>> -> memref<128xi32, #tpu.memory_space<vmem>>
      %dma_start3A_429 = arith.constant 0 : i32
      %dma_start3A_430 = arith.constant 0 : i32
      %dma_start3A_431 = tpu.memref_slice %arg6[%dma_start3A_429, %dma_start3A_430] : memref<10240x64xf32, #tpu.memory_space<vmem_shared>> -> memref<10240x64xf32, #tpu.memory_space<vmem_shared>>
      tpu.enqueue_indirect_dma source(%dma_start3A_425 : memref<128x64xf32, #tpu.memory_space<vmem>>) target(%dma_start3A_431 : memref<10240x64xf32, #tpu.memory_space<vmem_shared>>) offsets(%dma_start3A_428 : memref<128xi32, #tpu.memory_space<vmem>>) semaphore(%arg14 : memref<!tpu.dma_semaphore, #tpu.memory_space<semaphore_mem>>) {add = true}
      %dma_wait3A_432 = arith.constant 0 : i32
      %dma_wait3A_433 = arith.constant 0 : i32
      %dma_wait3A_434 = arith.constant 0 : i32
      %dma_wait3A_435 = tpu.memref_slice %arg9[%dma_wait3A_433, %dma_wait3A_434] : memref<512x64xf32, #tpu.memory_space<vmem>> -> memref<128x64xf32, #tpu.memory_space<vmem>>
      %dma_wait3A_436 = arith.constant 0 : i32
      %dma_wait3A_437 = tpu.memref_slice %arg8[%dma_wait3A_432, %dma_wait3A_436] : memref<80x128xi32, #tpu.memory_space<vmem>> -> memref<1x128xi32, #tpu.memory_space<vmem>>
      %dma_wait3A_438 = tpu.memref_squeeze %dma_wait3A_437 : memref<1x128xi32, #tpu.memory_space<vmem>> -> memref<128xi32, #tpu.memory_space<vmem>>
      %dma_wait3A_439 = arith.constant 0 : i32
      %dma_wait3A_440 = arith.constant 0 : i32
      %dma_wait3A_441 = tpu.memref_slice %arg6[%dma_wait3A_439, %dma_wait3A_440] : memref<10240x64xf32, #tpu.memory_space<vmem_shared>> -> memref<10240x64xf32, #tpu.memory_space<vmem_shared>>
      tpu.wait_indirect_dma semaphore(%arg13 : memref<!tpu.dma_semaphore, #tpu.memory_space<semaphore_mem>>) src(%dma_wait3A_435 : memref<128x64xf32, #tpu.memory_space<vmem>>) dst(%dma_wait3A_441 : memref<10240x64xf32, #tpu.memory_space<vmem_shared>>)
      %dma_wait3A_442 = arith.constant 0 : i32
      %dma_wait3A_443 = arith.constant 128 : i32
      %dma_wait3A_444 = arith.constant 0 : i32
      %dma_wait3A_445 = tpu.memref_slice %arg9[%dma_wait3A_443, %dma_wait3A_444] : memref<512x64xf32, #tpu.memory_space<vmem>> -> memref<128x64xf32, #tpu.memory_space<vmem>>
      %dma_wait3A_446 = arith.constant 0 : i32
      %dma_wait3A_447 = tpu.memref_slice %arg8[%dma_wait3A_442, %dma_wait3A_446] : memref<80x128xi32, #tpu.memory_space<vmem>> -> memref<1x128xi32, #tpu.memory_space<vmem>>
      %dma_wait3A_448 = tpu.memref_squeeze %dma_wait3A_447 : memref<1x128xi32, #tpu.memory_space<vmem>> -> memref<128xi32, #tpu.memory_space<vmem>>
      %dma_wait3A_449 = arith.constant 0 : i32
      %dma_wait3A_450 = arith.constant 0 : i32
      %dma_wait3A_451 = tpu.memref_slice %arg6[%dma_wait3A_449, %dma_wait3A_450] : memref<10240x64xf32, #tpu.memory_space<vmem_shared>> -> memref<10240x64xf32, #tpu.memory_space<vmem_shared>>
      tpu.wait_indirect_dma semaphore(%arg13 : memref<!tpu.dma_semaphore, #tpu.memory_space<semaphore_mem>>) src(%dma_wait3A_445 : memref<128x64xf32, #tpu.memory_space<vmem>>) dst(%dma_wait3A_451 : memref<10240x64xf32, #tpu.memory_space<vmem_shared>>)
      %dma_wait3A_452 = arith.constant 0 : i32
      %dma_wait3A_453 = arith.constant 256 : i32
      %dma_wait3A_454 = arith.constant 0 : i32
      %dma_wait3A_455 = tpu.memref_slice %arg9[%dma_wait3A_453, %dma_wait3A_454] : memref<512x64xf32, #tpu.memory_space<vmem>> -> memref<128x64xf32, #tpu.memory_space<vmem>>
      %dma_wait3A_456 = arith.constant 0 : i32
      %dma_wait3A_457 = tpu.memref_slice %arg8[%dma_wait3A_452, %dma_wait3A_456] : memref<80x128xi32, #tpu.memory_space<vmem>> -> memref<1x128xi32, #tpu.memory_space<vmem>>
      %dma_wait3A_458 = tpu.memref_squeeze %dma_wait3A_457 : memref<1x128xi32, #tpu.memory_space<vmem>> -> memref<128xi32, #tpu.memory_space<vmem>>
      %dma_wait3A_459 = arith.constant 0 : i32
      %dma_wait3A_460 = arith.constant 0 : i32
      %dma_wait3A_461 = tpu.memref_slice %arg6[%dma_wait3A_459, %dma_wait3A_460] : memref<10240x64xf32, #tpu.memory_space<vmem_shared>> -> memref<10240x64xf32, #tpu.memory_space<vmem_shared>>
      tpu.wait_indirect_dma semaphore(%arg13 : memref<!tpu.dma_semaphore, #tpu.memory_space<semaphore_mem>>) src(%dma_wait3A_455 : memref<128x64xf32, #tpu.memory_space<vmem>>) dst(%dma_wait3A_461 : memref<10240x64xf32, #tpu.memory_space<vmem_shared>>)
      %dma_wait3A_462 = arith.constant 0 : i32
      %dma_wait3A_463 = arith.constant 384 : i32
      %dma_wait3A_464 = arith.constant 0 : i32
      %dma_wait3A_465 = tpu.memref_slice %arg9[%dma_wait3A_463, %dma_wait3A_464] : memref<512x64xf32, #tpu.memory_space<vmem>> -> memref<128x64xf32, #tpu.memory_space<vmem>>
      %dma_wait3A_466 = arith.constant 0 : i32
      %dma_wait3A_467 = tpu.memref_slice %arg8[%dma_wait3A_462, %dma_wait3A_466] : memref<80x128xi32, #tpu.memory_space<vmem>> -> memref<1x128xi32, #tpu.memory_space<vmem>>
      %dma_wait3A_468 = tpu.memref_squeeze %dma_wait3A_467 : memref<1x128xi32, #tpu.memory_space<vmem>> -> memref<128xi32, #tpu.memory_space<vmem>>
      %dma_wait3A_469 = arith.constant 0 : i32
      %dma_wait3A_470 = arith.constant 0 : i32
      %dma_wait3A_471 = tpu.memref_slice %arg6[%dma_wait3A_469, %dma_wait3A_470] : memref<10240x64xf32, #tpu.memory_space<vmem_shared>> -> memref<10240x64xf32, #tpu.memory_space<vmem_shared>>
      tpu.wait_indirect_dma semaphore(%arg13 : memref<!tpu.dma_semaphore, #tpu.memory_space<semaphore_mem>>) src(%dma_wait3A_465 : memref<128x64xf32, #tpu.memory_space<vmem>>) dst(%dma_wait3A_471 : memref<10240x64xf32, #tpu.memory_space<vmem_shared>>)
      %add3A_472 = arith.constant 1 : i32
      %add3A_473 = arith.addi %add3A_339, %add3A_472 : i32
      %mul3A_474 = arith.constant 4 : i32
      %mul3A_475 = arith.muli %add3A_473, %mul3A_474 : i32
      %add3A_476 = arith.constant 0 : i32
      %add3A_477 = arith.addi %mul3A_475, %add3A_476 : i32
      %dma_start3A_478 = arith.constant 0 : i32
      %dma_start3A_479 = arith.constant 0 : i32
      %dma_start3A_480 = tpu.memref_slice %arg9[%dma_start3A_478, %dma_start3A_479] : memref<512x64xf32, #tpu.memory_space<vmem>> -> memref<128x64xf32, #tpu.memory_space<vmem>>
      %dma_start3A_481 = arith.constant 0 : i32
      %dma_start3A_482 = tpu.memref_slice %arg7[%add3A_477, %dma_start3A_481] : memref<80x128xi32, #tpu.memory_space<vmem>> -> memref<1x128xi32, #tpu.memory_space<vmem>>
      %dma_start3A_483 = tpu.memref_squeeze %dma_start3A_482 : memref<1x128xi32, #tpu.memory_space<vmem>> -> memref<128xi32, #tpu.memory_space<vmem>>
      %dma_start3A_484 = arith.constant 0 : i32
      %dma_start3A_485 = arith.constant 0 : i32
      %dma_start3A_486 = tpu.memref_slice %arg2[%dma_start3A_484, %dma_start3A_485] : memref<10240x64xf32, #tpu.memory_space<hbm>> -> memref<10240x64xf32, #tpu.memory_space<hbm>>
      tpu.enqueue_indirect_dma source(%dma_start3A_486 : memref<10240x64xf32, #tpu.memory_space<hbm>>) target(%dma_start3A_480 : memref<128x64xf32, #tpu.memory_space<vmem>>) offsets(%dma_start3A_483 : memref<128xi32, #tpu.memory_space<vmem>>) semaphore(%arg11 : memref<!tpu.dma_semaphore, #tpu.memory_space<semaphore_mem>>)
      %mul3A_487 = arith.constant 4 : i32
      %mul3A_488 = arith.muli %add3A_473, %mul3A_487 : i32
      %add3A_489 = arith.constant 1 : i32
      %add3A_490 = arith.addi %mul3A_488, %add3A_489 : i32
      %dma_start3A_491 = arith.constant 128 : i32
      %dma_start3A_492 = arith.constant 0 : i32
      %dma_start3A_493 = tpu.memref_slice %arg9[%dma_start3A_491, %dma_start3A_492] : memref<512x64xf32, #tpu.memory_space<vmem>> -> memref<128x64xf32, #tpu.memory_space<vmem>>
      %dma_start3A_494 = arith.constant 0 : i32
      %dma_start3A_495 = tpu.memref_slice %arg7[%add3A_490, %dma_start3A_494] : memref<80x128xi32, #tpu.memory_space<vmem>> -> memref<1x128xi32, #tpu.memory_space<vmem>>
      %dma_start3A_496 = tpu.memref_squeeze %dma_start3A_495 : memref<1x128xi32, #tpu.memory_space<vmem>> -> memref<128xi32, #tpu.memory_space<vmem>>
      %dma_start3A_497 = arith.constant 0 : i32
      %dma_start3A_498 = arith.constant 0 : i32
      %dma_start3A_499 = tpu.memref_slice %arg2[%dma_start3A_497, %dma_start3A_498] : memref<10240x64xf32, #tpu.memory_space<hbm>> -> memref<10240x64xf32, #tpu.memory_space<hbm>>
      tpu.enqueue_indirect_dma source(%dma_start3A_499 : memref<10240x64xf32, #tpu.memory_space<hbm>>) target(%dma_start3A_493 : memref<128x64xf32, #tpu.memory_space<vmem>>) offsets(%dma_start3A_496 : memref<128xi32, #tpu.memory_space<vmem>>) semaphore(%arg11 : memref<!tpu.dma_semaphore, #tpu.memory_space<semaphore_mem>>)
      %mul3A_500 = arith.constant 4 : i32
      %mul3A_501 = arith.muli %add3A_473, %mul3A_500 : i32
      %add3A_502 = arith.constant 2 : i32
      %add3A_503 = arith.addi %mul3A_501, %add3A_502 : i32
      %dma_start3A_504 = arith.constant 256 : i32
      %dma_start3A_505 = arith.constant 0 : i32
      %dma_start3A_506 = tpu.memref_slice %arg9[%dma_start3A_504, %dma_start3A_505] : memref<512x64xf32, #tpu.memory_space<vmem>> -> memref<128x64xf32, #tpu.memory_space<vmem>>
      %dma_start3A_507 = arith.constant 0 : i32
      %dma_start3A_508 = tpu.memref_slice %arg7[%add3A_503, %dma_start3A_507] : memref<80x128xi32, #tpu.memory_space<vmem>> -> memref<1x128xi32, #tpu.memory_space<vmem>>
      %dma_start3A_509 = tpu.memref_squeeze %dma_start3A_508 : memref<1x128xi32, #tpu.memory_space<vmem>> -> memref<128xi32, #tpu.memory_space<vmem>>
      %dma_start3A_510 = arith.constant 0 : i32
      %dma_start3A_511 = arith.constant 0 : i32
      %dma_start3A_512 = tpu.memref_slice %arg2[%dma_start3A_510, %dma_start3A_511] : memref<10240x64xf32, #tpu.memory_space<hbm>> -> memref<10240x64xf32, #tpu.memory_space<hbm>>
      tpu.enqueue_indirect_dma source(%dma_start3A_512 : memref<10240x64xf32, #tpu.memory_space<hbm>>) target(%dma_start3A_506 : memref<128x64xf32, #tpu.memory_space<vmem>>) offsets(%dma_start3A_509 : memref<128xi32, #tpu.memory_space<vmem>>) semaphore(%arg11 : memref<!tpu.dma_semaphore, #tpu.memory_space<semaphore_mem>>)
      %mul3A_513 = arith.constant 4 : i32
      %mul3A_514 = arith.muli %add3A_473, %mul3A_513 : i32
      %add3A_515 = arith.constant 3 : i32
      %add3A_516 = arith.addi %mul3A_514, %add3A_515 : i32
      %dma_start3A_517 = arith.constant 384 : i32
      %dma_start3A_518 = arith.constant 0 : i32
      %dma_start3A_519 = tpu.memref_slice %arg9[%dma_start3A_517, %dma_start3A_518] : memref<512x64xf32, #tpu.memory_space<vmem>> -> memref<128x64xf32, #tpu.memory_space<vmem>>
      %dma_start3A_520 = arith.constant 0 : i32
      %dma_start3A_521 = tpu.memref_slice %arg7[%add3A_516, %dma_start3A_520] : memref<80x128xi32, #tpu.memory_space<vmem>> -> memref<1x128xi32, #tpu.memory_space<vmem>>
      %dma_start3A_522 = tpu.memref_squeeze %dma_start3A_521 : memref<1x128xi32, #tpu.memory_space<vmem>> -> memref<128xi32, #tpu.memory_space<vmem>>
      %dma_start3A_523 = arith.constant 0 : i32
      %dma_start3A_524 = arith.constant 0 : i32
      %dma_start3A_525 = tpu.memref_slice %arg2[%dma_start3A_523, %dma_start3A_524] : memref<10240x64xf32, #tpu.memory_space<hbm>> -> memref<10240x64xf32, #tpu.memory_space<hbm>>
      tpu.enqueue_indirect_dma source(%dma_start3A_525 : memref<10240x64xf32, #tpu.memory_space<hbm>>) target(%dma_start3A_519 : memref<128x64xf32, #tpu.memory_space<vmem>>) offsets(%dma_start3A_522 : memref<128xi32, #tpu.memory_space<vmem>>) semaphore(%arg11 : memref<!tpu.dma_semaphore, #tpu.memory_space<semaphore_mem>>)
      %mul3A_526 = arith.constant 2 : i32
      %mul3A_527 = arith.muli %mul3A_526, %scan3A_334 : i32
      %add3A_528 = arith.constant 2 : i32
      %add3A_529 = arith.addi %mul3A_527, %add3A_528 : i32
      %dma_wait3A_530 = arith.constant 0 : i32
      %dma_wait3A_531 = arith.constant 0 : i32
      %dma_wait3A_532 = arith.constant 0 : i32
      %dma_wait3A_533 = tpu.memref_slice %arg9[%dma_wait3A_531, %dma_wait3A_532] : memref<512x64xf32, #tpu.memory_space<vmem>> -> memref<128x64xf32, #tpu.memory_space<vmem>>
      %dma_wait3A_534 = arith.constant 0 : i32
      %dma_wait3A_535 = tpu.memref_slice %arg7[%dma_wait3A_530, %dma_wait3A_534] : memref<80x128xi32, #tpu.memory_space<vmem>> -> memref<1x128xi32, #tpu.memory_space<vmem>>
      %dma_wait3A_536 = tpu.memref_squeeze %dma_wait3A_535 : memref<1x128xi32, #tpu.memory_space<vmem>> -> memref<128xi32, #tpu.memory_space<vmem>>
      %dma_wait3A_537 = arith.constant 0 : i32
      %dma_wait3A_538 = arith.constant 0 : i32
      %dma_wait3A_539 = tpu.memref_slice %arg2[%dma_wait3A_537, %dma_wait3A_538] : memref<10240x64xf32, #tpu.memory_space<hbm>> -> memref<10240x64xf32, #tpu.memory_space<hbm>>
      tpu.wait_indirect_dma semaphore(%arg11 : memref<!tpu.dma_semaphore, #tpu.memory_space<semaphore_mem>>) src(%dma_wait3A_539 : memref<10240x64xf32, #tpu.memory_space<hbm>>) dst(%dma_wait3A_533 : memref<128x64xf32, #tpu.memory_space<vmem>>)
      %dma_wait3A_540 = arith.constant 0 : i32
      %dma_wait3A_541 = arith.constant 128 : i32
      %dma_wait3A_542 = arith.constant 0 : i32
      %dma_wait3A_543 = tpu.memref_slice %arg9[%dma_wait3A_541, %dma_wait3A_542] : memref<512x64xf32, #tpu.memory_space<vmem>> -> memref<128x64xf32, #tpu.memory_space<vmem>>
      %dma_wait3A_544 = arith.constant 0 : i32
      %dma_wait3A_545 = tpu.memref_slice %arg7[%dma_wait3A_540, %dma_wait3A_544] : memref<80x128xi32, #tpu.memory_space<vmem>> -> memref<1x128xi32, #tpu.memory_space<vmem>>
      %dma_wait3A_546 = tpu.memref_squeeze %dma_wait3A_545 : memref<1x128xi32, #tpu.memory_space<vmem>> -> memref<128xi32, #tpu.memory_space<vmem>>
      %dma_wait3A_547 = arith.constant 0 : i32
      %dma_wait3A_548 = arith.constant 0 : i32
      %dma_wait3A_549 = tpu.memref_slice %arg2[%dma_wait3A_547, %dma_wait3A_548] : memref<10240x64xf32, #tpu.memory_space<hbm>> -> memref<10240x64xf32, #tpu.memory_space<hbm>>
      tpu.wait_indirect_dma semaphore(%arg11 : memref<!tpu.dma_semaphore, #tpu.memory_space<semaphore_mem>>) src(%dma_wait3A_549 : memref<10240x64xf32, #tpu.memory_space<hbm>>) dst(%dma_wait3A_543 : memref<128x64xf32, #tpu.memory_space<vmem>>)
      %dma_wait3A_550 = arith.constant 0 : i32
      %dma_wait3A_551 = arith.constant 256 : i32
      %dma_wait3A_552 = arith.constant 0 : i32
      %dma_wait3A_553 = tpu.memref_slice %arg9[%dma_wait3A_551, %dma_wait3A_552] : memref<512x64xf32, #tpu.memory_space<vmem>> -> memref<128x64xf32, #tpu.memory_space<vmem>>
      %dma_wait3A_554 = arith.constant 0 : i32
      %dma_wait3A_555 = tpu.memref_slice %arg7[%dma_wait3A_550, %dma_wait3A_554] : memref<80x128xi32, #tpu.memory_space<vmem>> -> memref<1x128xi32, #tpu.memory_space<vmem>>
      %dma_wait3A_556 = tpu.memref_squeeze %dma_wait3A_555 : memref<1x128xi32, #tpu.memory_space<vmem>> -> memref<128xi32, #tpu.memory_space<vmem>>
      %dma_wait3A_557 = arith.constant 0 : i32
      %dma_wait3A_558 = arith.constant 0 : i32
      %dma_wait3A_559 = tpu.memref_slice %arg2[%dma_wait3A_557, %dma_wait3A_558] : memref<10240x64xf32, #tpu.memory_space<hbm>> -> memref<10240x64xf32, #tpu.memory_space<hbm>>
      tpu.wait_indirect_dma semaphore(%arg11 : memref<!tpu.dma_semaphore, #tpu.memory_space<semaphore_mem>>) src(%dma_wait3A_559 : memref<10240x64xf32, #tpu.memory_space<hbm>>) dst(%dma_wait3A_553 : memref<128x64xf32, #tpu.memory_space<vmem>>)
      %dma_wait3A_560 = arith.constant 0 : i32
      %dma_wait3A_561 = arith.constant 384 : i32
      %dma_wait3A_562 = arith.constant 0 : i32
      %dma_wait3A_563 = tpu.memref_slice %arg9[%dma_wait3A_561, %dma_wait3A_562] : memref<512x64xf32, #tpu.memory_space<vmem>> -> memref<128x64xf32, #tpu.memory_space<vmem>>
      %dma_wait3A_564 = arith.constant 0 : i32
      %dma_wait3A_565 = tpu.memref_slice %arg7[%dma_wait3A_560, %dma_wait3A_564] : memref<80x128xi32, #tpu.memory_space<vmem>> -> memref<1x128xi32, #tpu.memory_space<vmem>>
      %dma_wait3A_566 = tpu.memref_squeeze %dma_wait3A_565 : memref<1x128xi32, #tpu.memory_space<vmem>> -> memref<128xi32, #tpu.memory_space<vmem>>
      %dma_wait3A_567 = arith.constant 0 : i32
      %dma_wait3A_568 = arith.constant 0 : i32
      %dma_wait3A_569 = tpu.memref_slice %arg2[%dma_wait3A_567, %dma_wait3A_568] : memref<10240x64xf32, #tpu.memory_space<hbm>> -> memref<10240x64xf32, #tpu.memory_space<hbm>>
      tpu.wait_indirect_dma semaphore(%arg11 : memref<!tpu.dma_semaphore, #tpu.memory_space<semaphore_mem>>) src(%dma_wait3A_569 : memref<10240x64xf32, #tpu.memory_space<hbm>>) dst(%dma_wait3A_563 : memref<128x64xf32, #tpu.memory_space<vmem>>)
      %mul3A_570 = arith.constant 4 : i32
      %mul3A_571 = arith.muli %add3A_529, %mul3A_570 : i32
      %add3A_572 = arith.constant 0 : i32
      %add3A_573 = arith.addi %mul3A_571, %add3A_572 : i32
      %dma_start3A_574 = arith.constant 0 : i32
      %dma_start3A_575 = arith.constant 0 : i32
      %dma_start3A_576 = tpu.memref_slice %arg9[%dma_start3A_574, %dma_start3A_575] : memref<512x64xf32, #tpu.memory_space<vmem>> -> memref<128x64xf32, #tpu.memory_space<vmem>>
      %dma_start3A_577 = arith.constant 0 : i32
      %dma_start3A_578 = tpu.memref_slice %arg8[%add3A_573, %dma_start3A_577] : memref<80x128xi32, #tpu.memory_space<vmem>> -> memref<1x128xi32, #tpu.memory_space<vmem>>
      %dma_start3A_579 = tpu.memref_squeeze %dma_start3A_578 : memref<1x128xi32, #tpu.memory_space<vmem>> -> memref<128xi32, #tpu.memory_space<vmem>>
      %dma_start3A_580 = arith.constant 0 : i32
      %dma_start3A_581 = arith.constant 0 : i32
      %dma_start3A_582 = tpu.memref_slice %arg6[%dma_start3A_580, %dma_start3A_581] : memref<10240x64xf32, #tpu.memory_space<vmem_shared>> -> memref<10240x64xf32, #tpu.memory_space<vmem_shared>>
      tpu.enqueue_indirect_dma source(%dma_start3A_576 : memref<128x64xf32, #tpu.memory_space<vmem>>) target(%dma_start3A_582 : memref<10240x64xf32, #tpu.memory_space<vmem_shared>>) offsets(%dma_start3A_579 : memref<128xi32, #tpu.memory_space<vmem>>) semaphore(%arg13 : memref<!tpu.dma_semaphore, #tpu.memory_space<semaphore_mem>>) {add = true}
      %mul3A_583 = arith.constant 4 : i32
      %mul3A_584 = arith.muli %add3A_529, %mul3A_583 : i32
      %add3A_585 = arith.constant 1 : i32
      %add3A_586 = arith.addi %mul3A_584, %add3A_585 : i32
      %dma_start3A_587 = arith.constant 128 : i32
      %dma_start3A_588 = arith.constant 0 : i32
      %dma_start3A_589 = tpu.memref_slice %arg9[%dma_start3A_587, %dma_start3A_588] : memref<512x64xf32, #tpu.memory_space<vmem>> -> memref<128x64xf32, #tpu.memory_space<vmem>>
      %dma_start3A_590 = arith.constant 0 : i32
      %dma_start3A_591 = tpu.memref_slice %arg8[%add3A_586, %dma_start3A_590] : memref<80x128xi32, #tpu.memory_space<vmem>> -> memref<1x128xi32, #tpu.memory_space<vmem>>
      %dma_start3A_592 = tpu.memref_squeeze %dma_start3A_591 : memref<1x128xi32, #tpu.memory_space<vmem>> -> memref<128xi32, #tpu.memory_space<vmem>>
      %dma_start3A_593 = arith.constant 0 : i32
      %dma_start3A_594 = arith.constant 0 : i32
      %dma_start3A_595 = tpu.memref_slice %arg6[%dma_start3A_593, %dma_start3A_594] : memref<10240x64xf32, #tpu.memory_space<vmem_shared>> -> memref<10240x64xf32, #tpu.memory_space<vmem_shared>>
      tpu.enqueue_indirect_dma source(%dma_start3A_589 : memref<128x64xf32, #tpu.memory_space<vmem>>) target(%dma_start3A_595 : memref<10240x64xf32, #tpu.memory_space<vmem_shared>>) offsets(%dma_start3A_592 : memref<128xi32, #tpu.memory_space<vmem>>) semaphore(%arg13 : memref<!tpu.dma_semaphore, #tpu.memory_space<semaphore_mem>>) {add = true}
      %mul3A_596 = arith.constant 4 : i32
      %mul3A_597 = arith.muli %add3A_529, %mul3A_596 : i32
      %add3A_598 = arith.constant 2 : i32
      %add3A_599 = arith.addi %mul3A_597, %add3A_598 : i32
      %dma_start3A_600 = arith.constant 256 : i32
      %dma_start3A_601 = arith.constant 0 : i32
      %dma_start3A_602 = tpu.memref_slice %arg9[%dma_start3A_600, %dma_start3A_601] : memref<512x64xf32, #tpu.memory_space<vmem>> -> memref<128x64xf32, #tpu.memory_space<vmem>>
      %dma_start3A_603 = arith.constant 0 : i32
      %dma_start3A_604 = tpu.memref_slice %arg8[%add3A_599, %dma_start3A_603] : memref<80x128xi32, #tpu.memory_space<vmem>> -> memref<1x128xi32, #tpu.memory_space<vmem>>
      %dma_start3A_605 = tpu.memref_squeeze %dma_start3A_604 : memref<1x128xi32, #tpu.memory_space<vmem>> -> memref<128xi32, #tpu.memory_space<vmem>>
      %dma_start3A_606 = arith.constant 0 : i32
      %dma_start3A_607 = arith.constant 0 : i32
      %dma_start3A_608 = tpu.memref_slice %arg6[%dma_start3A_606, %dma_start3A_607] : memref<10240x64xf32, #tpu.memory_space<vmem_shared>> -> memref<10240x64xf32, #tpu.memory_space<vmem_shared>>
      tpu.enqueue_indirect_dma source(%dma_start3A_602 : memref<128x64xf32, #tpu.memory_space<vmem>>) target(%dma_start3A_608 : memref<10240x64xf32, #tpu.memory_space<vmem_shared>>) offsets(%dma_start3A_605 : memref<128xi32, #tpu.memory_space<vmem>>) semaphore(%arg13 : memref<!tpu.dma_semaphore, #tpu.memory_space<semaphore_mem>>) {add = true}
      %mul3A_609 = arith.constant 4 : i32
      %mul3A_610 = arith.muli %add3A_529, %mul3A_609 : i32
      %add3A_611 = arith.constant 3 : i32
      %add3A_612 = arith.addi %mul3A_610, %add3A_611 : i32
      %dma_start3A_613 = arith.constant 384 : i32
      %dma_start3A_614 = arith.constant 0 : i32
      %dma_start3A_615 = tpu.memref_slice %arg9[%dma_start3A_613, %dma_start3A_614] : memref<512x64xf32, #tpu.memory_space<vmem>> -> memref<128x64xf32, #tpu.memory_space<vmem>>
      %dma_start3A_616 = arith.constant 0 : i32
      %dma_start3A_617 = tpu.memref_slice %arg8[%add3A_612, %dma_start3A_616] : memref<80x128xi32, #tpu.memory_space<vmem>> -> memref<1x128xi32, #tpu.memory_space<vmem>>
      %dma_start3A_618 = tpu.memref_squeeze %dma_start3A_617 : memref<1x128xi32, #tpu.memory_space<vmem>> -> memref<128xi32, #tpu.memory_space<vmem>>
      %dma_start3A_619 = arith.constant 0 : i32
      %dma_start3A_620 = arith.constant 0 : i32
      %dma_start3A_621 = tpu.memref_slice %arg6[%dma_start3A_619, %dma_start3A_620] : memref<10240x64xf32, #tpu.memory_space<vmem_shared>> -> memref<10240x64xf32, #tpu.memory_space<vmem_shared>>
      tpu.enqueue_indirect_dma source(%dma_start3A_615 : memref<128x64xf32, #tpu.memory_space<vmem>>) target(%dma_start3A_621 : memref<10240x64xf32, #tpu.memory_space<vmem_shared>>) offsets(%dma_start3A_618 : memref<128xi32, #tpu.memory_space<vmem>>) semaphore(%arg13 : memref<!tpu.dma_semaphore, #tpu.memory_space<semaphore_mem>>) {add = true}
      %dma_wait3A_622 = arith.constant 0 : i32
      %dma_wait3A_623 = arith.constant 0 : i32
      %dma_wait3A_624 = arith.constant 0 : i32
      %dma_wait3A_625 = tpu.memref_slice %arg10[%dma_wait3A_623, %dma_wait3A_624] : memref<512x64xf32, #tpu.memory_space<vmem>> -> memref<128x64xf32, #tpu.memory_space<vmem>>
      %dma_wait3A_626 = arith.constant 0 : i32
      %dma_wait3A_627 = tpu.memref_slice %arg8[%dma_wait3A_622, %dma_wait3A_626] : memref<80x128xi32, #tpu.memory_space<vmem>> -> memref<1x128xi32, #tpu.memory_space<vmem>>
      %dma_wait3A_628 = tpu.memref_squeeze %dma_wait3A_627 : memref<1x128xi32, #tpu.memory_space<vmem>> -> memref<128xi32, #tpu.memory_space<vmem>>
      %dma_wait3A_629 = arith.constant 0 : i32
      %dma_wait3A_630 = arith.constant 0 : i32
      %dma_wait3A_631 = tpu.memref_slice %arg6[%dma_wait3A_629, %dma_wait3A_630] : memref<10240x64xf32, #tpu.memory_space<vmem_shared>> -> memref<10240x64xf32, #tpu.memory_space<vmem_shared>>
      tpu.wait_indirect_dma semaphore(%arg14 : memref<!tpu.dma_semaphore, #tpu.memory_space<semaphore_mem>>) src(%dma_wait3A_625 : memref<128x64xf32, #tpu.memory_space<vmem>>) dst(%dma_wait3A_631 : memref<10240x64xf32, #tpu.memory_space<vmem_shared>>)
      %dma_wait3A_632 = arith.constant 0 : i32
      %dma_wait3A_633 = arith.constant 128 : i32
      %dma_wait3A_634 = arith.constant 0 : i32
      %dma_wait3A_635 = tpu.memref_slice %arg10[%dma_wait3A_633, %dma_wait3A_634] : memref<512x64xf32, #tpu.memory_space<vmem>> -> memref<128x64xf32, #tpu.memory_space<vmem>>
      %dma_wait3A_636 = arith.constant 0 : i32
      %dma_wait3A_637 = tpu.memref_slice %arg8[%dma_wait3A_632, %dma_wait3A_636] : memref<80x128xi32, #tpu.memory_space<vmem>> -> memref<1x128xi32, #tpu.memory_space<vmem>>
      %dma_wait3A_638 = tpu.memref_squeeze %dma_wait3A_637 : memref<1x128xi32, #tpu.memory_space<vmem>> -> memref<128xi32, #tpu.memory_space<vmem>>
      %dma_wait3A_639 = arith.constant 0 : i32
      %dma_wait3A_640 = arith.constant 0 : i32
      %dma_wait3A_641 = tpu.memref_slice %arg6[%dma_wait3A_639, %dma_wait3A_640] : memref<10240x64xf32, #tpu.memory_space<vmem_shared>> -> memref<10240x64xf32, #tpu.memory_space<vmem_shared>>
      tpu.wait_indirect_dma semaphore(%arg14 : memref<!tpu.dma_semaphore, #tpu.memory_space<semaphore_mem>>) src(%dma_wait3A_635 : memref<128x64xf32, #tpu.memory_space<vmem>>) dst(%dma_wait3A_641 : memref<10240x64xf32, #tpu.memory_space<vmem_shared>>)
      %dma_wait3A_642 = arith.constant 0 : i32
      %dma_wait3A_643 = arith.constant 256 : i32
      %dma_wait3A_644 = arith.constant 0 : i32
      %dma_wait3A_645 = tpu.memref_slice %arg10[%dma_wait3A_643, %dma_wait3A_644] : memref<512x64xf32, #tpu.memory_space<vmem>> -> memref<128x64xf32, #tpu.memory_space<vmem>>
      %dma_wait3A_646 = arith.constant 0 : i32
      %dma_wait3A_647 = tpu.memref_slice %arg8[%dma_wait3A_642, %dma_wait3A_646] : memref<80x128xi32, #tpu.memory_space<vmem>> -> memref<1x128xi32, #tpu.memory_space<vmem>>
      %dma_wait3A_648 = tpu.memref_squeeze %dma_wait3A_647 : memref<1x128xi32, #tpu.memory_space<vmem>> -> memref<128xi32, #tpu.memory_space<vmem>>
      %dma_wait3A_649 = arith.constant 0 : i32
      %dma_wait3A_650 = arith.constant 0 : i32
      %dma_wait3A_651 = tpu.memref_slice %arg6[%dma_wait3A_649, %dma_wait3A_650] : memref<10240x64xf32, #tpu.memory_space<vmem_shared>> -> memref<10240x64xf32, #tpu.memory_space<vmem_shared>>
      tpu.wait_indirect_dma semaphore(%arg14 : memref<!tpu.dma_semaphore, #tpu.memory_space<semaphore_mem>>) src(%dma_wait3A_645 : memref<128x64xf32, #tpu.memory_space<vmem>>) dst(%dma_wait3A_651 : memref<10240x64xf32, #tpu.memory_space<vmem_shared>>)
      %dma_wait3A_652 = arith.constant 0 : i32
      %dma_wait3A_653 = arith.constant 384 : i32
      %dma_wait3A_654 = arith.constant 0 : i32
      %dma_wait3A_655 = tpu.memref_slice %arg10[%dma_wait3A_653, %dma_wait3A_654] : memref<512x64xf32, #tpu.memory_space<vmem>> -> memref<128x64xf32, #tpu.memory_space<vmem>>
      %dma_wait3A_656 = arith.constant 0 : i32
      %dma_wait3A_657 = tpu.memref_slice %arg8[%dma_wait3A_652, %dma_wait3A_656] : memref<80x128xi32, #tpu.memory_space<vmem>> -> memref<1x128xi32, #tpu.memory_space<vmem>>
      %dma_wait3A_658 = tpu.memref_squeeze %dma_wait3A_657 : memref<1x128xi32, #tpu.memory_space<vmem>> -> memref<128xi32, #tpu.memory_space<vmem>>
      %dma_wait3A_659 = arith.constant 0 : i32
      %dma_wait3A_660 = arith.constant 0 : i32
      %dma_wait3A_661 = tpu.memref_slice %arg6[%dma_wait3A_659, %dma_wait3A_660] : memref<10240x64xf32, #tpu.memory_space<vmem_shared>> -> memref<10240x64xf32, #tpu.memory_space<vmem_shared>>
      tpu.wait_indirect_dma semaphore(%arg14 : memref<!tpu.dma_semaphore, #tpu.memory_space<semaphore_mem>>) src(%dma_wait3A_655 : memref<128x64xf32, #tpu.memory_space<vmem>>) dst(%dma_wait3A_661 : memref<10240x64xf32, #tpu.memory_space<vmem_shared>>)
      %add3A_662 = arith.constant 1 : i32
      %add3A_663 = arith.addi %add3A_529, %add3A_662 : i32
      %mul3A_664 = arith.constant 4 : i32
      %mul3A_665 = arith.muli %add3A_663, %mul3A_664 : i32
      %add3A_666 = arith.constant 0 : i32
      %add3A_667 = arith.addi %mul3A_665, %add3A_666 : i32
      %dma_start3A_668 = arith.constant 0 : i32
      %dma_start3A_669 = arith.constant 0 : i32
      %dma_start3A_670 = tpu.memref_slice %arg10[%dma_start3A_668, %dma_start3A_669] : memref<512x64xf32, #tpu.memory_space<vmem>> -> memref<128x64xf32, #tpu.memory_space<vmem>>
      %dma_start3A_671 = arith.constant 0 : i32
      %dma_start3A_672 = tpu.memref_slice %arg7[%add3A_667, %dma_start3A_671] : memref<80x128xi32, #tpu.memory_space<vmem>> -> memref<1x128xi32, #tpu.memory_space<vmem>>
      %dma_start3A_673 = tpu.memref_squeeze %dma_start3A_672 : memref<1x128xi32, #tpu.memory_space<vmem>> -> memref<128xi32, #tpu.memory_space<vmem>>
      %dma_start3A_674 = arith.constant 0 : i32
      %dma_start3A_675 = arith.constant 0 : i32
      %dma_start3A_676 = tpu.memref_slice %arg2[%dma_start3A_674, %dma_start3A_675] : memref<10240x64xf32, #tpu.memory_space<hbm>> -> memref<10240x64xf32, #tpu.memory_space<hbm>>
      tpu.enqueue_indirect_dma source(%dma_start3A_676 : memref<10240x64xf32, #tpu.memory_space<hbm>>) target(%dma_start3A_670 : memref<128x64xf32, #tpu.memory_space<vmem>>) offsets(%dma_start3A_673 : memref<128xi32, #tpu.memory_space<vmem>>) semaphore(%arg12 : memref<!tpu.dma_semaphore, #tpu.memory_space<semaphore_mem>>)
      %mul3A_677 = arith.constant 4 : i32
      %mul3A_678 = arith.muli %add3A_663, %mul3A_677 : i32
      %add3A_679 = arith.constant 1 : i32
      %add3A_680 = arith.addi %mul3A_678, %add3A_679 : i32
      %dma_start3A_681 = arith.constant 128 : i32
      %dma_start3A_682 = arith.constant 0 : i32
      %dma_start3A_683 = tpu.memref_slice %arg10[%dma_start3A_681, %dma_start3A_682] : memref<512x64xf32, #tpu.memory_space<vmem>> -> memref<128x64xf32, #tpu.memory_space<vmem>>
      %dma_start3A_684 = arith.constant 0 : i32
      %dma_start3A_685 = tpu.memref_slice %arg7[%add3A_680, %dma_start3A_684] : memref<80x128xi32, #tpu.memory_space<vmem>> -> memref<1x128xi32, #tpu.memory_space<vmem>>
      %dma_start3A_686 = tpu.memref_squeeze %dma_start3A_685 : memref<1x128xi32, #tpu.memory_space<vmem>> -> memref<128xi32, #tpu.memory_space<vmem>>
      %dma_start3A_687 = arith.constant 0 : i32
      %dma_start3A_688 = arith.constant 0 : i32
      %dma_start3A_689 = tpu.memref_slice %arg2[%dma_start3A_687, %dma_start3A_688] : memref<10240x64xf32, #tpu.memory_space<hbm>> -> memref<10240x64xf32, #tpu.memory_space<hbm>>
      tpu.enqueue_indirect_dma source(%dma_start3A_689 : memref<10240x64xf32, #tpu.memory_space<hbm>>) target(%dma_start3A_683 : memref<128x64xf32, #tpu.memory_space<vmem>>) offsets(%dma_start3A_686 : memref<128xi32, #tpu.memory_space<vmem>>) semaphore(%arg12 : memref<!tpu.dma_semaphore, #tpu.memory_space<semaphore_mem>>)
      %mul3A_690 = arith.constant 4 : i32
      %mul3A_691 = arith.muli %add3A_663, %mul3A_690 : i32
      %add3A_692 = arith.constant 2 : i32
      %add3A_693 = arith.addi %mul3A_691, %add3A_692 : i32
      %dma_start3A_694 = arith.constant 256 : i32
      %dma_start3A_695 = arith.constant 0 : i32
      %dma_start3A_696 = tpu.memref_slice %arg10[%dma_start3A_694, %dma_start3A_695] : memref<512x64xf32, #tpu.memory_space<vmem>> -> memref<128x64xf32, #tpu.memory_space<vmem>>
      %dma_start3A_697 = arith.constant 0 : i32
      %dma_start3A_698 = tpu.memref_slice %arg7[%add3A_693, %dma_start3A_697] : memref<80x128xi32, #tpu.memory_space<vmem>> -> memref<1x128xi32, #tpu.memory_space<vmem>>
      %dma_start3A_699 = tpu.memref_squeeze %dma_start3A_698 : memref<1x128xi32, #tpu.memory_space<vmem>> -> memref<128xi32, #tpu.memory_space<vmem>>
      %dma_start3A_700 = arith.constant 0 : i32
      %dma_start3A_701 = arith.constant 0 : i32
      %dma_start3A_702 = tpu.memref_slice %arg2[%dma_start3A_700, %dma_start3A_701] : memref<10240x64xf32, #tpu.memory_space<hbm>> -> memref<10240x64xf32, #tpu.memory_space<hbm>>
      tpu.enqueue_indirect_dma source(%dma_start3A_702 : memref<10240x64xf32, #tpu.memory_space<hbm>>) target(%dma_start3A_696 : memref<128x64xf32, #tpu.memory_space<vmem>>) offsets(%dma_start3A_699 : memref<128xi32, #tpu.memory_space<vmem>>) semaphore(%arg12 : memref<!tpu.dma_semaphore, #tpu.memory_space<semaphore_mem>>)
      %mul3A_703 = arith.constant 4 : i32
      %mul3A_704 = arith.muli %add3A_663, %mul3A_703 : i32
      %add3A_705 = arith.constant 3 : i32
      %add3A_706 = arith.addi %mul3A_704, %add3A_705 : i32
      %dma_start3A_707 = arith.constant 384 : i32
      %dma_start3A_708 = arith.constant 0 : i32
      %dma_start3A_709 = tpu.memref_slice %arg10[%dma_start3A_707, %dma_start3A_708] : memref<512x64xf32, #tpu.memory_space<vmem>> -> memref<128x64xf32, #tpu.memory_space<vmem>>
      %dma_start3A_710 = arith.constant 0 : i32
      %dma_start3A_711 = tpu.memref_slice %arg7[%add3A_706, %dma_start3A_710] : memref<80x128xi32, #tpu.memory_space<vmem>> -> memref<1x128xi32, #tpu.memory_space<vmem>>
      %dma_start3A_712 = tpu.memref_squeeze %dma_start3A_711 : memref<1x128xi32, #tpu.memory_space<vmem>> -> memref<128xi32, #tpu.memory_space<vmem>>
      %dma_start3A_713 = arith.constant 0 : i32
      %dma_start3A_714 = arith.constant 0 : i32
      %dma_start3A_715 = tpu.memref_slice %arg2[%dma_start3A_713, %dma_start3A_714] : memref<10240x64xf32, #tpu.memory_space<hbm>> -> memref<10240x64xf32, #tpu.memory_space<hbm>>
      tpu.enqueue_indirect_dma source(%dma_start3A_715 : memref<10240x64xf32, #tpu.memory_space<hbm>>) target(%dma_start3A_709 : memref<128x64xf32, #tpu.memory_space<vmem>>) offsets(%dma_start3A_712 : memref<128xi32, #tpu.memory_space<vmem>>) semaphore(%arg12 : memref<!tpu.dma_semaphore, #tpu.memory_space<semaphore_mem>>)
      %scan3A_716 = arith.constant 0 : i32
      scf.yield %scan3A_716 : i32
    }
    %scan3A_168 = arith.constant 9 : i32
    %dma_wait3A_169 = arith.constant 0 : i32
    %dma_wait3A_170 = arith.constant 0 : i32
    %dma_wait3A_171 = arith.constant 0 : i32
    %dma_wait3A_172 = tpu.memref_slice %arg10[%dma_wait3A_170, %dma_wait3A_171] : memref<512x64xf32, #tpu.memory_space<vmem>> -> memref<128x64xf32, #tpu.memory_space<vmem>>
    %dma_wait3A_173 = arith.constant 0 : i32
    %dma_wait3A_174 = tpu.memref_slice %arg7[%dma_wait3A_169, %dma_wait3A_173] : memref<80x128xi32, #tpu.memory_space<vmem>> -> memref<1x128xi32, #tpu.memory_space<vmem>>
    %dma_wait3A_175 = tpu.memref_squeeze %dma_wait3A_174 : memref<1x128xi32, #tpu.memory_space<vmem>> -> memref<128xi32, #tpu.memory_space<vmem>>
    %dma_wait3A_176 = arith.constant 0 : i32
    %dma_wait3A_177 = arith.constant 0 : i32
    %dma_wait3A_178 = tpu.memref_slice %arg2[%dma_wait3A_176, %dma_wait3A_177] : memref<10240x64xf32, #tpu.memory_space<hbm>> -> memref<10240x64xf32, #tpu.memory_space<hbm>>
    tpu.wait_indirect_dma semaphore(%arg12 : memref<!tpu.dma_semaphore, #tpu.memory_space<semaphore_mem>>) src(%dma_wait3A_178 : memref<10240x64xf32, #tpu.memory_space<hbm>>) dst(%dma_wait3A_172 : memref<128x64xf32, #tpu.memory_space<vmem>>)
    %dma_wait3A_179 = arith.constant 0 : i32
    %dma_wait3A_180 = arith.constant 128 : i32
    %dma_wait3A_181 = arith.constant 0 : i32
    %dma_wait3A_182 = tpu.memref_slice %arg10[%dma_wait3A_180, %dma_wait3A_181] : memref<512x64xf32, #tpu.memory_space<vmem>> -> memref<128x64xf32, #tpu.memory_space<vmem>>
    %dma_wait3A_183 = arith.constant 0 : i32
    %dma_wait3A_184 = tpu.memref_slice %arg7[%dma_wait3A_179, %dma_wait3A_183] : memref<80x128xi32, #tpu.memory_space<vmem>> -> memref<1x128xi32, #tpu.memory_space<vmem>>
    %dma_wait3A_185 = tpu.memref_squeeze %dma_wait3A_184 : memref<1x128xi32, #tpu.memory_space<vmem>> -> memref<128xi32, #tpu.memory_space<vmem>>
    %dma_wait3A_186 = arith.constant 0 : i32
    %dma_wait3A_187 = arith.constant 0 : i32
    %dma_wait3A_188 = tpu.memref_slice %arg2[%dma_wait3A_186, %dma_wait3A_187] : memref<10240x64xf32, #tpu.memory_space<hbm>> -> memref<10240x64xf32, #tpu.memory_space<hbm>>
    tpu.wait_indirect_dma semaphore(%arg12 : memref<!tpu.dma_semaphore, #tpu.memory_space<semaphore_mem>>) src(%dma_wait3A_188 : memref<10240x64xf32, #tpu.memory_space<hbm>>) dst(%dma_wait3A_182 : memref<128x64xf32, #tpu.memory_space<vmem>>)
    %dma_wait3A_189 = arith.constant 0 : i32
    %dma_wait3A_190 = arith.constant 256 : i32
    %dma_wait3A_191 = arith.constant 0 : i32
    %dma_wait3A_192 = tpu.memref_slice %arg10[%dma_wait3A_190, %dma_wait3A_191] : memref<512x64xf32, #tpu.memory_space<vmem>> -> memref<128x64xf32, #tpu.memory_space<vmem>>
    %dma_wait3A_193 = arith.constant 0 : i32
    %dma_wait3A_194 = tpu.memref_slice %arg7[%dma_wait3A_189, %dma_wait3A_193] : memref<80x128xi32, #tpu.memory_space<vmem>> -> memref<1x128xi32, #tpu.memory_space<vmem>>
    %dma_wait3A_195 = tpu.memref_squeeze %dma_wait3A_194 : memref<1x128xi32, #tpu.memory_space<vmem>> -> memref<128xi32, #tpu.memory_space<vmem>>
    %dma_wait3A_196 = arith.constant 0 : i32
    %dma_wait3A_197 = arith.constant 0 : i32
    %dma_wait3A_198 = tpu.memref_slice %arg2[%dma_wait3A_196, %dma_wait3A_197] : memref<10240x64xf32, #tpu.memory_space<hbm>> -> memref<10240x64xf32, #tpu.memory_space<hbm>>
    tpu.wait_indirect_dma semaphore(%arg12 : memref<!tpu.dma_semaphore, #tpu.memory_space<semaphore_mem>>) src(%dma_wait3A_198 : memref<10240x64xf32, #tpu.memory_space<hbm>>) dst(%dma_wait3A_192 : memref<128x64xf32, #tpu.memory_space<vmem>>)
    %dma_wait3A_199 = arith.constant 0 : i32
    %dma_wait3A_200 = arith.constant 384 : i32
    %dma_wait3A_201 = arith.constant 0 : i32
    %dma_wait3A_202 = tpu.memref_slice %arg10[%dma_wait3A_200, %dma_wait3A_201] : memref<512x64xf32, #tpu.memory_space<vmem>> -> memref<128x64xf32, #tpu.memory_space<vmem>>
    %dma_wait3A_203 = arith.constant 0 : i32
    %dma_wait3A_204 = tpu.memref_slice %arg7[%dma_wait3A_199, %dma_wait3A_203] : memref<80x128xi32, #tpu.memory_space<vmem>> -> memref<1x128xi32, #tpu.memory_space<vmem>>
    %dma_wait3A_205 = tpu.memref_squeeze %dma_wait3A_204 : memref<1x128xi32, #tpu.memory_space<vmem>> -> memref<128xi32, #tpu.memory_space<vmem>>
    %dma_wait3A_206 = arith.constant 0 : i32
    %dma_wait3A_207 = arith.constant 0 : i32
    %dma_wait3A_208 = tpu.memref_slice %arg2[%dma_wait3A_206, %dma_wait3A_207] : memref<10240x64xf32, #tpu.memory_space<hbm>> -> memref<10240x64xf32, #tpu.memory_space<hbm>>
    tpu.wait_indirect_dma semaphore(%arg12 : memref<!tpu.dma_semaphore, #tpu.memory_space<semaphore_mem>>) src(%dma_wait3A_208 : memref<10240x64xf32, #tpu.memory_space<hbm>>) dst(%dma_wait3A_202 : memref<128x64xf32, #tpu.memory_space<vmem>>)
    %dma_start3A_209 = arith.constant 76 : i32
    %dma_start3A_210 = arith.constant 0 : i32
    %dma_start3A_211 = arith.constant 0 : i32
    %dma_start3A_212 = tpu.memref_slice %arg10[%dma_start3A_210, %dma_start3A_211] : memref<512x64xf32, #tpu.memory_space<vmem>> -> memref<128x64xf32, #tpu.memory_space<vmem>>
    %dma_start3A_213 = arith.constant 0 : i32
    %dma_start3A_214 = tpu.memref_slice %arg8[%dma_start3A_209, %dma_start3A_213] : memref<80x128xi32, #tpu.memory_space<vmem>> -> memref<1x128xi32, #tpu.memory_space<vmem>>
    %dma_start3A_215 = tpu.memref_squeeze %dma_start3A_214 : memref<1x128xi32, #tpu.memory_space<vmem>> -> memref<128xi32, #tpu.memory_space<vmem>>
    %dma_start3A_216 = arith.constant 0 : i32
    %dma_start3A_217 = arith.constant 0 : i32
    %dma_start3A_218 = tpu.memref_slice %arg6[%dma_start3A_216, %dma_start3A_217] : memref<10240x64xf32, #tpu.memory_space<vmem_shared>> -> memref<10240x64xf32, #tpu.memory_space<vmem_shared>>
    tpu.enqueue_indirect_dma source(%dma_start3A_212 : memref<128x64xf32, #tpu.memory_space<vmem>>) target(%dma_start3A_218 : memref<10240x64xf32, #tpu.memory_space<vmem_shared>>) offsets(%dma_start3A_215 : memref<128xi32, #tpu.memory_space<vmem>>) semaphore(%arg14 : memref<!tpu.dma_semaphore, #tpu.memory_space<semaphore_mem>>) {add = true}
    %dma_start3A_219 = arith.constant 77 : i32
    %dma_start3A_220 = arith.constant 128 : i32
    %dma_start3A_221 = arith.constant 0 : i32
    %dma_start3A_222 = tpu.memref_slice %arg10[%dma_start3A_220, %dma_start3A_221] : memref<512x64xf32, #tpu.memory_space<vmem>> -> memref<128x64xf32, #tpu.memory_space<vmem>>
    %dma_start3A_223 = arith.constant 0 : i32
    %dma_start3A_224 = tpu.memref_slice %arg8[%dma_start3A_219, %dma_start3A_223] : memref<80x128xi32, #tpu.memory_space<vmem>> -> memref<1x128xi32, #tpu.memory_space<vmem>>
    %dma_start3A_225 = tpu.memref_squeeze %dma_start3A_224 : memref<1x128xi32, #tpu.memory_space<vmem>> -> memref<128xi32, #tpu.memory_space<vmem>>
    %dma_start3A_226 = arith.constant 0 : i32
    %dma_start3A_227 = arith.constant 0 : i32
    %dma_start3A_228 = tpu.memref_slice %arg6[%dma_start3A_226, %dma_start3A_227] : memref<10240x64xf32, #tpu.memory_space<vmem_shared>> -> memref<10240x64xf32, #tpu.memory_space<vmem_shared>>
    tpu.enqueue_indirect_dma source(%dma_start3A_222 : memref<128x64xf32, #tpu.memory_space<vmem>>) target(%dma_start3A_228 : memref<10240x64xf32, #tpu.memory_space<vmem_shared>>) offsets(%dma_start3A_225 : memref<128xi32, #tpu.memory_space<vmem>>) semaphore(%arg14 : memref<!tpu.dma_semaphore, #tpu.memory_space<semaphore_mem>>) {add = true}
    %dma_start3A_229 = arith.constant 78 : i32
    %dma_start3A_230 = arith.constant 256 : i32
    %dma_start3A_231 = arith.constant 0 : i32
    %dma_start3A_232 = tpu.memref_slice %arg10[%dma_start3A_230, %dma_start3A_231] : memref<512x64xf32, #tpu.memory_space<vmem>> -> memref<128x64xf32, #tpu.memory_space<vmem>>
    %dma_start3A_233 = arith.constant 0 : i32
    %dma_start3A_234 = tpu.memref_slice %arg8[%dma_start3A_229, %dma_start3A_233] : memref<80x128xi32, #tpu.memory_space<vmem>> -> memref<1x128xi32, #tpu.memory_space<vmem>>
    %dma_start3A_235 = tpu.memref_squeeze %dma_start3A_234 : memref<1x128xi32, #tpu.memory_space<vmem>> -> memref<128xi32, #tpu.memory_space<vmem>>
    %dma_start3A_236 = arith.constant 0 : i32
    %dma_start3A_237 = arith.constant 0 : i32
    %dma_start3A_238 = tpu.memref_slice %arg6[%dma_start3A_236, %dma_start3A_237] : memref<10240x64xf32, #tpu.memory_space<vmem_shared>> -> memref<10240x64xf32, #tpu.memory_space<vmem_shared>>
    tpu.enqueue_indirect_dma source(%dma_start3A_232 : memref<128x64xf32, #tpu.memory_space<vmem>>) target(%dma_start3A_238 : memref<10240x64xf32, #tpu.memory_space<vmem_shared>>) offsets(%dma_start3A_235 : memref<128xi32, #tpu.memory_space<vmem>>) semaphore(%arg14 : memref<!tpu.dma_semaphore, #tpu.memory_space<semaphore_mem>>) {add = true}
    %dma_start3A_239 = arith.constant 79 : i32
    %dma_start3A_240 = arith.constant 384 : i32
    %dma_start3A_241 = arith.constant 0 : i32
    %dma_start3A_242 = tpu.memref_slice %arg10[%dma_start3A_240, %dma_start3A_241] : memref<512x64xf32, #tpu.memory_space<vmem>> -> memref<128x64xf32, #tpu.memory_space<vmem>>
    %dma_start3A_243 = arith.constant 0 : i32
    %dma_start3A_244 = tpu.memref_slice %arg8[%dma_start3A_239, %dma_start3A_243] : memref<80x128xi32, #tpu.memory_space<vmem>> -> memref<1x128xi32, #tpu.memory_space<vmem>>
    %dma_start3A_245 = tpu.memref_squeeze %dma_start3A_244 : memref<1x128xi32, #tpu.memory_space<vmem>> -> memref<128xi32, #tpu.memory_space<vmem>>
    %dma_start3A_246 = arith.constant 0 : i32
    %dma_start3A_247 = arith.constant 0 : i32
    %dma_start3A_248 = tpu.memref_slice %arg6[%dma_start3A_246, %dma_start3A_247] : memref<10240x64xf32, #tpu.memory_space<vmem_shared>> -> memref<10240x64xf32, #tpu.memory_space<vmem_shared>>
    tpu.enqueue_indirect_dma source(%dma_start3A_242 : memref<128x64xf32, #tpu.memory_space<vmem>>) target(%dma_start3A_248 : memref<10240x64xf32, #tpu.memory_space<vmem_shared>>) offsets(%dma_start3A_245 : memref<128xi32, #tpu.memory_space<vmem>>) semaphore(%arg14 : memref<!tpu.dma_semaphore, #tpu.memory_space<semaphore_mem>>) {add = true}
    %dma_wait3A_249 = arith.constant 0 : i32
    %dma_wait3A_250 = arith.constant 0 : i32
    %dma_wait3A_251 = arith.constant 0 : i32
    %dma_wait3A_252 = tpu.memref_slice %arg9[%dma_wait3A_250, %dma_wait3A_251] : memref<512x64xf32, #tpu.memory_space<vmem>> -> memref<128x64xf32, #tpu.memory_space<vmem>>
    %dma_wait3A_253 = arith.constant 0 : i32
    %dma_wait3A_254 = tpu.memref_slice %arg8[%dma_wait3A_249, %dma_wait3A_253] : memref<80x128xi32, #tpu.memory_space<vmem>> -> memref<1x128xi32, #tpu.memory_space<vmem>>
    %dma_wait3A_255 = tpu.memref_squeeze %dma_wait3A_254 : memref<1x128xi32, #tpu.memory_space<vmem>> -> memref<128xi32, #tpu.memory_space<vmem>>
    %dma_wait3A_256 = arith.constant 0 : i32
    %dma_wait3A_257 = arith.constant 0 : i32
    %dma_wait3A_258 = tpu.memref_slice %arg6[%dma_wait3A_256, %dma_wait3A_257] : memref<10240x64xf32, #tpu.memory_space<vmem_shared>> -> memref<10240x64xf32, #tpu.memory_space<vmem_shared>>
    tpu.wait_indirect_dma semaphore(%arg13 : memref<!tpu.dma_semaphore, #tpu.memory_space<semaphore_mem>>) src(%dma_wait3A_252 : memref<128x64xf32, #tpu.memory_space<vmem>>) dst(%dma_wait3A_258 : memref<10240x64xf32, #tpu.memory_space<vmem_shared>>)
    %dma_wait3A_259 = arith.constant 0 : i32
    %dma_wait3A_260 = arith.constant 128 : i32
    %dma_wait3A_261 = arith.constant 0 : i32
    %dma_wait3A_262 = tpu.memref_slice %arg9[%dma_wait3A_260, %dma_wait3A_261] : memref<512x64xf32, #tpu.memory_space<vmem>> -> memref<128x64xf32, #tpu.memory_space<vmem>>
    %dma_wait3A_263 = arith.constant 0 : i32
    %dma_wait3A_264 = tpu.memref_slice %arg8[%dma_wait3A_259, %dma_wait3A_263] : memref<80x128xi32, #tpu.memory_space<vmem>> -> memref<1x128xi32, #tpu.memory_space<vmem>>
    %dma_wait3A_265 = tpu.memref_squeeze %dma_wait3A_264 : memref<1x128xi32, #tpu.memory_space<vmem>> -> memref<128xi32, #tpu.memory_space<vmem>>
    %dma_wait3A_266 = arith.constant 0 : i32
    %dma_wait3A_267 = arith.constant 0 : i32
    %dma_wait3A_268 = tpu.memref_slice %arg6[%dma_wait3A_266, %dma_wait3A_267] : memref<10240x64xf32, #tpu.memory_space<vmem_shared>> -> memref<10240x64xf32, #tpu.memory_space<vmem_shared>>
    tpu.wait_indirect_dma semaphore(%arg13 : memref<!tpu.dma_semaphore, #tpu.memory_space<semaphore_mem>>) src(%dma_wait3A_262 : memref<128x64xf32, #tpu.memory_space<vmem>>) dst(%dma_wait3A_268 : memref<10240x64xf32, #tpu.memory_space<vmem_shared>>)
    %dma_wait3A_269 = arith.constant 0 : i32
    %dma_wait3A_270 = arith.constant 256 : i32
    %dma_wait3A_271 = arith.constant 0 : i32
    %dma_wait3A_272 = tpu.memref_slice %arg9[%dma_wait3A_270, %dma_wait3A_271] : memref<512x64xf32, #tpu.memory_space<vmem>> -> memref<128x64xf32, #tpu.memory_space<vmem>>
    %dma_wait3A_273 = arith.constant 0 : i32
    %dma_wait3A_274 = tpu.memref_slice %arg8[%dma_wait3A_269, %dma_wait3A_273] : memref<80x128xi32, #tpu.memory_space<vmem>> -> memref<1x128xi32, #tpu.memory_space<vmem>>
    %dma_wait3A_275 = tpu.memref_squeeze %dma_wait3A_274 : memref<1x128xi32, #tpu.memory_space<vmem>> -> memref<128xi32, #tpu.memory_space<vmem>>
    %dma_wait3A_276 = arith.constant 0 : i32
    %dma_wait3A_277 = arith.constant 0 : i32
    %dma_wait3A_278 = tpu.memref_slice %arg6[%dma_wait3A_276, %dma_wait3A_277] : memref<10240x64xf32, #tpu.memory_space<vmem_shared>> -> memref<10240x64xf32, #tpu.memory_space<vmem_shared>>
    tpu.wait_indirect_dma semaphore(%arg13 : memref<!tpu.dma_semaphore, #tpu.memory_space<semaphore_mem>>) src(%dma_wait3A_272 : memref<128x64xf32, #tpu.memory_space<vmem>>) dst(%dma_wait3A_278 : memref<10240x64xf32, #tpu.memory_space<vmem_shared>>)
    %dma_wait3A_279 = arith.constant 0 : i32
    %dma_wait3A_280 = arith.constant 384 : i32
    %dma_wait3A_281 = arith.constant 0 : i32
    %dma_wait3A_282 = tpu.memref_slice %arg9[%dma_wait3A_280, %dma_wait3A_281] : memref<512x64xf32, #tpu.memory_space<vmem>> -> memref<128x64xf32, #tpu.memory_space<vmem>>
    %dma_wait3A_283 = arith.constant 0 : i32
    %dma_wait3A_284 = tpu.memref_slice %arg8[%dma_wait3A_279, %dma_wait3A_283] : memref<80x128xi32, #tpu.memory_space<vmem>> -> memref<1x128xi32, #tpu.memory_space<vmem>>
    %dma_wait3A_285 = tpu.memref_squeeze %dma_wait3A_284 : memref<1x128xi32, #tpu.memory_space<vmem>> -> memref<128xi32, #tpu.memory_space<vmem>>
    %dma_wait3A_286 = arith.constant 0 : i32
    %dma_wait3A_287 = arith.constant 0 : i32
    %dma_wait3A_288 = tpu.memref_slice %arg6[%dma_wait3A_286, %dma_wait3A_287] : memref<10240x64xf32, #tpu.memory_space<vmem_shared>> -> memref<10240x64xf32, #tpu.memory_space<vmem_shared>>
    tpu.wait_indirect_dma semaphore(%arg13 : memref<!tpu.dma_semaphore, #tpu.memory_space<semaphore_mem>>) src(%dma_wait3A_282 : memref<128x64xf32, #tpu.memory_space<vmem>>) dst(%dma_wait3A_288 : memref<10240x64xf32, #tpu.memory_space<vmem_shared>>)
    %dma_wait3A_289 = arith.constant 0 : i32
    %dma_wait3A_290 = arith.constant 0 : i32
    %dma_wait3A_291 = arith.constant 0 : i32
    %dma_wait3A_292 = tpu.memref_slice %arg10[%dma_wait3A_290, %dma_wait3A_291] : memref<512x64xf32, #tpu.memory_space<vmem>> -> memref<128x64xf32, #tpu.memory_space<vmem>>
    %dma_wait3A_293 = arith.constant 0 : i32
    %dma_wait3A_294 = tpu.memref_slice %arg8[%dma_wait3A_289, %dma_wait3A_293] : memref<80x128xi32, #tpu.memory_space<vmem>> -> memref<1x128xi32, #tpu.memory_space<vmem>>
    %dma_wait3A_295 = tpu.memref_squeeze %dma_wait3A_294 : memref<1x128xi32, #tpu.memory_space<vmem>> -> memref<128xi32, #tpu.memory_space<vmem>>
    %dma_wait3A_296 = arith.constant 0 : i32
    %dma_wait3A_297 = arith.constant 0 : i32
    %dma_wait3A_298 = tpu.memref_slice %arg6[%dma_wait3A_296, %dma_wait3A_297] : memref<10240x64xf32, #tpu.memory_space<vmem_shared>> -> memref<10240x64xf32, #tpu.memory_space<vmem_shared>>
    tpu.wait_indirect_dma semaphore(%arg14 : memref<!tpu.dma_semaphore, #tpu.memory_space<semaphore_mem>>) src(%dma_wait3A_292 : memref<128x64xf32, #tpu.memory_space<vmem>>) dst(%dma_wait3A_298 : memref<10240x64xf32, #tpu.memory_space<vmem_shared>>)
    %dma_wait3A_299 = arith.constant 0 : i32
    %dma_wait3A_300 = arith.constant 128 : i32
    %dma_wait3A_301 = arith.constant 0 : i32
    %dma_wait3A_302 = tpu.memref_slice %arg10[%dma_wait3A_300, %dma_wait3A_301] : memref<512x64xf32, #tpu.memory_space<vmem>> -> memref<128x64xf32, #tpu.memory_space<vmem>>
    %dma_wait3A_303 = arith.constant 0 : i32
    %dma_wait3A_304 = tpu.memref_slice %arg8[%dma_wait3A_299, %dma_wait3A_303] : memref<80x128xi32, #tpu.memory_space<vmem>> -> memref<1x128xi32, #tpu.memory_space<vmem>>
    %dma_wait3A_305 = tpu.memref_squeeze %dma_wait3A_304 : memref<1x128xi32, #tpu.memory_space<vmem>> -> memref<128xi32, #tpu.memory_space<vmem>>
    %dma_wait3A_306 = arith.constant 0 : i32
    %dma_wait3A_307 = arith.constant 0 : i32
    %dma_wait3A_308 = tpu.memref_slice %arg6[%dma_wait3A_306, %dma_wait3A_307] : memref<10240x64xf32, #tpu.memory_space<vmem_shared>> -> memref<10240x64xf32, #tpu.memory_space<vmem_shared>>
    tpu.wait_indirect_dma semaphore(%arg14 : memref<!tpu.dma_semaphore, #tpu.memory_space<semaphore_mem>>) src(%dma_wait3A_302 : memref<128x64xf32, #tpu.memory_space<vmem>>) dst(%dma_wait3A_308 : memref<10240x64xf32, #tpu.memory_space<vmem_shared>>)
    %dma_wait3A_309 = arith.constant 0 : i32
    %dma_wait3A_310 = arith.constant 256 : i32
    %dma_wait3A_311 = arith.constant 0 : i32
    %dma_wait3A_312 = tpu.memref_slice %arg10[%dma_wait3A_310, %dma_wait3A_311] : memref<512x64xf32, #tpu.memory_space<vmem>> -> memref<128x64xf32, #tpu.memory_space<vmem>>
    %dma_wait3A_313 = arith.constant 0 : i32
    %dma_wait3A_314 = tpu.memref_slice %arg8[%dma_wait3A_309, %dma_wait3A_313] : memref<80x128xi32, #tpu.memory_space<vmem>> -> memref<1x128xi32, #tpu.memory_space<vmem>>
    %dma_wait3A_315 = tpu.memref_squeeze %dma_wait3A_314 : memref<1x128xi32, #tpu.memory_space<vmem>> -> memref<128xi32, #tpu.memory_space<vmem>>
    %dma_wait3A_316 = arith.constant 0 : i32
    %dma_wait3A_317 = arith.constant 0 : i32
    %dma_wait3A_318 = tpu.memref_slice %arg6[%dma_wait3A_316, %dma_wait3A_317] : memref<10240x64xf32, #tpu.memory_space<vmem_shared>> -> memref<10240x64xf32, #tpu.memory_space<vmem_shared>>
    tpu.wait_indirect_dma semaphore(%arg14 : memref<!tpu.dma_semaphore, #tpu.memory_space<semaphore_mem>>) src(%dma_wait3A_312 : memref<128x64xf32, #tpu.memory_space<vmem>>) dst(%dma_wait3A_318 : memref<10240x64xf32, #tpu.memory_space<vmem_shared>>)
    %dma_wait3A_319 = arith.constant 0 : i32
    %dma_wait3A_320 = arith.constant 384 : i32
    %dma_wait3A_321 = arith.constant 0 : i32
    %dma_wait3A_322 = tpu.memref_slice %arg10[%dma_wait3A_320, %dma_wait3A_321] : memref<512x64xf32, #tpu.memory_space<vmem>> -> memref<128x64xf32, #tpu.memory_space<vmem>>
    %dma_wait3A_323 = arith.constant 0 : i32
    %dma_wait3A_324 = tpu.memref_slice %arg8[%dma_wait3A_319, %dma_wait3A_323] : memref<80x128xi32, #tpu.memory_space<vmem>> -> memref<1x128xi32, #tpu.memory_space<vmem>>
    %dma_wait3A_325 = tpu.memref_squeeze %dma_wait3A_324 : memref<1x128xi32, #tpu.memory_space<vmem>> -> memref<128xi32, #tpu.memory_space<vmem>>
    %dma_wait3A_326 = arith.constant 0 : i32
    %dma_wait3A_327 = arith.constant 0 : i32
    %dma_wait3A_328 = tpu.memref_slice %arg6[%dma_wait3A_326, %dma_wait3A_327] : memref<10240x64xf32, #tpu.memory_space<vmem_shared>> -> memref<10240x64xf32, #tpu.memory_space<vmem_shared>>
    tpu.wait_indirect_dma semaphore(%arg14 : memref<!tpu.dma_semaphore, #tpu.memory_space<semaphore_mem>>) src(%dma_wait3A_322 : memref<128x64xf32, #tpu.memory_space<vmem>>) dst(%dma_wait3A_328 : memref<10240x64xf32, #tpu.memory_space<vmem_shared>>)
    %barrier3A_329 = arith.constant 0 : index
    tpu.barrier barrier_id(%barrier3A_329)
    %mul3A_330 = arith.constant 640 : i32
    %mul3A_331 = arith.muli %arg1, %mul3A_330 : i32
    %mul3A_332 = arith.constant 640 : i32
    %mul3A_333 = arith.muli %arg1, %mul3A_332 : i32
    "tpu.region"() ({
      %run_scoped3A = tpu.sem_alloc : memref<!tpu.dma_semaphore, #tpu.memory_space<semaphore_mem>>
      %dma_start3A_334 = arith.constant 0 : i32
      %dma_start3A_335 = tpu.memref_slice %arg5[%arg0, %mul3A_333, %dma_start3A_334] : memref<2x10240x64xf32, #tpu.memory_space<hbm>> -> memref<1x640x64xf32, #tpu.memory_space<hbm>>
      %dma_start3A_336 = tpu.memref_squeeze %dma_start3A_335 : memref<1x640x64xf32, #tpu.memory_space<hbm>> -> memref<640x64xf32, #tpu.memory_space<hbm>>
      %dma_start3A_337 = arith.constant 0 : i32
      %dma_start3A_338 = tpu.memref_slice %arg6[%mul3A_331, %dma_start3A_337] : memref<10240x64xf32, #tpu.memory_space<vmem_shared>> -> memref<640x64xf32, #tpu.memory_space<vmem_shared>>
      tpu.enqueue_dma source(%dma_start3A_338 : memref<640x64xf32, #tpu.memory_space<vmem_shared>>) target(%dma_start3A_336 : memref<640x64xf32, #tpu.memory_space<hbm>>) target_semaphore(%run_scoped3A : memref<!tpu.dma_semaphore, #tpu.memory_space<semaphore_mem>>)
      %dma_wait3A_339 = arith.constant 0 : i32
      %dma_wait3A_340 = tpu.memref_slice %arg5[%arg0, %mul3A_333, %dma_wait3A_339] : memref<2x10240x64xf32, #tpu.memory_space<hbm>> -> memref<1x640x64xf32, #tpu.memory_space<hbm>>
      %dma_wait3A_341 = tpu.memref_squeeze %dma_wait3A_340 : memref<1x640x64xf32, #tpu.memory_space<hbm>> -> memref<640x64xf32, #tpu.memory_space<hbm>>
      %dma_wait3A_342 = arith.constant 0 : i32
      %dma_wait3A_343 = tpu.memref_slice %arg6[%mul3A_331, %dma_wait3A_342] : memref<10240x64xf32, #tpu.memory_space<vmem_shared>> -> memref<640x64xf32, #tpu.memory_space<vmem_shared>>
      tpu.wait_dma2 semaphore(%run_scoped3A : memref<!tpu.dma_semaphore, #tpu.memory_space<semaphore_mem>>) src(%dma_wait3A_343 : memref<640x64xf32, #tpu.memory_space<vmem_shared>>) dst(%dma_wait3A_341 : memref<640x64xf32, #tpu.memory_space<hbm>>)
      tpu.yield
    }) : () -> ()
    return
  }
}

module attributes {stable_mosaic.version = 14 : i64} {
  func.func @_matmul_body(%arg0: memref<10000x128xf32, #tpu.memory_space<vmem>>, %arg1: memref<64x128xf32, #tpu.memory_space<vmem>>, %arg2: memref<10240x64xf32, #tpu.memory_space<vmem>>) attributes {dimension_semantics = [], scalar_prefetch = 0 : i64, scratch_operands = 0 : i64, tpu.core_type = #tpu.core_type<tc>} {
    %get3A = arith.constant 0 : index
    %get3A_0 = arith.constant 0 : index
    %get3A_1 = vector.load %arg0[%get3A, %get3A_0] : memref<10000x128xf32, #tpu.memory_space<vmem>>, vector<10000x128xf32>
    %get3A_2 = arith.constant 0 : index
    %get3A_3 = arith.constant 0 : index
    %get3A_4 = vector.load %arg1[%get3A_2, %get3A_3] : memref<64x128xf32, #tpu.memory_space<vmem>>, vector<64x128xf32>
    %dot_general3A = arith.constant dense<0.000000e+00> : vector<10000x64xf32>
    %dot_general3A_5 = tpu.matmul %get3A_1, %get3A_4, %dot_general3A {dimension_numbers = #tpu.dot_dimension_numbers<[1], [1], [0], [0], [0, 0, 1, 0], [], []>, precision = #tpu.contract_precision<fp32>, transpose_lhs_hint = false} : vector<10000x128xf32>, vector<64x128xf32>, vector<10000x64xf32> -> vector<10000x64xf32>
    %broadcast_in_dim3A = arith.constant 0.000000e+00 : f32
    %broadcast_in_dim3A_6 = vector.broadcast %broadcast_in_dim3A : f32 to vector<240x64xf32>
    %concatenate3A = tpu.concatenate %dot_general3A_5, %broadcast_in_dim3A_6 in 0 : vector<10000x64xf32>, vector<240x64xf32> -> vector<10240x64xf32>
    %swap3A = arith.constant 0 : index
    %swap3A_7 = arith.constant 0 : index
    %swap3A_8 = vector.load %arg2[%swap3A, %swap3A_7] : memref<10240x64xf32, #tpu.memory_space<vmem>>, vector<10240x64xf32>
    tpu.vector_store %arg2[%swap3A, %swap3A_7], %concatenate3A {strides = array<i32>} : memref<10240x64xf32, #tpu.memory_space<vmem>>, vector<10240x64xf32>,
    return
  }
}

module attributes {stable_mosaic.version = 14 : i64} {
  func.func @_scale_body(%arg0: memref<10240x64xf32, #tpu.memory_space<vmem>>, %arg1: memref<2x10240x16xf32, #tpu.memory_space<vmem>>, %arg2: memref<10240x64xf32, #tpu.memory_space<vmem>>, %arg3: memref<10240x1xf32, #tpu.memory_space<vmem>>, %arg4: memref<10240x1xf32, #tpu.memory_space<vmem>>) attributes {dimension_semantics = [], scalar_prefetch = 0 : i64, scratch_operands = 0 : i64, tpu.core_type = #tpu.core_type<tc>} {
    %get3A = arith.constant 0 : index
    %get3A_0 = arith.constant 0 : index
    %get3A_1 = arith.constant 0 : index
    %get3A_2 = vector.load %arg1[%get3A, %get3A_0, %get3A_1] : memref<2x10240x16xf32, #tpu.memory_space<vmem>>, vector<1x10240x1xf32>
    %get3A_3 = vector.shape_cast %get3A_2 : vector<1x10240x1xf32> to vector<10240x1xf32>
    %get3A_4 = arith.constant 1 : index
    %get3A_5 = arith.constant 0 : index
    %get3A_6 = arith.constant 0 : index
    %get3A_7 = vector.load %arg1[%get3A_4, %get3A_5, %get3A_6] : memref<2x10240x16xf32, #tpu.memory_space<vmem>>, vector<1x10240x1xf32>
    %get3A_8 = vector.shape_cast %get3A_7 : vector<1x10240x1xf32> to vector<10240x1xf32>
    %add3A = arith.addf %get3A_3, %get3A_8 : vector<10240x1xf32>
    %add3A_9 = arith.constant 1.000000e+00 : f32
    %add3A_10 = vector.broadcast %add3A_9 : f32 to vector<10240x1xf32>
    %add3A_11 = arith.addf %add3A, %add3A_10 : vector<10240x1xf32>
    %rsqrt3A = math.rsqrt %add3A_11 : vector<10240x1xf32>
    %get3A_12 = arith.constant 0 : index
    %get3A_13 = arith.constant 0 : index
    %get3A_14 = vector.load %arg0[%get3A_12, %get3A_13] : memref<10240x64xf32, #tpu.memory_space<vmem>>, vector<10240x64xf32>
    %mul3A = vector.broadcast %rsqrt3A : vector<10240x1xf32> to vector<10240x64xf32>
    %mul3A_15 = arith.mulf %get3A_14, %mul3A : vector<10240x64xf32>
    %swap3A = arith.constant 0 : index
    %swap3A_16 = arith.constant 0 : index
    %swap3A_17 = vector.load %arg2[%swap3A, %swap3A_16] : memref<10240x64xf32, #tpu.memory_space<vmem>>, vector<10240x64xf32>
    tpu.vector_store %arg2[%swap3A, %swap3A_16], %mul3A_15 {strides = array<i32>} : memref<10240x64xf32, #tpu.memory_space<vmem>>, vector<10240x64xf32>,
    %swap3A_18 = arith.constant 0 : index
    %swap3A_19 = arith.constant 0 : index
    %swap3A_20 = vector.load %arg3[%swap3A_18, %swap3A_19] : memref<10240x1xf32, #tpu.memory_space<vmem>>, vector<10240x1xf32>
    tpu.vector_store %arg3[%swap3A_18, %swap3A_19], %rsqrt3A {strides = array<i32>} : memref<10240x1xf32, #tpu.memory_space<vmem>>, vector<10240x1xf32>,
    %div3A = arith.constant 1.000000e+00 : f32
    %div3A_21 = vector.broadcast %div3A : f32 to vector<10240x1xf32>
    %div3A_22 = arith.divf %div3A_21, %add3A_11 : vector<10240x1xf32>
    %swap3A_23 = arith.constant 0 : index
    %swap3A_24 = arith.constant 0 : index
    %swap3A_25 = vector.load %arg4[%swap3A_23, %swap3A_24] : memref<10240x1xf32, #tpu.memory_space<vmem>>, vector<10240x1xf32>
    tpu.vector_store %arg4[%swap3A_23, %swap3A_24], %div3A_22 {strides = array<i32>} : memref<10240x1xf32, #tpu.memory_space<vmem>>, vector<10240x1xf32>,
    return
  }
}

module attributes {stable_mosaic.version = 14 : i64} {
  func.func @_combine_body(%arg0: memref<2x10240x64xf32, #tpu.memory_space<vmem>>, %arg1: memref<10240x64xf32, #tpu.memory_space<vmem>>, %arg2: memref<10240x1xf32, #tpu.memory_space<vmem>>, %arg3: memref<10240x64xf32, #tpu.memory_space<vmem>>) attributes {dimension_semantics = [], scalar_prefetch = 0 : i64, scratch_operands = 0 : i64, tpu.core_type = #tpu.core_type<tc>} {
    %get3A = arith.constant 0 : index
    %get3A_0 = arith.constant 0 : index
    %get3A_1 = arith.constant 0 : index
    %get3A_2 = vector.load %arg0[%get3A, %get3A_0, %get3A_1] : memref<2x10240x64xf32, #tpu.memory_space<vmem>>, vector<1x10240x64xf32>
    %get3A_3 = vector.shape_cast %get3A_2 : vector<1x10240x64xf32> to vector<10240x64xf32>
    %get3A_4 = arith.constant 1 : index
    %get3A_5 = arith.constant 0 : index
    %get3A_6 = arith.constant 0 : index
    %get3A_7 = vector.load %arg0[%get3A_4, %get3A_5, %get3A_6] : memref<2x10240x64xf32, #tpu.memory_space<vmem>>, vector<1x10240x64xf32>
    %get3A_8 = vector.shape_cast %get3A_7 : vector<1x10240x64xf32> to vector<10240x64xf32>
    %add3A = arith.addf %get3A_3, %get3A_8 : vector<10240x64xf32>
    %get3A_9 = arith.constant 0 : index
    %get3A_10 = arith.constant 0 : index
    %get3A_11 = vector.load %arg1[%get3A_9, %get3A_10] : memref<10240x64xf32, #tpu.memory_space<vmem>>, vector<10240x64xf32>
    %sub3A = arith.subf %add3A, %get3A_11 : vector<10240x64xf32>
    %get3A_12 = arith.constant 0 : index
    %get3A_13 = arith.constant 0 : index
    %get3A_14 = vector.load %arg2[%get3A_12, %get3A_13] : memref<10240x1xf32, #tpu.memory_space<vmem>>, vector<10240x1xf32>
    %mul3A = vector.broadcast %get3A_14 : vector<10240x1xf32> to vector<10240x64xf32>
    %mul3A_15 = arith.mulf %sub3A, %mul3A : vector<10240x64xf32>
    %swap3A = arith.constant 0 : index
    %swap3A_16 = arith.constant 0 : index
    %swap3A_17 = vector.load %arg3[%swap3A, %swap3A_16] : memref<10240x64xf32, #tpu.memory_space<vmem>>, vector<10240x64xf32>
    tpu.vector_store %arg3[%swap3A, %swap3A_16], %mul3A_15 {strides = array<i32>} : memref<10240x64xf32, #tpu.memory_space<vmem>>, vector<10240x64xf32>,
    return
  }
}

module attributes {stable_mosaic.version = 14 : i64} {
  func.func @_final_body(%arg0: memref<2x10240x64xf32, #tpu.memory_space<vmem>>, %arg1: memref<10240x64xf32, #tpu.memory_space<vmem>>, %arg2: memref<10240x1xf32, #tpu.memory_space<vmem>>, %arg3: memref<1x64xf32, #tpu.memory_space<vmem>>, %arg4: memref<10000x64xf32, #tpu.memory_space<vmem>>) attributes {dimension_semantics = [], scalar_prefetch = 0 : i64, scratch_operands = 0 : i64, tpu.core_type = #tpu.core_type<tc>} {
    %get3A = arith.constant 0 : index
    %get3A_0 = arith.constant 0 : index
    %get3A_1 = arith.constant 0 : index
    %get3A_2 = vector.load %arg0[%get3A, %get3A_0, %get3A_1] : memref<2x10240x64xf32, #tpu.memory_space<vmem>>, vector<1x10240x64xf32>
    %get3A_3 = vector.shape_cast %get3A_2 : vector<1x10240x64xf32> to vector<10240x64xf32>
    %get3A_4 = arith.constant 1 : index
    %get3A_5 = arith.constant 0 : index
    %get3A_6 = arith.constant 0 : index
    %get3A_7 = vector.load %arg0[%get3A_4, %get3A_5, %get3A_6] : memref<2x10240x64xf32, #tpu.memory_space<vmem>>, vector<1x10240x64xf32>
    %get3A_8 = vector.shape_cast %get3A_7 : vector<1x10240x64xf32> to vector<10240x64xf32>
    %add3A = arith.addf %get3A_3, %get3A_8 : vector<10240x64xf32>
    %get3A_9 = arith.constant 0 : index
    %get3A_10 = arith.constant 0 : index
    %get3A_11 = vector.load %arg1[%get3A_9, %get3A_10] : memref<10240x64xf32, #tpu.memory_space<vmem>>, vector<10240x64xf32>
    %sub3A = arith.subf %add3A, %get3A_11 : vector<10240x64xf32>
    %get3A_12 = arith.constant 0 : index
    %get3A_13 = arith.constant 0 : index
    %get3A_14 = vector.load %arg2[%get3A_12, %get3A_13] : memref<10240x1xf32, #tpu.memory_space<vmem>>, vector<10240x1xf32>
    %mul3A = vector.broadcast %get3A_14 : vector<10240x1xf32> to vector<10240x64xf32>
    %mul3A_15 = arith.mulf %sub3A, %mul3A : vector<10240x64xf32>
    %slice3A = vector.extract_strided_slice %mul3A_15 {offsets = [0, 0], sizes = [10000, 64], strides = [1, 1]} : vector<10240x64xf32> to vector<10000x64xf32>
    %get3A_16 = arith.constant 0 : index
    %get3A_17 = arith.constant 0 : index
    %get3A_18 = vector.load %arg3[%get3A_16, %get3A_17] : memref<1x64xf32, #tpu.memory_space<vmem>>, vector<1x64xf32>
    %add3A_19 = vector.broadcast %get3A_18 : vector<1x64xf32> to vector<10000x64xf32>
    %add3A_20 = arith.addf %slice3A, %add3A_19 : vector<10000x64xf32>
    %reduce_max3A = arith.constant dense<0xFF800000> : vector<10000xf32>
    %reduce_max3A_21 = vector.multi_reduction <maximumf>, %add3A_20, %reduce_max3A [1] : vector<10000x64xf32> to vector<10000xf32>
    %broadcast_in_dim3A = vector.shape_cast %reduce_max3A_21 : vector<10000xf32> to vector<10000x1xf32>
    %sub3A_22 = vector.broadcast %broadcast_in_dim3A : vector<10000x1xf32> to vector<10000x64xf32>
    %sub3A_23 = arith.subf %add3A_20, %sub3A_22 : vector<10000x64xf32>
    %exp3A = math.exp %sub3A_23 : vector<10000x64xf32>
    %reduce_sum3A = arith.constant dense<0.000000e+00> : vector<10000xf32>
    %reduce_sum3A_24 = vector.multi_reduction <add>, %exp3A, %reduce_sum3A [1] : vector<10000x64xf32> to vector<10000xf32>
    %broadcast_in_dim3A_25 = vector.shape_cast %reduce_sum3A_24 : vector<10000xf32> to vector<10000x1xf32>
    %sub3A_26 = vector.broadcast %broadcast_in_dim3A : vector<10000x1xf32> to vector<10000x64xf32>
    %sub3A_27 = arith.subf %add3A_20, %sub3A_26 : vector<10000x64xf32>
    %log3A = math.log %broadcast_in_dim3A_25 : vector<10000x1xf32>
    %sub3A_28 = vector.broadcast %log3A : vector<10000x1xf32> to vector<10000x64xf32>
    %sub3A_29 = arith.subf %sub3A_27, %sub3A_28 : vector<10000x64xf32>
    %swap3A = arith.constant 0 : index
    %swap3A_30 = arith.constant 0 : index
    %swap3A_31 = vector.load %arg4[%swap3A, %swap3A_30] : memref<10000x64xf32, #tpu.memory_space<vmem>>, vector<10000x64xf32>
    tpu.vector_store %arg4[%swap3A, %swap3A_30], %sub3A_29 {strides = array<i32>} : memref<10000x64xf32, #tpu.memory_space<vmem>>, vector<10000x64xf32>,
    return
  }
}

</mosaic_0001>

<sc_bundles>
// kernel: kernel.12.cloned.1.call-start
scs
__scs_entry_jumppad:
0x0: {  	(pc) =	sbr.rel $0x88, $3  }
0x1: {  	(tag) =	ssettag $0x0;
	lr =	simm.s32 $0x1  }
0x2: {  	[smem:$0x3F9D] =	sst lr;
	_ =	strace $0xD0000000  }
0x3: {  	_ = 	snop  }
0x4: {  	_ = 	snop  }
0x5: {  	_ = 	snop  }
0x6: {  	_ = 	snop  }
0x7: {  	_ = 	snop  }
__scs_overlays_trampoline_lowered:
0x8: {  	[smem:$0x3FAC] =	sst s0  }
0x9: {  	[smem:$0x3FAD] =	sst s1  }
0xa: {  	[smem:$0x3FAE] =	sst s2  }
0xb: {  	[smem:$0x3FAF] =	sst s3  }
0xc: {  	[smem:$0x3FB0] =	sst s4  }
0xd: {  	[smem:$0x3FB1] =	sst s5  }
0xe: {  	[smem:$0x3FB2] =	sst s6  }
0xf: {  	[smem:$0x3FB3] =	sst s7  }
0x10: {  	[smem:$0x3FB4] =	sst s8  }
0x11: {  	[smem:$0x3FB5] =	sst s9;
	s0 =	simm.s32 @!p0 $0x0  }
0x12: {  	s1 =	sld [smem:$0x3F9B];
	s0 =	simm.s32 @p0 $0x1  }
0x13: {  	[smem:$0x3FB6] =	sst s0;
	s0 =	simm.s32 @!p1 $0x0  }
0x14: {  	s2 =	sld [smem:$0x3F9A];
	s0 =	simm.s32 @p1 $0x1  }
0x15: {  	[smem:$0x3FB7] =	sst s0;
	s0 =	simm.s32 @!p2 $0x0  }
0x16: {  	s3 =	sld [smem:$0x3FDB];
	s0 =	simm.s32 @p2 $0x1  }
0x17: {  	s4 =	simm.s32 $0x1BF5;
	[smem:$0x3FB9] =	sst s0  }
0x18: {  	s0 =	sld [smem:$0x3F9C];
	_ =	swait.ge [sflag:s4], $0x0  }
0x19: {  	s7 =	sld [smem:$0x3F9D]  }
0x1a: {  	s8 =	sadd.s32 $0xFFFFE003, lr  }
0x1b: {  	s9 =	sadd.s32 $0xFFFFFEF7, lr;
	s5 =	simm.s32 $0xFFFFFFFF;
	p2 =	slt.u32 s8, $0xFFFFF086  }
0x1c: {  	p1 =	slt.u32 s9, $0xF7A;
	s5 =	simm.s32 @!p2 $0x0  }
0x1d: {  	s5 =	simm.s32 @p1 $0x1;
	p0 =	seq.s32 s7, s2  }
0x1e: {  	s7 =	smul.u32 @!p0 $0xF7A, s2;
	p2 =	seq.s32 @!p0 s5, $0x0  }
0x1f: {  	s9 =	smul.u32 $0xF7A, s1;
	s8 =	simm.s32 @!p0 $0x1BF5;
	p2 =	por !p2, p0  }
0x20: {  	[sflag:s8] =	ssyncset.s32 @!p0 $0xFFFFF086;
	s6 =	sadd.s32 @!p0 s3, s7;
	s7 =	simm.s32 @!p0 $0x108  }
0x21: {  	s3 =	sadd.s32 s3, s9;
	s6 =	sadd.s32 @!p0 $0x88, s6;
	s7 =	simm.s32 @p2 $0x1082  }
0x22: {  	[simem:s7], [sflag:s8] =	dma.local @!p0 [hbm:s6], $0xF7A  }
0x23: {  	s9 =	sor.u32 $0xD0000000, s2;
	s6 =	simm.s32 $0x108;
	_ =	swait.ge @!p0 [sflag:s8], $0x0  }
0x24: {  	s3 =	sadd.s32 $0x88, s3;
	s6 =	simm.s32 @!p1 $0x1082;
	[sflag:s4] =	ssyncset.s32 $0xFFFFF086  }
0x25: {  	[simem:s6], [sflag:s4] =	dma.local [hbm:s3], $0xF7A  }
0x26: {  	[smem:$0x3F9D] =	sst s1;
	(tag) =	ssettag s2;
	_ =	strace s9  }
0x27: {  	s1 =	sld [smem:$0x3FAD]  }
0x28: {  	s2 =	sld [smem:$0x3FAE]  }
0x29: {  	s4 =	sld [smem:$0x3FB0]  }
0x2a: {  	p0 =	seq.s32 s5, $0x0;
	s5 =	sld [smem:$0x3FB1]  }
0x2b: {  	s6 =	sld [smem:$0x3FB2]  }
0x2c: {  	s7 =	sld [smem:$0x3FB3]  }
0x2d: {  	s3 =	simm.s32 $0x108;
	s8 =	sld [smem:$0x3FB4]  }
0x2e: {  	s3 =	simm.s32 @!p0 $0x1082;
	s9 =	sld [smem:$0x3FB5]  }
0x2f: {  	lr =	sadd.s32 s0, s3;
	s0 =	sld [smem:$0x3FAC]  }
0x30: {  	s3 =	sld [smem:$0x3FAF]  }
0x31: {  	[smem:$0x3FB8] =	sst s10  }
0x32: {  	s10 =	sld [smem:$0x3FB6];
	_ =	sdelay $0x3  }
0x33: {  	p0 =	seq.s32 s10, $0x1;
	s10 =	sld [smem:$0x3FB8];
	_ =	sdelay $0x3  }
0x34: {  	[smem:$0x3FB8] =	sst s10  }
0x35: {  	s10 =	sld [smem:$0x3FB7];
	_ =	sdelay $0x3  }
0x36: {  	p1 =	seq.s32 s10, $0x1;
	s10 =	sld [smem:$0x3FB8];
	_ =	sdelay $0x3  }
0x37: {  	[smem:$0x3FB8] =	sst s10  }
0x38: {  	s10 =	sld [smem:$0x3FB9]  }
0x39: {  	_ = 	snop;
	(pc) =	sbr.ind lr, $3  }
0x3a: {  	_ = 	snop  }
0x3b: {  	_ = 	snop  }
0x3c: {  	p2 =	seq.s32 s10, $0x1;
	s10 =	sld [smem:$0x3FB8]  }
0x3d: {  	_ =	shalt  }
0x3e: {  	_ =	shalt  }
0x3f: {  	_ =	shalt  }
0x40: {  	_ =	shalt  }
0x41: {  	_ =	shalt  }
0x42: {  	_ =	shalt  }
0x43: {  	_ =	shalt  }
0x44: {  	_ =	shalt  }
0x45: {  	_ =	shalt  }
0x46: {  	_ =	shalt  }
0x47: {  	_ =	shalt  }
0x48: {  	_ =	shalt  }
0x49: {  	_ =	shalt  }
0x4a: {  	_ =	shalt  }
0x4b: {  	_ =	shalt  }
0x4c: {  	_ =	shalt  }
0x4d: {  	_ =	shalt  }
0x4e: {  	_ =	shalt  }
0x4f: {  	_ =	shalt  }
0x50: {  	_ =	shalt  }
0x51: {  	_ =	shalt  }
0x52: {  	_ =	shalt  }
0x53: {  	_ =	shalt  }
0x54: {  	_ =	shalt  }
0x55: {  	_ =	shalt  }
0x56: {  	_ =	shalt  }
0x57: {  	_ =	shalt  }
0x58: {  	_ =	shalt  }
0x59: {  	_ =	shalt  }
0x5a: {  	_ =	shalt  }
0x5b: {  	_ =	shalt  }
0x5c: {  	_ =	shalt  }
0x5d: {  	_ =	shalt  }
0x5e: {  	_ =	shalt  }
0x5f: {  	_ =	shalt  }
0x60: {  	_ =	shalt  }
0x61: {  	_ =	shalt  }
0x62: {  	_ =	shalt  }
0x63: {  	_ =	shalt  }
0x64: {  	_ =	shalt  }
0x65: {  	_ =	shalt  }
0x66: {  	_ =	shalt  }
0x67: {  	_ =	shalt  }
0x68: {  	_ =	shalt  }
0x69: {  	_ =	shalt  }
0x6a: {  	_ =	shalt  }
0x6b: {  	_ =	shalt  }
0x6c: {  	_ =	shalt  }
0x6d: {  	_ =	shalt  }
0x6e: {  	_ =	shalt  }
0x6f: {  	_ =	shalt  }
0x70: {  	_ =	shalt  }
0x71: {  	_ =	shalt  }
0x72: {  	_ =	shalt  }
0x73: {  	_ =	shalt  }
0x74: {  	_ =	shalt  }
0x75: {  	_ =	shalt  }
0x76: {  	_ =	shalt  }
0x77: {  	_ =	shalt  }
0x78: {  	_ =	shalt  }
0x79: {  	_ =	shalt  }
0x7a: {  	_ =	shalt  }
0x7b: {  	_ =	shalt  }
0x7c: {  	_ =	shalt  }
0x7d: {  	_ =	shalt  }
0x7e: {  	_ =	shalt  }
0x7f: {  	_ =	shalt  }
0x80: {  	_ =	shalt  }
0x81: {  	_ =	shalt  }
0x82: {  	_ =	shalt  }
0x83: {  	_ =	shalt  }
0x84: {  	_ =	shalt  }
0x85: {  	_ =	shalt  }
0x86: {  	_ =	shalt  }
0x87: {  	_ =	shalt  }
.Lfunc_end0:
.L_simem_size_0:
called_computation.1_lowered:
.L_overlay_start_0:
0x88: {  	s2 =	sld [smem:$0x3FD9]  }
0x89: {  	s3 =	sld [smem:$0x3FFE];
	_ =	sdelay $0x1  }
0x8a: {  	s1 =	srdreg.scid  }
0x8b: {  	s0 =	sand.u32 $0x1, s1  }
0x8c: {  	s17 =	sshll.u32 s0, $0xA;
	s2 =	sadd.s32 s3, s2  }
0x8d: {  	s2 =	sadd.s32 s2, s17  }
0x8e: {  	[smem:$0x3FC4] =	sst s2  }
0x8f: {  	_ = 	snop  }
0x90: {  	s2 =	sld [smem:$0x3FD0];
	(tm) =	ssettm $0x1  }
0x91: {  	s18 =	sld [smem:$0x3FFB];
	_ =	sdelay $0x3  }
0x92: {  	_ =	strace s18  }
0x93: {  	s3 =	sld [smem:$0x3FFC];
	_ =	sdelay $0x3  }
0x94: {  	_ =	strace s3  }
0x95: {  	s3 =	sld [smem:$0x3FFD];
	_ =	sdelay $0x3  }
0x96: {  	_ =	strace s3  }
0x97: {  	_ =	strace $0x8FFFFFFF  }
0x98: {  	s19 =	sld [smem:$0x3FDB];
	_ =	sdelay $0x1  }
0x99: {  	s4 =	simm.s32 $_scs_section_size  }
0x9a: {  	s5 =	simm.s32 $_size__tile_overlayer_lowered;
	s6 =	simm.s32 $_tile_overlayer_lowered  }
0x9b: {  	s22 =	simm.s32 $0x1BFF;
	s21 =	sshll.u32 s6, $0x1;
	s3 =	sadd.s32 s4, s19  }
0x9c: {  	s7 =	simm.s32 $0x0;
	s20 =	sshll.u32 s5, $0x1;
	s5 =	sadd.s32 s21, s3  }
0x9d: {  	[timem:s7], [sflag:s22] =	dma.local [hbm:s5], s20  }
0x9e: {  	_ =	swait.ge [sflag:s22], s20  }
0x9f: {  	s4 =	ssub.s32 $0x0, s20;
	[sflag:s22] =	ssyncset.done $0x0  }
0xa0: {  	[sflag:s22] =	ssyncadd.s32 s4;
	_ =	sdelay $0x1  }
0xa1: {  	s23 =	simm.s32 $0x1B8B  }
0xa2: {  	_ =	swait.ge [sflag:s23], $0x1  }
0xa3: {  	[sflag:s23] =	ssyncset.done $0x0  }
0xa4: {  	s25 =	simm.s32 $0x1B8E;
	s24 =	sld [smem:$0x3FFE];
	[sflag:s23] =	ssyncadd.s32 $0xFFFFFFFF  }
0xa5: {  	s26 =	simm.s32 $execute0_lowered;
	[smem:$0x3FD2] =	sst s25  }
0xa6: {  	s5 =	sshll.u32 s26, $0x1;
	_ =	strace $0x80000049;
	[dreg:$0x1] =	wrdreg $0xFFFFFFFF  }
0xa7: {  	s28 =	simm.s32 $_size_execute0_lowered;
	s3 =	sadd.s32 s3, s5;
	[dreg:$0x0] =	wrdreg $0x0  }
0xa8: {  	s5 =	sshll.u32 s28, $0x1;
	[dreg:$0x2] =	wrdreg s3  }
0xa9: {  	[dreg:$0x3] =	wrdreg s5  }
0xaa: {  	[dreg:$0x4] =	wrdreg $0xC0  }
0xab: {  	_ =	task [dreg:s7], $0x5FFFF  }
0xac: {  	[dreg:$0x1] =	wrdreg $0xFFFFFFFF  }
0xad: {  	[dreg:$0x0] =	wrdreg $0x60  }
0xae: {  	[dreg:$0x2] =	wrdreg s24  }
0xaf: {  	[dreg:$0x3] =	wrdreg s2  }
0xb0: {  	[dreg:$0x4] =	wrdreg $0x0  }
0xb1: {  	[dreg:$0x5] =	wrdreg $0x9  }
0xb2: {  	_ =	task.clear_ibuf [dreg:s7], $0x6FFFF;
	_ =	strace $0x90000049  }
0xb3: {  	s29 =	simm.s32 $0x9;
	_ =	strace $0x8000004B  }
0xb4: {  	_ =	swait.ge [sflag:s29], $0x1  }
0xb5: {  	[sflag:s29] =	ssyncadd.s32 $0xFFFFFFFF  }
0xb6: {  	_ =	strace $0x9000004B  }
0xb7: {  	_ =	sfence  }
0xb8: {  	s30 =	sld [smem:$0x0];
	_ =	sdelay $0x2  }
0xb9: {  	s31 =	sshll.u32 s1, $0xD;
	s1 =	sshrl.u32 s1, $0x2  }
0xba: {  	s3 =	sand.u32 $0x4000, s31;
	s1 =	sadd.s32 s1, s30  }
0xbb: {  	s0 =	sor.u32 s3, s0;
	s1 =	sshll.u32 s1, $0x11  }
0xbc: {  	s0 =	sor.u32 s1, s0  }
0xbd: {  	s0 =	sadd.s32 $0x8F2B, s0  }
0xbe: {  	[sflag:s0] =	ssyncadd.remote.s32 $0x1  }
0xbf: {  	_ =	sfence.sel $0xFFFF  }
0xc0: {  	[dreg:$0x0] =	wrdreg $0xFFFFFFFF;
	(pc) =	sbr.abs _section_cstart, $3  }
0xc1: {  	[dreg:$0x1] =	wrdreg $0xFFFFFFFF  }
0xc2: {  	_ =	task.clear_ibuf [dreg:s7], $0x2FFFF;
	_ =	strace $0x9FFFFFFF  }
0xc3: {  	(tm) =	ssettm $0x7FFFFFFF  }
tec
execute0_lowered:
.L_overlay_start_1:
0x0: {  	(tag) =	ssettag $0x1  }
0x1: {  	s0 =	rddreg [dreg:$0x0]  }
0x2: {  	s1 =	rddreg [dreg:$0x1]  }
0x3: {  	s2 =	rddreg [dreg:$0x2]  }
0x4: {  	s3 =	srdreg.scid;
	s11 =	stileid.u32  }
0x5: {  	s12 =	simm.s32 $0x5;
	s13 =	simm.s32 $0xA000;
	s14 =	simm.s32 $0xC800  }
0x6: {  	s15 =	simm.s32 $0x80;
	s16 =	simm.s32 $0xF000;
	s18 =	simm.s32 $0x11000  }
0x7: {  	s20 =	simm.s32 $0x13000;
	s22 =	simm.s32 $0x15000;
	s23 =	simm.s32 $0x1  }
0x8: {  	s29 =	simm.s32 $0x17000;
	s31 =	simm.s32 $0x19000;
	s19 =	simm.s32 $0x1D000  }
0x9: {  	s21 =	simm.s32 $0x2;
	s24 =	simm.s32 $0x3;
	s17 =	simm.s32 $0x0  }
0xa: {  	s5 =	sand.u32 $0x1, s3;
	s6 =	smul.u32 $0xA000, s11;
	s3 =	simm.s32 $0x0  }
0xb: {  	s28 =	sshll.u32 s11, $0x6;
	s4 =	sshll.u32 s5, $0x4;
	s7 =	smul.u32 $0xA0000, s5  }
0xc: {  	[smem:$0x7FF] =	sst s3;
	s5 =	ssub.s32 $0x2, s5;
	s4 =	sor.u32 s11, s4  }
0xd: {  	_ =	strace $0x8000004A;
	s25 =	sshrl.u32 s5, $0x1;
	s26 =	sshrl.u32 s6, $0x3  }
0xe: {  	s30 =	sadd.s32 s6, s2;
	s8 =	smul.u32 $0x500, s4;
	s7 =	sadd.s32 s6, s7  }
0xf: {  	s4 =	sadd.s32 $0x33800, s0;
	s10 =	ssub.s32 s5, s25;
	s6 =	sor.u32 $0x1C05, s28  }
0x10: {  	s11 =	sshrl.u32 s30, $0x3;
	s25 =	simm.s32 $0x4;
	s7 =	sshrl.u32 s7, $0x3  }
0x11: {  	s5 =	sadd.s32 s4, s26;
	s10 =	smax.u32 s10, $0x1;
	s9 =	sadd.s32 s8, s0  }
0x12: {  	s0 =	sadd.s32 s7, s0;
	s7 =	sadd.s32 s1, s8;
	s1 =	simm.s32 $0x1B000  }
0x13: {  	s8 =	sadd.s32 $0x1800, s9;
	s9 =	sadd.s32 $0x47800, s0;
	s0 =	simm.s32 $0xEF80  }
.LBB2_1:
0x14: {  	[spmem:s11], [sflag:s6] =	dma.local [hbm:s5], $0x1400  }
0x15: {  	_ =	swait.ge [sflag:s12], $0x1400  }
0x16: {  	[sflag:s12] =	ssyncset.done $0x0  }
0x17: {  	[sflag:s12] =	ssyncadd.s32 $0xFFFFEC00  }
0x18: {  	[tilespmem:s13], [sflag:$0x5] =	stream.linear.gather [hbm4b:s7+s3], $0x2800, $0x38;
	[tilespmem:$0x1F000] =	vst v63  }
0x19: {  	_ =	swait.ge [sflag:s12], $0x2800  }
0x1a: {  	[sflag:s12] =	ssyncset.done $0x0  }
0x1b: {  	[sflag:s12] =	ssyncadd.s32 $0xFFFFD800  }
0x1c: {  	[tilespmem:s14], [sflag:$0x5] =	stream.linear.gather [hbm4b:s8+s3], $0x2800, $0x38;
	[tilespmem:$0x1F000] =	vst v63  }
0x1d: {  	_ =	swait.ge [sflag:s12], $0x2800  }
0x1e: {  	[sflag:s12] =	ssyncset.done $0x0  }
0x1f: {  	[sflag:s12] =	ssyncadd.s32 $0xFFFFD800  }
0x20: {  	[bflag:$0x0] =	sbarrier.arrive $0xFFFF  }
0x21: {  	[tilespmem:s16], [sflag:$0x1] =	stream.indirect.gather [hbm4b:s4+s15], $0x40, s13, s15, $0xb8;
	[tilespmem:$0x1F000] =	vst v63  }
0x22: {  	s26 =	simm.s32 $0xA080  }
0x23: {  	[tilespmem:s18], [sflag:$0x1] =	stream.indirect.gather [hbm4b:s4+s15], $0x40, s26, s15, $0xb8;
	[tilespmem:$0x1F000] =	vst v63  }
0x24: {  	s30 =	simm.s32 $0xA100  }
0x25: {  	[tilespmem:s20], [sflag:$0x1] =	stream.indirect.gather [hbm4b:s4+s15], $0x40, s30, s15, $0xb8;
	[tilespmem:$0x1F000] =	vst v63  }
0x26: {  	s30 =	simm.s32 $0xA180  }
0x27: {  	[tilespmem:s22], [sflag:$0x1] =	stream.indirect.gather [hbm4b:s4+s15], $0x40, s30, s15, $0xb8;
	[tilespmem:$0x1F000] =	vst v63  }
0x28: {  	_ =	swait.ge [sflag:s23], $0x2000  }
0x29: {  	[sflag:s23] =	ssyncset.done $0x0  }
0x2a: {  	[sflag:s23] =	ssyncadd.s32 $0xFFFFE000  }
0x2b: {  	_ =	swait.ge [sflag:s23], $0x2000  }
0x2c: {  	[sflag:s23] =	ssyncset.done $0x0  }
0x2d: {  	[sflag:s23] =	ssyncadd.s32 $0xFFFFE000  }
0x2e: {  	_ =	swait.ge [sflag:s23], $0x2000  }
0x2f: {  	[sflag:s23] =	ssyncset.done $0x0  }
0x30: {  	[sflag:s23] =	ssyncadd.s32 $0xFFFFE000  }
0x31: {  	_ =	swait.ge [sflag:s23], $0x2000  }
0x32: {  	[sflag:s23] =	ssyncset.done $0x0  }
0x33: {  	[sflag:s23] =	ssyncadd.s32 $0xFFFFE000  }
0x34: {  	[spmem:s2] =	stream.indirect.scatter.add.f32 [tilespmem:s16], [sflag:$0x3], $0x40, s14, s15, $0xb8;
	[tilespmem:$0x1F000] =	vst v63  }
0x35: {  	s30 =	simm.s32 $0xC880  }
0x36: {  	[spmem:s2] =	stream.indirect.scatter.add.f32 [tilespmem:s18], [sflag:$0x3], $0x40, s30, s15, $0xb8;
	[tilespmem:$0x1F000] =	vst v63  }
0x37: {  	s30 =	simm.s32 $0xC900  }
0x38: {  	[spmem:s2] =	stream.indirect.scatter.add.f32 [tilespmem:s20], [sflag:$0x3], $0x40, s30, s15, $0xb8;
	[tilespmem:$0x1F000] =	vst v63  }
0x39: {  	s30 =	simm.s32 $0xC980  }
0x3a: {  	[spmem:s2] =	stream.indirect.scatter.add.f32 [tilespmem:s22], [sflag:$0x3], $0x40, s30, s15, $0xb8;
	[tilespmem:$0x1F000] =	vst v63  }
0x3b: {  	s30 =	simm.s32 $0xA200  }
0x3c: {  	[tilespmem:s29], [sflag:$0x2] =	stream.indirect.gather [hbm4b:s4+s15], $0x40, s30, s15, $0xb8;
	[tilespmem:$0x1F000] =	vst v63  }
0x3d: {  	s30 =	simm.s32 $0xA280  }
0x3e: {  	[tilespmem:s31], [sflag:$0x2] =	stream.indirect.gather [hbm4b:s4+s15], $0x40, s30, s15, $0xb8;
	[tilespmem:$0x1F000] =	vst v63  }
0x3f: {  	s30 =	simm.s32 $0xA300  }
0x40: {  	[tilespmem:s1], [sflag:$0x2] =	stream.indirect.gather [hbm4b:s4+s15], $0x40, s30, s15, $0xb8;
	[tilespmem:$0x1F000] =	vst v63  }
0x41: {  	s30 =	simm.s32 $0xA380  }
0x42: {  	[tilespmem:s19], [sflag:$0x2] =	stream.indirect.gather [hbm4b:s4+s15], $0x40, s30, s15, $0xb8;
	[tilespmem:$0x1F000] =	vst v63  }
0x43: {  	_ =	swait.ge [sflag:s21], $0x2000  }
0x44: {  	[sflag:s21] =	ssyncset.done $0x0  }
0x45: {  	[sflag:s21] =	ssyncadd.s32 $0xFFFFE000  }
0x46: {  	_ =	swait.ge [sflag:s21], $0x2000  }
0x47: {  	[sflag:s21] =	ssyncset.done $0x0  }
0x48: {  	[sflag:s21] =	ssyncadd.s32 $0xFFFFE000  }
0x49: {  	_ =	swait.ge [sflag:s21], $0x2000  }
0x4a: {  	[sflag:s21] =	ssyncset.done $0x0  }
0x4b: {  	[sflag:s21] =	ssyncadd.s32 $0xFFFFE000  }
0x4c: {  	_ =	swait.ge [sflag:s21], $0x2000  }
0x4d: {  	[sflag:s21] =	ssyncset.done $0x0  }
0x4e: {  	s30 =	simm.s32 $0xCA00;
	[sflag:s21] =	ssyncadd.s32 $0xFFFFE000  }
0x4f: {  	[spmem:s2] =	stream.indirect.scatter.add.f32 [tilespmem:s29], [sflag:$0x4], $0x40, s30, s15, $0xb8;
	[tilespmem:$0x1F000] =	vst v63  }
0x50: {  	s30 =	simm.s32 $0xCA80  }
0x51: {  	[spmem:s2] =	stream.indirect.scatter.add.f32 [tilespmem:s31], [sflag:$0x4], $0x40, s30, s15, $0xb8;
	[tilespmem:$0x1F000] =	vst v63  }
0x52: {  	s30 =	simm.s32 $0xCB00  }
0x53: {  	[spmem:s2] =	stream.indirect.scatter.add.f32 [tilespmem:s1], [sflag:$0x4], $0x40, s30, s15, $0xb8;
	[tilespmem:$0x1F000] =	vst v63  }
0x54: {  	s30 =	simm.s32 $0xCB80  }
0x55: {  	[spmem:s2] =	stream.indirect.scatter.add.f32 [tilespmem:s19], [sflag:$0x4], $0x40, s30, s15, $0xb8;
	[tilespmem:$0x1F000] =	vst v63  }
0x56: {  	_ =	swait.ge [sflag:s24], $0x2000  }
0x57: {  	[sflag:s24] =	ssyncset.done $0x0  }
0x58: {  	[sflag:s24] =	ssyncadd.s32 $0xFFFFE000  }
0x59: {  	_ =	swait.ge [sflag:s24], $0x2000  }
0x5a: {  	[sflag:s24] =	ssyncset.done $0x0  }
0x5b: {  	[sflag:s24] =	ssyncadd.s32 $0xFFFFE000  }
0x5c: {  	_ =	swait.ge [sflag:s24], $0x2000  }
0x5d: {  	[sflag:s24] =	ssyncset.done $0x0  }
0x5e: {  	[sflag:s24] =	ssyncadd.s32 $0xFFFFE000  }
0x5f: {  	_ =	swait.ge [sflag:s24], $0x2000  }
0x60: {  	[sflag:s24] =	ssyncset.done $0x0  }
0x61: {  	s30 =	simm.s32 $0xA400;
	[sflag:s24] =	ssyncadd.s32 $0xFFFFE000  }
0x62: {  	[tilespmem:s16], [sflag:$0x1] =	stream.indirect.gather [hbm4b:s4+s15], $0x40, s30, s15, $0xb8;
	[tilespmem:$0x1F000] =	vst v63  }
0x63: {  	s30 =	simm.s32 $0xA480  }
0x64: {  	[tilespmem:s18], [sflag:$0x1] =	stream.indirect.gather [hbm4b:s4+s15], $0x40, s30, s15, $0xb8;
	[tilespmem:$0x1F000] =	vst v63  }
0x65: {  	s30 =	simm.s32 $0xA500  }
0x66: {  	[tilespmem:s20], [sflag:$0x1] =	stream.indirect.gather [hbm4b:s4+s15], $0x40, s30, s15, $0xb8;
	[tilespmem:$0x1F000] =	vst v63  }
0x67: {  	s30 =	simm.s32 $0xA580  }
0x68: {  	[tilespmem:s22], [sflag:$0x1] =	stream.indirect.gather [hbm4b:s4+s15], $0x40, s30, s15, $0xb8;
	[tilespmem:$0x1F000] =	vst v63  }
0x69: {  	_ =	swait.ge [sflag:s23], $0x2000  }
0x6a: {  	[sflag:s23] =	ssyncset.done $0x0  }
0x6b: {  	[sflag:s23] =	ssyncadd.s32 $0xFFFFE000  }
0x6c: {  	_ =	swait.ge [sflag:s23], $0x2000  }
0x6d: {  	[sflag:s23] =	ssyncset.done $0x0  }
0x6e: {  	[sflag:s23] =	ssyncadd.s32 $0xFFFFE000  }
0x6f: {  	_ =	swait.ge [sflag:s23], $0x2000  }
0x70: {  	[sflag:s23] =	ssyncset.done $0x0  }
0x71: {  	[sflag:s23] =	ssyncadd.s32 $0xFFFFE000  }
0x72: {  	_ =	swait.ge [sflag:s23], $0x2000  }
0x73: {  	[sflag:s23] =	ssyncset.done $0x0  }
0x74: {  	s30 =	simm.s32 $0xCC00;
	[sflag:s23] =	ssyncadd.s32 $0xFFFFE000  }
0x75: {  	[spmem:s2] =	stream.indirect.scatter.add.f32 [tilespmem:s16], [sflag:$0x3], $0x40, s30, s15, $0xb8;
	[tilespmem:$0x1F000] =	vst v63  }
0x76: {  	s30 =	simm.s32 $0xCC80  }
0x77: {  	[spmem:s2] =	stream.indirect.scatter.add.f32 [tilespmem:s18], [sflag:$0x3], $0x40, s30, s15, $0xb8;
	[tilespmem:$0x1F000] =	vst v63  }
0x78: {  	s30 =	simm.s32 $0xCD00  }
0x79: {  	[spmem:s2] =	stream.indirect.scatter.add.f32 [tilespmem:s20], [sflag:$0x3], $0x40, s30, s15, $0xb8;
	[tilespmem:$0x1F000] =	vst v63  }
0x7a: {  	s30 =	simm.s32 $0xCD80  }
0x7b: {  	[spmem:s2] =	stream.indirect.scatter.add.f32 [tilespmem:s22], [sflag:$0x3], $0x40, s30, s15, $0xb8;
	[tilespmem:$0x1F000] =	vst v63  }
0x7c: {  	_ =	swait.ge [sflag:s25], $0x2000  }
0x7d: {  	[sflag:s25] =	ssyncset.done $0x0  }
0x7e: {  	[sflag:s25] =	ssyncadd.s32 $0xFFFFE000  }
0x7f: {  	_ =	swait.ge [sflag:s25], $0x2000  }
0x80: {  	[sflag:s25] =	ssyncset.done $0x0  }
0x81: {  	[sflag:s25] =	ssyncadd.s32 $0xFFFFE000  }
0x82: {  	_ =	swait.ge [sflag:s25], $0x2000  }
0x83: {  	[sflag:s25] =	ssyncset.done $0x0  }
0x84: {  	[sflag:s25] =	ssyncadd.s32 $0xFFFFE000  }
0x85: {  	_ =	swait.ge [sflag:s25], $0x2000  }
0x86: {  	[sflag:s25] =	ssyncset.done $0x0  }
0x87: {  	s30 =	simm.s32 $0xA600;
	[sflag:s25] =	ssyncadd.s32 $0xFFFFE000  }
0x88: {  	[tilespmem:s29], [sflag:$0x2] =	stream.indirect.gather [hbm4b:s4+s15], $0x40, s30, s15, $0xb8;
	[tilespmem:$0x1F000] =	vst v63  }
0x89: {  	s30 =	simm.s32 $0xA680  }
0x8a: {  	[tilespmem:s31], [sflag:$0x2] =	stream.indirect.gather [hbm4b:s4+s15], $0x40, s30, s15, $0xb8;
	[tilespmem:$0x1F000] =	vst v63  }
0x8b: {  	s28 =	simm.s32 $0xA780;
	s26 =	simm.s32 $0x1000;
	s30 =	simm.s32 $0xA700  }
0x8c: {  	[tilespmem:s1], [sflag:$0x2] =	stream.indirect.gather [hbm4b:s4+s15], $0x40, s30, s15, $0xb8;
	[tilespmem:$0x1F000] =	vst v63  }
.LBB2_2:
0x8d: {  	[tilespmem:s19], [sflag:$0x2] =	stream.indirect.gather [hbm4b:s4+s15], $0x40, s28, s15, $0xb8;
	[tilespmem:$0x1F000] =	vst v63  }
0x8e: {  	s28 =	smov.u32 s26  }
0x8f: {  	p0 =	sne.s32 s26, $0x8000;
	s26 =	sadd.s32 $0x1000, s26;
	_ =	swait.ge [sflag:s21], $0x2000  }
0x90: {  	[sflag:s21] =	ssyncset.done $0x0  }
0x91: {  	[sflag:s21] =	ssyncadd.s32 $0xFFFFE000  }
0x92: {  	_ =	swait.ge [sflag:s21], $0x2000  }
0x93: {  	[sflag:s21] =	ssyncset.done $0x0  }
0x94: {  	[sflag:s21] =	ssyncadd.s32 $0xFFFFE000  }
0x95: {  	_ =	swait.ge [sflag:s21], $0x2000  }
0x96: {  	[sflag:s21] =	ssyncset.done $0x0  }
0x97: {  	[sflag:s21] =	ssyncadd.s32 $0xFFFFE000  }
0x98: {  	_ =	swait.ge [sflag:s21], $0x2000  }
0x99: {  	s28 =	sshra.s32 s28, $0x2;
	[sflag:s21] =	ssyncset.done $0x0  }
0x9a: {  	s30 =	sadd.s32 $0xCA00, s28;
	[sflag:s21] =	ssyncadd.s32 $0xFFFFE000  }
0x9b: {  	[spmem:s2] =	stream.indirect.scatter.add.f32 [tilespmem:s29], [sflag:$0x4], $0x40, s30, s15, $0xb8;
	[tilespmem:$0x1F000] =	vst v63  }
0x9c: {  	s30 =	sadd.s32 $0xCA80, s28  }
0x9d: {  	[spmem:s2] =	stream.indirect.scatter.add.f32 [tilespmem:s31], [sflag:$0x4], $0x40, s30, s15, $0xb8;
	[tilespmem:$0x1F000] =	vst v63  }
0x9e: {  	s30 =	sadd.s32 $0xCB00, s28  }
0x9f: {  	[spmem:s2] =	stream.indirect.scatter.add.f32 [tilespmem:s1], [sflag:$0x4], $0x40, s30, s15, $0xb8;
	[tilespmem:$0x1F000] =	vst v63  }
0xa0: {  	s30 =	sadd.s32 $0xCB80, s28  }
0xa1: {  	[spmem:s2] =	stream.indirect.scatter.add.f32 [tilespmem:s19], [sflag:$0x4], $0x40, s30, s15, $0xb8;
	[tilespmem:$0x1F000] =	vst v63  }
0xa2: {  	_ =	swait.ge [sflag:s24], $0x2000  }
0xa3: {  	[sflag:s24] =	ssyncset.done $0x0  }
0xa4: {  	[sflag:s24] =	ssyncadd.s32 $0xFFFFE000  }
0xa5: {  	_ =	swait.ge [sflag:s24], $0x2000  }
0xa6: {  	[sflag:s24] =	ssyncset.done $0x0  }
0xa7: {  	[sflag:s24] =	ssyncadd.s32 $0xFFFFE000  }
0xa8: {  	_ =	swait.ge [sflag:s24], $0x2000  }
0xa9: {  	[sflag:s24] =	ssyncset.done $0x0  }
0xaa: {  	[sflag:s24] =	ssyncadd.s32 $0xFFFFE000  }
0xab: {  	_ =	swait.ge [sflag:s24], $0x2000  }
0xac: {  	[sflag:s24] =	ssyncset.done $0x0  }
0xad: {  	s30 =	sadd.s32 $0xA400, s28;
	[sflag:s24] =	ssyncadd.s32 $0xFFFFE000  }
0xae: {  	[tilespmem:s16], [sflag:$0x1] =	stream.indirect.gather [hbm4b:s4+s15], $0x40, s30, s15, $0xb8;
	[tilespmem:$0x1F000] =	vst v63  }
0xaf: {  	s30 =	sadd.s32 $0xA480, s28  }
0xb0: {  	[tilespmem:s18], [sflag:$0x1] =	stream.indirect.gather [hbm4b:s4+s15], $0x40, s30, s15, $0xb8;
	[tilespmem:$0x1F000] =	vst v63  }
0xb1: {  	s30 =	sadd.s32 $0xA500, s28  }
0xb2: {  	[tilespmem:s20], [sflag:$0x1] =	stream.indirect.gather [hbm4b:s4+s15], $0x40, s30, s15, $0xb8;
	[tilespmem:$0x1F000] =	vst v63  }
0xb3: {  	s30 =	sadd.s32 $0xA580, s28  }
0xb4: {  	[tilespmem:s22], [sflag:$0x1] =	stream.indirect.gather [hbm4b:s4+s15], $0x40, s30, s15, $0xb8;
	[tilespmem:$0x1F000] =	vst v63  }
0xb5: {  	_ =	swait.ge [sflag:s23], $0x2000  }
0xb6: {  	[sflag:s23] =	ssyncset.done $0x0  }
0xb7: {  	[sflag:s23] =	ssyncadd.s32 $0xFFFFE000  }
0xb8: {  	_ =	swait.ge [sflag:s23], $0x2000  }
0xb9: {  	[sflag:s23] =	ssyncset.done $0x0  }
0xba: {  	[sflag:s23] =	ssyncadd.s32 $0xFFFFE000  }
0xbb: {  	_ =	swait.ge [sflag:s23], $0x2000  }
0xbc: {  	[sflag:s23] =	ssyncset.done $0x0  }
0xbd: {  	[sflag:s23] =	ssyncadd.s32 $0xFFFFE000  }
0xbe: {  	_ =	swait.ge [sflag:s23], $0x2000  }
0xbf: {  	[sflag:s23] =	ssyncset.done $0x0  }
0xc0: {  	s30 =	sadd.s32 $0xCC00, s28;
	[sflag:s23] =	ssyncadd.s32 $0xFFFFE000  }
0xc1: {  	[spmem:s2] =	stream.indirect.scatter.add.f32 [tilespmem:s16], [sflag:$0x3], $0x40, s30, s15, $0xb8;
	[tilespmem:$0x1F000] =	vst v63  }
0xc2: {  	s30 =	sadd.s32 $0xCC80, s28  }
0xc3: {  	[spmem:s2] =	stream.indirect.scatter.add.f32 [tilespmem:s18], [sflag:$0x3], $0x40, s30, s15, $0xb8;
	[tilespmem:$0x1F000] =	vst v63  }
0xc4: {  	s30 =	sadd.s32 $0xCD00, s28  }
0xc5: {  	[spmem:s2] =	stream.indirect.scatter.add.f32 [tilespmem:s20], [sflag:$0x3], $0x40, s30, s15, $0xb8;
	[tilespmem:$0x1F000] =	vst v63  }
0xc6: {  	s30 =	sadd.s32 $0xCD80, s28  }
0xc7: {  	[spmem:s2] =	stream.indirect.scatter.add.f32 [tilespmem:s22], [sflag:$0x3], $0x40, s30, s15, $0xb8;
	[tilespmem:$0x1F000] =	vst v63  }
0xc8: {  	_ =	swait.ge [sflag:s25], $0x2000  }
0xc9: {  	[sflag:s25] =	ssyncset.done $0x0  }
0xca: {  	[sflag:s25] =	ssyncadd.s32 $0xFFFFE000  }
0xcb: {  	_ =	swait.ge [sflag:s25], $0x2000  }
0xcc: {  	[sflag:s25] =	ssyncset.done $0x0  }
0xcd: {  	[sflag:s25] =	ssyncadd.s32 $0xFFFFE000  }
0xce: {  	_ =	swait.ge [sflag:s25], $0x2000  }
0xcf: {  	[sflag:s25] =	ssyncset.done $0x0  }
0xd0: {  	[sflag:s25] =	ssyncadd.s32 $0xFFFFE000  }
0xd1: {  	_ =	swait.ge [sflag:s25], $0x2000  }
0xd2: {  	[sflag:s25] =	ssyncset.done $0x0  }
0xd3: {  	s30 =	sadd.s32 $0xA600, s28;
	[sflag:s25] =	ssyncadd.s32 $0xFFFFE000  }
0xd4: {  	[tilespmem:s29], [sflag:$0x2] =	stream.indirect.gather [hbm4b:s4+s15], $0x40, s30, s15, $0xb8;
	[tilespmem:$0x1F000] =	vst v63  }
.Ltmp0:
0xd5: {  	s30 =	sadd.s32 $0xA680, s28;
	(pc) =	sbr.rel @p0 .LBB2_2-.Ltmp0, $4  }
0xd6: {  	[tilespmem:s31], [sflag:$0x2] =	stream.indirect.gather [hbm4b:s4+s15], $0x40, s30, s15, $0xb8;
	[tilespmem:$0x1F000] =	vst v63  }
0xd7: {  	s30 =	sadd.s32 $0xA700, s28  }
0xd8: {  	[tilespmem:s1], [sflag:$0x2] =	stream.indirect.gather [hbm4b:s4+s15], $0x40, s30, s15, $0xb8;
	[tilespmem:$0x1F000] =	vst v63  }
0xd9: {  	s28 =	sadd.s32 $0xA780, s28  }
0xda: {  	[tilespmem:s19], [sflag:$0x2] =	stream.indirect.gather [hbm4b:s4+s15], $0x40, s28, s15, $0xb8;
	[tilespmem:$0x1F000] =	vst v63  }
0xdb: {  	_ =	swait.ge [sflag:s21], $0x2000  }
0xdc: {  	[sflag:s21] =	ssyncset.done $0x0  }
0xdd: {  	[sflag:s21] =	ssyncadd.s32 $0xFFFFE000  }
0xde: {  	_ =	swait.ge [sflag:s21], $0x2000  }
0xdf: {  	[sflag:s21] =	ssyncset.done $0x0  }
0xe0: {  	[sflag:s21] =	ssyncadd.s32 $0xFFFFE000  }
0xe1: {  	_ =	swait.ge [sflag:s21], $0x2000  }
0xe2: {  	[sflag:s21] =	ssyncset.done $0x0  }
0xe3: {  	[sflag:s21] =	ssyncadd.s32 $0xFFFFE000  }
0xe4: {  	_ =	swait.ge [sflag:s21], $0x2000  }
0xe5: {  	[sflag:s21] =	ssyncset.done $0x0  }
0xe6: {  	s26 =	simm.s32 $0xEE00;
	[sflag:s21] =	ssyncadd.s32 $0xFFFFE000  }
0xe7: {  	[spmem:s2] =	stream.indirect.scatter.add.f32 [tilespmem:s29], [sflag:$0x4], $0x40, s26, s15, $0xb8;
	[tilespmem:$0x1F000] =	vst v63  }
0xe8: {  	s28 =	simm.s32 $0xEE80  }
0xe9: {  	[spmem:s2] =	stream.indirect.scatter.add.f32 [tilespmem:s31], [sflag:$0x4], $0x40, s28, s15, $0xb8;
	[tilespmem:$0x1F000] =	vst v63  }
0xea: {  	s30 =	simm.s32 $0xEF00  }
0xeb: {  	[spmem:s2] =	stream.indirect.scatter.add.f32 [tilespmem:s1], [sflag:$0x4], $0x40, s30, s15, $0xb8;
	[tilespmem:$0x1F000] =	vst v63  }
0xec: {  	_ = 	snop  }
0xed: {  	[spmem:s2] =	stream.indirect.scatter.add.f32 [tilespmem:s19], [sflag:$0x4], $0x40, s0, s15, $0xb8;
	[tilespmem:$0x1F000] =	vst v63  }
0xee: {  	_ =	swait.ge [sflag:s24], $0x2000  }
0xef: {  	[sflag:s24] =	ssyncset.done $0x0  }
0xf0: {  	[sflag:s24] =	ssyncadd.s32 $0xFFFFE000  }
0xf1: {  	_ =	swait.ge [sflag:s24], $0x2000  }
0xf2: {  	[sflag:s24] =	ssyncset.done $0x0  }
0xf3: {  	[sflag:s24] =	ssyncadd.s32 $0xFFFFE000  }
0xf4: {  	_ =	swait.ge [sflag:s24], $0x2000  }
0xf5: {  	[sflag:s24] =	ssyncset.done $0x0  }
0xf6: {  	[sflag:s24] =	ssyncadd.s32 $0xFFFFE000  }
0xf7: {  	_ =	swait.ge [sflag:s24], $0x2000  }
0xf8: {  	[sflag:s24] =	ssyncset.done $0x0  }
0xf9: {  	[sflag:s24] =	ssyncadd.s32 $0xFFFFE000  }
0xfa: {  	_ =	swait.ge [sflag:s25], $0x2000  }
0xfb: {  	[sflag:s25] =	ssyncset.done $0x0  }
0xfc: {  	[sflag:s25] =	ssyncadd.s32 $0xFFFFE000  }
0xfd: {  	_ =	swait.ge [sflag:s25], $0x2000  }
0xfe: {  	[sflag:s25] =	ssyncset.done $0x0  }
0xff: {  	[sflag:s25] =	ssyncadd.s32 $0xFFFFE000  }
0x100: {  	_ =	swait.ge [sflag:s25], $0x2000  }
0x101: {  	[sflag:s25] =	ssyncset.done $0x0  }
0x102: {  	[sflag:s25] =	ssyncadd.s32 $0xFFFFE000  }
0x103: {  	_ =	swait.ge [sflag:s25], $0x2000  }
0x104: {  	s17 =	sadd.s32 $0x1, s17;
	[sflag:s25] =	ssyncset.done $0x0  }
0x105: {  	p0 =	sne.s32 s17, s10;
	[sflag:s25] =	ssyncadd.s32 $0xFFFFE000  }
.Ltmp1:
0x106: {  	[bflag:$0x0] =	sbarrier.arrive $0xFFFF;
	(pc) =	sbr.rel @p0 .LBB2_1-.Ltmp1, $4  }
0x107: {  	[hbm:s9], [sflag:s6] =	dma.local [spmem:s11], $0x1400  }
0x108: {  	_ =	swait.ge [sflag:s12], $0x1400  }
0x109: {  	[sflag:s12] =	ssyncset.done $0x0  }
0x10a: {  	[sflag:s12] =	ssyncadd.s32 $0xFFFFEC00  }
0x10b: {  	_ =	sfence.sel $0x180000  }
0x10c: {  	[bflag:$0x0] =	sbarrier.arrive $0xFFFF  }
0x10d: {  	_ =	strace $0x9000004A  }
0x10e: {  	s0 =	stileid.u32;
	[bflag:$0x2] =	sbarrier.arrive $0xFFFF  }
0x10f: {  	p0 =	sne.s32 s0, $0x0;
	s0 =	rddreg [dreg:$0x3]  }
0x110: {  	s0 =	sadd.s32 @!p0 $0x100000, s0  }
0x111: {  	[sflag:s0] =	ssyncadd.tile.s32 @!p0 $0x1;
	_ =	shalt  }
.Lfunc_end2:
_tile_overlayer_lowered:
.L_overlay_start_2:
0x112: {  	(tag) =	ssettag $0x2  }
0x113: {  	s0 =	rddreg [dreg:$0x0];
	s2 =	stileid.u32  }
0x114: {  	s1 =	rddreg [dreg:$0x1];
	p0 =	sne.s32 s2, $0x0  }
0x115: {  	s3 =	rddreg [dreg:$0x2];
	[bflag:$0x3] =	sbarrier.arrive $0xFFFF;
	s2 =	simm.s32 @!p0 $0x1C05  }
0x116: {  	[timem:s3], [sflag:s2] =	dma.local @!p0 [hbm:s0], s1  }
0x117: {  	s0 =	simm.s32 @!p0 $0x5  }
0x118: {  	_ =	swait.ge @!p0 [sflag:s0], s1  }
0x119: {  	s1 =	ssub.s32 @!p0 $0x0, s1;
	[sflag:s0] =	ssyncset.done @!p0 $0x0  }
0x11a: {  	[sflag:s0] =	ssyncadd.s32 @!p0 s1  }
0x11b: {  	[bflag:$0x3] =	sbarrier.arrive $0xFFFF  }
0x11c: {  	_ =	shalt  }

// kernel: kernel.15.cloned.1.call-start
scs
__scs_entry_jumppad:
0x0: {  	(pc) =	sbr.rel $0x88, $3  }
0x1: {  	(tag) =	ssettag $0x0;
	lr =	simm.s32 $0x1  }
0x2: {  	[smem:$0x3F9D] =	sst lr;
	_ =	strace $0xD0000000  }
0x3: {  	_ = 	snop  }
0x4: {  	_ = 	snop  }
0x5: {  	_ = 	snop  }
0x6: {  	_ = 	snop  }
0x7: {  	_ = 	snop  }
__scs_overlays_trampoline_lowered:
0x8: {  	[smem:$0x3FAC] =	sst s0  }
0x9: {  	[smem:$0x3FAD] =	sst s1  }
0xa: {  	[smem:$0x3FAE] =	sst s2  }
0xb: {  	[smem:$0x3FAF] =	sst s3  }
0xc: {  	[smem:$0x3FB0] =	sst s4  }
0xd: {  	[smem:$0x3FB1] =	sst s5  }
0xe: {  	[smem:$0x3FB2] =	sst s6  }
0xf: {  	[smem:$0x3FB3] =	sst s7  }
0x10: {  	[smem:$0x3FB4] =	sst s8  }
0x11: {  	[smem:$0x3FB5] =	sst s9;
	s0 =	simm.s32 @!p0 $0x0  }
0x12: {  	s1 =	sld [smem:$0x3F9B];
	s0 =	simm.s32 @p0 $0x1  }
0x13: {  	[smem:$0x3FB6] =	sst s0;
	s0 =	simm.s32 @!p1 $0x0  }
0x14: {  	s2 =	sld [smem:$0x3F9A];
	s0 =	simm.s32 @p1 $0x1  }
0x15: {  	[smem:$0x3FB7] =	sst s0;
	s0 =	simm.s32 @!p2 $0x0  }
0x16: {  	s3 =	sld [smem:$0x3FDB];
	s0 =	simm.s32 @p2 $0x1  }
0x17: {  	s4 =	simm.s32 $0x1BF5;
	[smem:$0x3FB9] =	sst s0  }
0x18: {  	s0 =	sld [smem:$0x3F9C];
	_ =	swait.ge [sflag:s4], $0x0  }
0x19: {  	s7 =	sld [smem:$0x3F9D]  }
0x1a: {  	s8 =	sadd.s32 $0xFFFFE003, lr  }
0x1b: {  	s9 =	sadd.s32 $0xFFFFFEF7, lr;
	s5 =	simm.s32 $0xFFFFFFFF;
	p2 =	slt.u32 s8, $0xFFFFF086  }
0x1c: {  	p1 =	slt.u32 s9, $0xF7A;
	s5 =	simm.s32 @!p2 $0x0  }
0x1d: {  	s5 =	simm.s32 @p1 $0x1;
	p0 =	seq.s32 s7, s2  }
0x1e: {  	s7 =	smul.u32 @!p0 $0xF7A, s2;
	p2 =	seq.s32 @!p0 s5, $0x0  }
0x1f: {  	s9 =	smul.u32 $0xF7A, s1;
	s8 =	simm.s32 @!p0 $0x1BF5;
	p2 =	por !p2, p0  }
0x20: {  	[sflag:s8] =	ssyncset.s32 @!p0 $0xFFFFF086;
	s6 =	sadd.s32 @!p0 s3, s7;
	s7 =	simm.s32 @!p0 $0x108  }
0x21: {  	s3 =	sadd.s32 s3, s9;
	s6 =	sadd.s32 @!p0 $0x88, s6;
	s7 =	simm.s32 @p2 $0x1082  }
0x22: {  	[simem:s7], [sflag:s8] =	dma.local @!p0 [hbm:s6], $0xF7A  }
0x23: {  	s9 =	sor.u32 $0xD0000000, s2;
	s6 =	simm.s32 $0x108;
	_ =	swait.ge @!p0 [sflag:s8], $0x0  }
0x24: {  	s3 =	sadd.s32 $0x88, s3;
	s6 =	simm.s32 @!p1 $0x1082;
	[sflag:s4] =	ssyncset.s32 $0xFFFFF086  }
0x25: {  	[simem:s6], [sflag:s4] =	dma.local [hbm:s3], $0xF7A  }
0x26: {  	[smem:$0x3F9D] =	sst s1;
	(tag) =	ssettag s2;
	_ =	strace s9  }
0x27: {  	s1 =	sld [smem:$0x3FAD]  }
0x28: {  	s2 =	sld [smem:$0x3FAE]  }
0x29: {  	s4 =	sld [smem:$0x3FB0]  }
0x2a: {  	p0 =	seq.s32 s5, $0x0;
	s5 =	sld [smem:$0x3FB1]  }
0x2b: {  	s6 =	sld [smem:$0x3FB2]  }
0x2c: {  	s7 =	sld [smem:$0x3FB3]  }
0x2d: {  	s3 =	simm.s32 $0x108;
	s8 =	sld [smem:$0x3FB4]  }
0x2e: {  	s3 =	simm.s32 @!p0 $0x1082;
	s9 =	sld [smem:$0x3FB5]  }
0x2f: {  	lr =	sadd.s32 s0, s3;
	s0 =	sld [smem:$0x3FAC]  }
0x30: {  	s3 =	sld [smem:$0x3FAF]  }
0x31: {  	[smem:$0x3FB8] =	sst s10  }
0x32: {  	s10 =	sld [smem:$0x3FB6];
	_ =	sdelay $0x3  }
0x33: {  	p0 =	seq.s32 s10, $0x1;
	s10 =	sld [smem:$0x3FB8];
	_ =	sdelay $0x3  }
0x34: {  	[smem:$0x3FB8] =	sst s10  }
0x35: {  	s10 =	sld [smem:$0x3FB7];
	_ =	sdelay $0x3  }
0x36: {  	p1 =	seq.s32 s10, $0x1;
	s10 =	sld [smem:$0x3FB8];
	_ =	sdelay $0x3  }
0x37: {  	[smem:$0x3FB8] =	sst s10  }
0x38: {  	s10 =	sld [smem:$0x3FB9]  }
0x39: {  	_ = 	snop;
	(pc) =	sbr.ind lr, $3  }
0x3a: {  	_ = 	snop  }
0x3b: {  	_ = 	snop  }
0x3c: {  	p2 =	seq.s32 s10, $0x1;
	s10 =	sld [smem:$0x3FB8]  }
0x3d: {  	_ =	shalt  }
0x3e: {  	_ =	shalt  }
0x3f: {  	_ =	shalt  }
0x40: {  	_ =	shalt  }
0x41: {  	_ =	shalt  }
0x42: {  	_ =	shalt  }
0x43: {  	_ =	shalt  }
0x44: {  	_ =	shalt  }
0x45: {  	_ =	shalt  }
0x46: {  	_ =	shalt  }
0x47: {  	_ =	shalt  }
0x48: {  	_ =	shalt  }
0x49: {  	_ =	shalt  }
0x4a: {  	_ =	shalt  }
0x4b: {  	_ =	shalt  }
0x4c: {  	_ =	shalt  }
0x4d: {  	_ =	shalt  }
0x4e: {  	_ =	shalt  }
0x4f: {  	_ =	shalt  }
0x50: {  	_ =	shalt  }
0x51: {  	_ =	shalt  }
0x52: {  	_ =	shalt  }
0x53: {  	_ =	shalt  }
0x54: {  	_ =	shalt  }
0x55: {  	_ =	shalt  }
0x56: {  	_ =	shalt  }
0x57: {  	_ =	shalt  }
0x58: {  	_ =	shalt  }
0x59: {  	_ =	shalt  }
0x5a: {  	_ =	shalt  }
0x5b: {  	_ =	shalt  }
0x5c: {  	_ =	shalt  }
0x5d: {  	_ =	shalt  }
0x5e: {  	_ =	shalt  }
0x5f: {  	_ =	shalt  }
0x60: {  	_ =	shalt  }
0x61: {  	_ =	shalt  }
0x62: {  	_ =	shalt  }
0x63: {  	_ =	shalt  }
0x64: {  	_ =	shalt  }
0x65: {  	_ =	shalt  }
0x66: {  	_ =	shalt  }
0x67: {  	_ =	shalt  }
0x68: {  	_ =	shalt  }
0x69: {  	_ =	shalt  }
0x6a: {  	_ =	shalt  }
0x6b: {  	_ =	shalt  }
0x6c: {  	_ =	shalt  }
0x6d: {  	_ =	shalt  }
0x6e: {  	_ =	shalt  }
0x6f: {  	_ =	shalt  }
0x70: {  	_ =	shalt  }
0x71: {  	_ =	shalt  }
0x72: {  	_ =	shalt  }
0x73: {  	_ =	shalt  }
0x74: {  	_ =	shalt  }
0x75: {  	_ =	shalt  }
0x76: {  	_ =	shalt  }
0x77: {  	_ =	shalt  }
0x78: {  	_ =	shalt  }
0x79: {  	_ =	shalt  }
0x7a: {  	_ =	shalt  }
0x7b: {  	_ =	shalt  }
0x7c: {  	_ =	shalt  }
0x7d: {  	_ =	shalt  }
0x7e: {  	_ =	shalt  }
0x7f: {  	_ =	shalt  }
0x80: {  	_ =	shalt  }
0x81: {  	_ =	shalt  }
0x82: {  	_ =	shalt  }
0x83: {  	_ =	shalt  }
0x84: {  	_ =	shalt  }
0x85: {  	_ =	shalt  }
0x86: {  	_ =	shalt  }
0x87: {  	_ =	shalt  }
.Lfunc_end0:
.L_simem_size_0:
called_computation.2_lowered:
.L_overlay_start_0:
0x88: {  	s2 =	sld [smem:$0x3FD9]  }
0x89: {  	s3 =	sld [smem:$0x3FFE];
	_ =	sdelay $0x1  }
0x8a: {  	s1 =	srdreg.scid  }
0x8b: {  	s0 =	sand.u32 $0x1, s1  }
0x8c: {  	s17 =	sshll.u32 s0, $0xA;
	s2 =	sadd.s32 s3, s2  }
0x8d: {  	s2 =	sadd.s32 s2, s17  }
0x8e: {  	[smem:$0x3FC4] =	sst s2  }
0x8f: {  	_ = 	snop  }
0x90: {  	s2 =	sld [smem:$0x3FD0];
	(tm) =	ssettm $0x1  }
0x91: {  	s18 =	sld [smem:$0x3FFB];
	_ =	sdelay $0x3  }
0x92: {  	_ =	strace s18  }
0x93: {  	s3 =	sld [smem:$0x3FFC];
	_ =	sdelay $0x3  }
0x94: {  	_ =	strace s3  }
0x95: {  	s3 =	sld [smem:$0x3FFD];
	_ =	sdelay $0x3  }
0x96: {  	_ =	strace s3  }
0x97: {  	_ =	strace $0x8FFFFFFF  }
0x98: {  	s19 =	sld [smem:$0x3FDB];
	_ =	sdelay $0x1  }
0x99: {  	s4 =	simm.s32 $_scs_section_size  }
0x9a: {  	s5 =	simm.s32 $_size__tile_overlayer_lowered;
	s6 =	simm.s32 $_tile_overlayer_lowered  }
0x9b: {  	s22 =	simm.s32 $0x1BFF;
	s21 =	sshll.u32 s6, $0x1;
	s3 =	sadd.s32 s4, s19  }
0x9c: {  	s7 =	simm.s32 $0x0;
	s20 =	sshll.u32 s5, $0x1;
	s5 =	sadd.s32 s21, s3  }
0x9d: {  	[timem:s7], [sflag:s22] =	dma.local [hbm:s5], s20  }
0x9e: {  	_ =	swait.ge [sflag:s22], s20  }
0x9f: {  	s4 =	ssub.s32 $0x0, s20;
	[sflag:s22] =	ssyncset.done $0x0  }
0xa0: {  	[sflag:s22] =	ssyncadd.s32 s4;
	_ =	sdelay $0x1  }
0xa1: {  	s23 =	simm.s32 $0x1B8B  }
0xa2: {  	_ =	swait.ge [sflag:s23], $0x1  }
0xa3: {  	[sflag:s23] =	ssyncset.done $0x0  }
0xa4: {  	s25 =	simm.s32 $0x1B8E;
	s24 =	sld [smem:$0x3FFE];
	[sflag:s23] =	ssyncadd.s32 $0xFFFFFFFF  }
0xa5: {  	s26 =	simm.s32 $execute0_lowered;
	[smem:$0x3FD2] =	sst s25  }
0xa6: {  	s5 =	sshll.u32 s26, $0x1;
	_ =	strace $0x8000004C;
	[dreg:$0x1] =	wrdreg $0xFFFFFFFF  }
0xa7: {  	s28 =	simm.s32 $_size_execute0_lowered;
	s3 =	sadd.s32 s3, s5;
	[dreg:$0x0] =	wrdreg $0x0  }
0xa8: {  	s5 =	sshll.u32 s28, $0x1;
	[dreg:$0x2] =	wrdreg s3  }
0xa9: {  	[dreg:$0x3] =	wrdreg s5  }
0xaa: {  	[dreg:$0x4] =	wrdreg $0xC0  }
0xab: {  	_ =	task [dreg:s7], $0x5FFFF  }
0xac: {  	[dreg:$0x1] =	wrdreg $0xFFFFFFFF  }
0xad: {  	[dreg:$0x0] =	wrdreg $0x60  }
0xae: {  	[dreg:$0x2] =	wrdreg s24  }
0xaf: {  	[dreg:$0x3] =	wrdreg s2  }
0xb0: {  	[dreg:$0x4] =	wrdreg $0x0  }
0xb1: {  	[dreg:$0x5] =	wrdreg $0x9  }
0xb2: {  	_ =	task.clear_ibuf [dreg:s7], $0x6FFFF;
	_ =	strace $0x9000004C  }
0xb3: {  	s29 =	simm.s32 $0x9;
	_ =	strace $0x8000004E  }
0xb4: {  	_ =	swait.ge [sflag:s29], $0x1  }
0xb5: {  	[sflag:s29] =	ssyncadd.s32 $0xFFFFFFFF  }
0xb6: {  	_ =	strace $0x9000004E  }
0xb7: {  	_ =	sfence  }
0xb8: {  	s30 =	sld [smem:$0x0];
	_ =	sdelay $0x2  }
0xb9: {  	s31 =	sshll.u32 s1, $0xD;
	s1 =	sshrl.u32 s1, $0x2  }
0xba: {  	s3 =	sand.u32 $0x4000, s31;
	s1 =	sadd.s32 s1, s30  }
0xbb: {  	s0 =	sor.u32 s3, s0;
	s1 =	sshll.u32 s1, $0x11  }
0xbc: {  	s0 =	sor.u32 s1, s0  }
0xbd: {  	s0 =	sadd.s32 $0x8F2B, s0  }
0xbe: {  	[sflag:s0] =	ssyncadd.remote.s32 $0x1  }
0xbf: {  	_ =	sfence.sel $0xFFFF  }
0xc0: {  	[dreg:$0x0] =	wrdreg $0xFFFFFFFF;
	(pc) =	sbr.abs _section_cstart, $3  }
0xc1: {  	[dreg:$0x1] =	wrdreg $0xFFFFFFFF  }
0xc2: {  	_ =	task.clear_ibuf [dreg:s7], $0x2FFFF;
	_ =	strace $0x9FFFFFFF  }
0xc3: {  	(tm) =	ssettm $0x7FFFFFFF  }
tec
execute0_lowered:
.L_overlay_start_1:
0x0: {  	(tag) =	ssettag $0x1  }
0x1: {  	s0 =	rddreg [dreg:$0x0]  }
0x2: {  	s1 =	rddreg [dreg:$0x1]  }
0x3: {  	s2 =	rddreg [dreg:$0x2]  }
0x4: {  	s3 =	srdreg.scid;
	s11 =	stileid.u32  }
0x5: {  	s12 =	simm.s32 $0x5;
	s13 =	simm.s32 $0xA000;
	s14 =	simm.s32 $0xC800  }
0x6: {  	s15 =	simm.s32 $0x80;
	s16 =	simm.s32 $0xF000;
	s18 =	simm.s32 $0x11000  }
0x7: {  	s20 =	simm.s32 $0x13000;
	s22 =	simm.s32 $0x15000;
	s23 =	simm.s32 $0x1  }
0x8: {  	s29 =	simm.s32 $0x17000;
	s31 =	simm.s32 $0x19000;
	s19 =	simm.s32 $0x1D000  }
0x9: {  	s21 =	simm.s32 $0x2;
	s24 =	simm.s32 $0x3;
	s17 =	simm.s32 $0x0  }
0xa: {  	s5 =	sand.u32 $0x1, s3;
	s6 =	smul.u32 $0xA000, s11;
	s3 =	simm.s32 $0x0  }
0xb: {  	s28 =	sshll.u32 s11, $0x6;
	s4 =	sshll.u32 s5, $0x4;
	s7 =	smul.u32 $0xA0000, s5  }
0xc: {  	[smem:$0x7FF] =	sst s3;
	s5 =	ssub.s32 $0x2, s5;
	s4 =	sor.u32 s11, s4  }
0xd: {  	_ =	strace $0x8000004D;
	s25 =	sshrl.u32 s5, $0x1;
	s26 =	sshrl.u32 s6, $0x3  }
0xe: {  	s30 =	sadd.s32 s6, s2;
	s8 =	smul.u32 $0x500, s4;
	s7 =	sadd.s32 s6, s7  }
0xf: {  	s4 =	sadd.s32 $0xB800, s0;
	s10 =	ssub.s32 s5, s25;
	s6 =	sor.u32 $0x1C05, s28  }
0x10: {  	s11 =	sshrl.u32 s30, $0x3;
	s25 =	simm.s32 $0x4;
	s7 =	sshrl.u32 s7, $0x3  }
0x11: {  	s5 =	sadd.s32 s4, s26;
	s10 =	smax.u32 s10, $0x1;
	s9 =	sadd.s32 s8, s0  }
0x12: {  	s0 =	sadd.s32 s7, s0;
	s7 =	sadd.s32 s1, s8;
	s1 =	simm.s32 $0x1B000  }
0x13: {  	s8 =	sadd.s32 $0x1800, s9;
	s9 =	sadd.s32 $0x1F800, s0;
	s0 =	simm.s32 $0xEF80  }
.LBB2_1:
0x14: {  	[spmem:s11], [sflag:s6] =	dma.local [hbm:s5], $0x1400  }
0x15: {  	_ =	swait.ge [sflag:s12], $0x1400  }
0x16: {  	[sflag:s12] =	ssyncset.done $0x0  }
0x17: {  	[sflag:s12] =	ssyncadd.s32 $0xFFFFEC00  }
0x18: {  	[tilespmem:s13], [sflag:$0x5] =	stream.linear.gather [hbm4b:s7+s3], $0x2800, $0x38;
	[tilespmem:$0x1F000] =	vst v63  }
0x19: {  	_ =	swait.ge [sflag:s12], $0x2800  }
0x1a: {  	[sflag:s12] =	ssyncset.done $0x0  }
0x1b: {  	[sflag:s12] =	ssyncadd.s32 $0xFFFFD800  }
0x1c: {  	[tilespmem:s14], [sflag:$0x5] =	stream.linear.gather [hbm4b:s8+s3], $0x2800, $0x38;
	[tilespmem:$0x1F000] =	vst v63  }
0x1d: {  	_ =	swait.ge [sflag:s12], $0x2800  }
0x1e: {  	[sflag:s12] =	ssyncset.done $0x0  }
0x1f: {  	[sflag:s12] =	ssyncadd.s32 $0xFFFFD800  }
0x20: {  	[bflag:$0x0] =	sbarrier.arrive $0xFFFF  }
0x21: {  	[tilespmem:s16], [sflag:$0x1] =	stream.indirect.gather [hbm4b:s4+s15], $0x40, s13, s15, $0xb8;
	[tilespmem:$0x1F000] =	vst v63  }
0x22: {  	s26 =	simm.s32 $0xA080  }
0x23: {  	[tilespmem:s18], [sflag:$0x1] =	stream.indirect.gather [hbm4b:s4+s15], $0x40, s26, s15, $0xb8;
	[tilespmem:$0x1F000] =	vst v63  }
0x24: {  	s30 =	simm.s32 $0xA100  }
0x25: {  	[tilespmem:s20], [sflag:$0x1] =	stream.indirect.gather [hbm4b:s4+s15], $0x40, s30, s15, $0xb8;
	[tilespmem:$0x1F000] =	vst v63  }
0x26: {  	s30 =	simm.s32 $0xA180  }
0x27: {  	[tilespmem:s22], [sflag:$0x1] =	stream.indirect.gather [hbm4b:s4+s15], $0x40, s30, s15, $0xb8;
	[tilespmem:$0x1F000] =	vst v63  }
0x28: {  	_ =	swait.ge [sflag:s23], $0x2000  }
0x29: {  	[sflag:s23] =	ssyncset.done $0x0  }
0x2a: {  	[sflag:s23] =	ssyncadd.s32 $0xFFFFE000  }
0x2b: {  	_ =	swait.ge [sflag:s23], $0x2000  }
0x2c: {  	[sflag:s23] =	ssyncset.done $0x0  }
0x2d: {  	[sflag:s23] =	ssyncadd.s32 $0xFFFFE000  }
0x2e: {  	_ =	swait.ge [sflag:s23], $0x2000  }
0x2f: {  	[sflag:s23] =	ssyncset.done $0x0  }
0x30: {  	[sflag:s23] =	ssyncadd.s32 $0xFFFFE000  }
0x31: {  	_ =	swait.ge [sflag:s23], $0x2000  }
0x32: {  	[sflag:s23] =	ssyncset.done $0x0  }
0x33: {  	[sflag:s23] =	ssyncadd.s32 $0xFFFFE000  }
0x34: {  	[spmem:s2] =	stream.indirect.scatter.add.f32 [tilespmem:s16], [sflag:$0x3], $0x40, s14, s15, $0xb8;
	[tilespmem:$0x1F000] =	vst v63  }
0x35: {  	s30 =	simm.s32 $0xC880  }
0x36: {  	[spmem:s2] =	stream.indirect.scatter.add.f32 [tilespmem:s18], [sflag:$0x3], $0x40, s30, s15, $0xb8;
	[tilespmem:$0x1F000] =	vst v63  }
0x37: {  	s30 =	simm.s32 $0xC900  }
0x38: {  	[spmem:s2] =	stream.indirect.scatter.add.f32 [tilespmem:s20], [sflag:$0x3], $0x40, s30, s15, $0xb8;
	[tilespmem:$0x1F000] =	vst v63  }
0x39: {  	s30 =	simm.s32 $0xC980  }
0x3a: {  	[spmem:s2] =	stream.indirect.scatter.add.f32 [tilespmem:s22], [sflag:$0x3], $0x40, s30, s15, $0xb8;
	[tilespmem:$0x1F000] =	vst v63  }
0x3b: {  	s30 =	simm.s32 $0xA200  }
0x3c: {  	[tilespmem:s29], [sflag:$0x2] =	stream.indirect.gather [hbm4b:s4+s15], $0x40, s30, s15, $0xb8;
	[tilespmem:$0x1F000] =	vst v63  }
0x3d: {  	s30 =	simm.s32 $0xA280  }
0x3e: {  	[tilespmem:s31], [sflag:$0x2] =	stream.indirect.gather [hbm4b:s4+s15], $0x40, s30, s15, $0xb8;
	[tilespmem:$0x1F000] =	vst v63  }
0x3f: {  	s30 =	simm.s32 $0xA300  }
0x40: {  	[tilespmem:s1], [sflag:$0x2] =	stream.indirect.gather [hbm4b:s4+s15], $0x40, s30, s15, $0xb8;
	[tilespmem:$0x1F000] =	vst v63  }
0x41: {  	s30 =	simm.s32 $0xA380  }
0x42: {  	[tilespmem:s19], [sflag:$0x2] =	stream.indirect.gather [hbm4b:s4+s15], $0x40, s30, s15, $0xb8;
	[tilespmem:$0x1F000] =	vst v63  }
0x43: {  	_ =	swait.ge [sflag:s21], $0x2000  }
0x44: {  	[sflag:s21] =	ssyncset.done $0x0  }
0x45: {  	[sflag:s21] =	ssyncadd.s32 $0xFFFFE000  }
0x46: {  	_ =	swait.ge [sflag:s21], $0x2000  }
0x47: {  	[sflag:s21] =	ssyncset.done $0x0  }
0x48: {  	[sflag:s21] =	ssyncadd.s32 $0xFFFFE000  }
0x49: {  	_ =	swait.ge [sflag:s21], $0x2000  }
0x4a: {  	[sflag:s21] =	ssyncset.done $0x0  }
0x4b: {  	[sflag:s21] =	ssyncadd.s32 $0xFFFFE000  }
0x4c: {  	_ =	swait.ge [sflag:s21], $0x2000  }
0x4d: {  	[sflag:s21] =	ssyncset.done $0x0  }
0x4e: {  	s30 =	simm.s32 $0xCA00;
	[sflag:s21] =	ssyncadd.s32 $0xFFFFE000  }
0x4f: {  	[spmem:s2] =	stream.indirect.scatter.add.f32 [tilespmem:s29], [sflag:$0x4], $0x40, s30, s15, $0xb8;
	[tilespmem:$0x1F000] =	vst v63  }
0x50: {  	s30 =	simm.s32 $0xCA80  }
0x51: {  	[spmem:s2] =	stream.indirect.scatter.add.f32 [tilespmem:s31], [sflag:$0x4], $0x40, s30, s15, $0xb8;
	[tilespmem:$0x1F000] =	vst v63  }
0x52: {  	s30 =	simm.s32 $0xCB00  }
0x53: {  	[spmem:s2] =	stream.indirect.scatter.add.f32 [tilespmem:s1], [sflag:$0x4], $0x40, s30, s15, $0xb8;
	[tilespmem:$0x1F000] =	vst v63  }
0x54: {  	s30 =	simm.s32 $0xCB80  }
0x55: {  	[spmem:s2] =	stream.indirect.scatter.add.f32 [tilespmem:s19], [sflag:$0x4], $0x40, s30, s15, $0xb8;
	[tilespmem:$0x1F000] =	vst v63  }
0x56: {  	_ =	swait.ge [sflag:s24], $0x2000  }
0x57: {  	[sflag:s24] =	ssyncset.done $0x0  }
0x58: {  	[sflag:s24] =	ssyncadd.s32 $0xFFFFE000  }
0x59: {  	_ =	swait.ge [sflag:s24], $0x2000  }
0x5a: {  	[sflag:s24] =	ssyncset.done $0x0  }
0x5b: {  	[sflag:s24] =	ssyncadd.s32 $0xFFFFE000  }
0x5c: {  	_ =	swait.ge [sflag:s24], $0x2000  }
0x5d: {  	[sflag:s24] =	ssyncset.done $0x0  }
0x5e: {  	[sflag:s24] =	ssyncadd.s32 $0xFFFFE000  }
0x5f: {  	_ =	swait.ge [sflag:s24], $0x2000  }
0x60: {  	[sflag:s24] =	ssyncset.done $0x0  }
0x61: {  	s30 =	simm.s32 $0xA400;
	[sflag:s24] =	ssyncadd.s32 $0xFFFFE000  }
0x62: {  	[tilespmem:s16], [sflag:$0x1] =	stream.indirect.gather [hbm4b:s4+s15], $0x40, s30, s15, $0xb8;
	[tilespmem:$0x1F000] =	vst v63  }
0x63: {  	s30 =	simm.s32 $0xA480  }
0x64: {  	[tilespmem:s18], [sflag:$0x1] =	stream.indirect.gather [hbm4b:s4+s15], $0x40, s30, s15, $0xb8;
	[tilespmem:$0x1F000] =	vst v63  }
0x65: {  	s30 =	simm.s32 $0xA500  }
0x66: {  	[tilespmem:s20], [sflag:$0x1] =	stream.indirect.gather [hbm4b:s4+s15], $0x40, s30, s15, $0xb8;
	[tilespmem:$0x1F000] =	vst v63  }
0x67: {  	s30 =	simm.s32 $0xA580  }
0x68: {  	[tilespmem:s22], [sflag:$0x1] =	stream.indirect.gather [hbm4b:s4+s15], $0x40, s30, s15, $0xb8;
	[tilespmem:$0x1F000] =	vst v63  }
0x69: {  	_ =	swait.ge [sflag:s23], $0x2000  }
0x6a: {  	[sflag:s23] =	ssyncset.done $0x0  }
0x6b: {  	[sflag:s23] =	ssyncadd.s32 $0xFFFFE000  }
0x6c: {  	_ =	swait.ge [sflag:s23], $0x2000  }
0x6d: {  	[sflag:s23] =	ssyncset.done $0x0  }
0x6e: {  	[sflag:s23] =	ssyncadd.s32 $0xFFFFE000  }
0x6f: {  	_ =	swait.ge [sflag:s23], $0x2000  }
0x70: {  	[sflag:s23] =	ssyncset.done $0x0  }
0x71: {  	[sflag:s23] =	ssyncadd.s32 $0xFFFFE000  }
0x72: {  	_ =	swait.ge [sflag:s23], $0x2000  }
0x73: {  	[sflag:s23] =	ssyncset.done $0x0  }
0x74: {  	s30 =	simm.s32 $0xCC00;
	[sflag:s23] =	ssyncadd.s32 $0xFFFFE000  }
0x75: {  	[spmem:s2] =	stream.indirect.scatter.add.f32 [tilespmem:s16], [sflag:$0x3], $0x40, s30, s15, $0xb8;
	[tilespmem:$0x1F000] =	vst v63  }
0x76: {  	s30 =	simm.s32 $0xCC80  }
0x77: {  	[spmem:s2] =	stream.indirect.scatter.add.f32 [tilespmem:s18], [sflag:$0x3], $0x40, s30, s15, $0xb8;
	[tilespmem:$0x1F000] =	vst v63  }
0x78: {  	s30 =	simm.s32 $0xCD00  }
0x79: {  	[spmem:s2] =	stream.indirect.scatter.add.f32 [tilespmem:s20], [sflag:$0x3], $0x40, s30, s15, $0xb8;
	[tilespmem:$0x1F000] =	vst v63  }
0x7a: {  	s30 =	simm.s32 $0xCD80  }
0x7b: {  	[spmem:s2] =	stream.indirect.scatter.add.f32 [tilespmem:s22], [sflag:$0x3], $0x40, s30, s15, $0xb8;
	[tilespmem:$0x1F000] =	vst v63  }
0x7c: {  	_ =	swait.ge [sflag:s25], $0x2000  }
0x7d: {  	[sflag:s25] =	ssyncset.done $0x0  }
0x7e: {  	[sflag:s25] =	ssyncadd.s32 $0xFFFFE000  }
0x7f: {  	_ =	swait.ge [sflag:s25], $0x2000  }
0x80: {  	[sflag:s25] =	ssyncset.done $0x0  }
0x81: {  	[sflag:s25] =	ssyncadd.s32 $0xFFFFE000  }
0x82: {  	_ =	swait.ge [sflag:s25], $0x2000  }
0x83: {  	[sflag:s25] =	ssyncset.done $0x0  }
0x84: {  	[sflag:s25] =	ssyncadd.s32 $0xFFFFE000  }
0x85: {  	_ =	swait.ge [sflag:s25], $0x2000  }
0x86: {  	[sflag:s25] =	ssyncset.done $0x0  }
0x87: {  	s30 =	simm.s32 $0xA600;
	[sflag:s25] =	ssyncadd.s32 $0xFFFFE000  }
0x88: {  	[tilespmem:s29], [sflag:$0x2] =	stream.indirect.gather [hbm4b:s4+s15], $0x40, s30, s15, $0xb8;
	[tilespmem:$0x1F000] =	vst v63  }
0x89: {  	s30 =	simm.s32 $0xA680  }
0x8a: {  	[tilespmem:s31], [sflag:$0x2] =	stream.indirect.gather [hbm4b:s4+s15], $0x40, s30, s15, $0xb8;
	[tilespmem:$0x1F000] =	vst v63  }
0x8b: {  	s28 =	simm.s32 $0xA780;
	s26 =	simm.s32 $0x1000;
	s30 =	simm.s32 $0xA700  }
0x8c: {  	[tilespmem:s1], [sflag:$0x2] =	stream.indirect.gather [hbm4b:s4+s15], $0x40, s30, s15, $0xb8;
	[tilespmem:$0x1F000] =	vst v63  }
.LBB2_2:
0x8d: {  	[tilespmem:s19], [sflag:$0x2] =	stream.indirect.gather [hbm4b:s4+s15], $0x40, s28, s15, $0xb8;
	[tilespmem:$0x1F000] =	vst v63  }
0x8e: {  	s28 =	smov.u32 s26  }
0x8f: {  	p0 =	sne.s32 s26, $0x8000;
	s26 =	sadd.s32 $0x1000, s26;
	_ =	swait.ge [sflag:s21], $0x2000  }
0x90: {  	[sflag:s21] =	ssyncset.done $0x0  }
0x91: {  	[sflag:s21] =	ssyncadd.s32 $0xFFFFE000  }
0x92: {  	_ =	swait.ge [sflag:s21], $0x2000  }
0x93: {  	[sflag:s21] =	ssyncset.done $0x0  }
0x94: {  	[sflag:s21] =	ssyncadd.s32 $0xFFFFE000  }
0x95: {  	_ =	swait.ge [sflag:s21], $0x2000  }
0x96: {  	[sflag:s21] =	ssyncset.done $0x0  }
0x97: {  	[sflag:s21] =	ssyncadd.s32 $0xFFFFE000  }
0x98: {  	_ =	swait.ge [sflag:s21], $0x2000  }
0x99: {  	s28 =	sshra.s32 s28, $0x2;
	[sflag:s21] =	ssyncset.done $0x0  }
0x9a: {  	s30 =	sadd.s32 $0xCA00, s28;
	[sflag:s21] =	ssyncadd.s32 $0xFFFFE000  }
0x9b: {  	[spmem:s2] =	stream.indirect.scatter.add.f32 [tilespmem:s29], [sflag:$0x4], $0x40, s30, s15, $0xb8;
	[tilespmem:$0x1F000] =	vst v63  }
0x9c: {  	s30 =	sadd.s32 $0xCA80, s28  }
0x9d: {  	[spmem:s2] =	stream.indirect.scatter.add.f32 [tilespmem:s31], [sflag:$0x4], $0x40, s30, s15, $0xb8;
	[tilespmem:$0x1F000] =	vst v63  }
0x9e: {  	s30 =	sadd.s32 $0xCB00, s28  }
0x9f: {  	[spmem:s2] =	stream.indirect.scatter.add.f32 [tilespmem:s1], [sflag:$0x4], $0x40, s30, s15, $0xb8;
	[tilespmem:$0x1F000] =	vst v63  }
0xa0: {  	s30 =	sadd.s32 $0xCB80, s28  }
0xa1: {  	[spmem:s2] =	stream.indirect.scatter.add.f32 [tilespmem:s19], [sflag:$0x4], $0x40, s30, s15, $0xb8;
	[tilespmem:$0x1F000] =	vst v63  }
0xa2: {  	_ =	swait.ge [sflag:s24], $0x2000  }
0xa3: {  	[sflag:s24] =	ssyncset.done $0x0  }
0xa4: {  	[sflag:s24] =	ssyncadd.s32 $0xFFFFE000  }
0xa5: {  	_ =	swait.ge [sflag:s24], $0x2000  }
0xa6: {  	[sflag:s24] =	ssyncset.done $0x0  }
0xa7: {  	[sflag:s24] =	ssyncadd.s32 $0xFFFFE000  }
0xa8: {  	_ =	swait.ge [sflag:s24], $0x2000  }
0xa9: {  	[sflag:s24] =	ssyncset.done $0x0  }
0xaa: {  	[sflag:s24] =	ssyncadd.s32 $0xFFFFE000  }
0xab: {  	_ =	swait.ge [sflag:s24], $0x2000  }
0xac: {  	[sflag:s24] =	ssyncset.done $0x0  }
0xad: {  	s30 =	sadd.s32 $0xA400, s28;
	[sflag:s24] =	ssyncadd.s32 $0xFFFFE000  }
0xae: {  	[tilespmem:s16], [sflag:$0x1] =	stream.indirect.gather [hbm4b:s4+s15], $0x40, s30, s15, $0xb8;
	[tilespmem:$0x1F000] =	vst v63  }
0xaf: {  	s30 =	sadd.s32 $0xA480, s28  }
0xb0: {  	[tilespmem:s18], [sflag:$0x1] =	stream.indirect.gather [hbm4b:s4+s15], $0x40, s30, s15, $0xb8;
	[tilespmem:$0x1F000] =	vst v63  }
0xb1: {  	s30 =	sadd.s32 $0xA500, s28  }
0xb2: {  	[tilespmem:s20], [sflag:$0x1] =	stream.indirect.gather [hbm4b:s4+s15], $0x40, s30, s15, $0xb8;
	[tilespmem:$0x1F000] =	vst v63  }
0xb3: {  	s30 =	sadd.s32 $0xA580, s28  }
0xb4: {  	[tilespmem:s22], [sflag:$0x1] =	stream.indirect.gather [hbm4b:s4+s15], $0x40, s30, s15, $0xb8;
	[tilespmem:$0x1F000] =	vst v63  }
0xb5: {  	_ =	swait.ge [sflag:s23], $0x2000  }
0xb6: {  	[sflag:s23] =	ssyncset.done $0x0  }
0xb7: {  	[sflag:s23] =	ssyncadd.s32 $0xFFFFE000  }
0xb8: {  	_ =	swait.ge [sflag:s23], $0x2000  }
0xb9: {  	[sflag:s23] =	ssyncset.done $0x0  }
0xba: {  	[sflag:s23] =	ssyncadd.s32 $0xFFFFE000  }
0xbb: {  	_ =	swait.ge [sflag:s23], $0x2000  }
0xbc: {  	[sflag:s23] =	ssyncset.done $0x0  }
0xbd: {  	[sflag:s23] =	ssyncadd.s32 $0xFFFFE000  }
0xbe: {  	_ =	swait.ge [sflag:s23], $0x2000  }
0xbf: {  	[sflag:s23] =	ssyncset.done $0x0  }
0xc0: {  	s30 =	sadd.s32 $0xCC00, s28;
	[sflag:s23] =	ssyncadd.s32 $0xFFFFE000  }
0xc1: {  	[spmem:s2] =	stream.indirect.scatter.add.f32 [tilespmem:s16], [sflag:$0x3], $0x40, s30, s15, $0xb8;
	[tilespmem:$0x1F000] =	vst v63  }
0xc2: {  	s30 =	sadd.s32 $0xCC80, s28  }
0xc3: {  	[spmem:s2] =	stream.indirect.scatter.add.f32 [tilespmem:s18], [sflag:$0x3], $0x40, s30, s15, $0xb8;
	[tilespmem:$0x1F000] =	vst v63  }
0xc4: {  	s30 =	sadd.s32 $0xCD00, s28  }
0xc5: {  	[spmem:s2] =	stream.indirect.scatter.add.f32 [tilespmem:s20], [sflag:$0x3], $0x40, s30, s15, $0xb8;
	[tilespmem:$0x1F000] =	vst v63  }
0xc6: {  	s30 =	sadd.s32 $0xCD80, s28  }
0xc7: {  	[spmem:s2] =	stream.indirect.scatter.add.f32 [tilespmem:s22], [sflag:$0x3], $0x40, s30, s15, $0xb8;
	[tilespmem:$0x1F000] =	vst v63  }
0xc8: {  	_ =	swait.ge [sflag:s25], $0x2000  }
0xc9: {  	[sflag:s25] =	ssyncset.done $0x0  }
0xca: {  	[sflag:s25] =	ssyncadd.s32 $0xFFFFE000  }
0xcb: {  	_ =	swait.ge [sflag:s25], $0x2000  }
0xcc: {  	[sflag:s25] =	ssyncset.done $0x0  }
0xcd: {  	[sflag:s25] =	ssyncadd.s32 $0xFFFFE000  }
0xce: {  	_ =	swait.ge [sflag:s25], $0x2000  }
0xcf: {  	[sflag:s25] =	ssyncset.done $0x0  }
0xd0: {  	[sflag:s25] =	ssyncadd.s32 $0xFFFFE000  }
0xd1: {  	_ =	swait.ge [sflag:s25], $0x2000  }
0xd2: {  	[sflag:s25] =	ssyncset.done $0x0  }
0xd3: {  	s30 =	sadd.s32 $0xA600, s28;
	[sflag:s25] =	ssyncadd.s32 $0xFFFFE000  }
0xd4: {  	[tilespmem:s29], [sflag:$0x2] =	stream.indirect.gather [hbm4b:s4+s15], $0x40, s30, s15, $0xb8;
	[tilespmem:$0x1F000] =	vst v63  }
.Ltmp0:
0xd5: {  	s30 =	sadd.s32 $0xA680, s28;
	(pc) =	sbr.rel @p0 .LBB2_2-.Ltmp0, $4  }
0xd6: {  	[tilespmem:s31], [sflag:$0x2] =	stream.indirect.gather [hbm4b:s4+s15], $0x40, s30, s15, $0xb8;
	[tilespmem:$0x1F000] =	vst v63  }
0xd7: {  	s30 =	sadd.s32 $0xA700, s28  }
0xd8: {  	[tilespmem:s1], [sflag:$0x2] =	stream.indirect.gather [hbm4b:s4+s15], $0x40, s30, s15, $0xb8;
	[tilespmem:$0x1F000] =	vst v63  }
0xd9: {  	s28 =	sadd.s32 $0xA780, s28  }
0xda: {  	[tilespmem:s19], [sflag:$0x2] =	stream.indirect.gather [hbm4b:s4+s15], $0x40, s28, s15, $0xb8;
	[tilespmem:$0x1F000] =	vst v63  }
0xdb: {  	_ =	swait.ge [sflag:s21], $0x2000  }
0xdc: {  	[sflag:s21] =	ssyncset.done $0x0  }
0xdd: {  	[sflag:s21] =	ssyncadd.s32 $0xFFFFE000  }
0xde: {  	_ =	swait.ge [sflag:s21], $0x2000  }
0xdf: {  	[sflag:s21] =	ssyncset.done $0x0  }
0xe0: {  	[sflag:s21] =	ssyncadd.s32 $0xFFFFE000  }
0xe1: {  	_ =	swait.ge [sflag:s21], $0x2000  }
0xe2: {  	[sflag:s21] =	ssyncset.done $0x0  }
0xe3: {  	[sflag:s21] =	ssyncadd.s32 $0xFFFFE000  }
0xe4: {  	_ =	swait.ge [sflag:s21], $0x2000  }
0xe5: {  	[sflag:s21] =	ssyncset.done $0x0  }
0xe6: {  	s26 =	simm.s32 $0xEE00;
	[sflag:s21] =	ssyncadd.s32 $0xFFFFE000  }
0xe7: {  	[spmem:s2] =	stream.indirect.scatter.add.f32 [tilespmem:s29], [sflag:$0x4], $0x40, s26, s15, $0xb8;
	[tilespmem:$0x1F000] =	vst v63  }
0xe8: {  	s28 =	simm.s32 $0xEE80  }
0xe9: {  	[spmem:s2] =	stream.indirect.scatter.add.f32 [tilespmem:s31], [sflag:$0x4], $0x40, s28, s15, $0xb8;
	[tilespmem:$0x1F000] =	vst v63  }
0xea: {  	s30 =	simm.s32 $0xEF00  }
0xeb: {  	[spmem:s2] =	stream.indirect.scatter.add.f32 [tilespmem:s1], [sflag:$0x4], $0x40, s30, s15, $0xb8;
	[tilespmem:$0x1F000] =	vst v63  }
0xec: {  	_ = 	snop  }
0xed: {  	[spmem:s2] =	stream.indirect.scatter.add.f32 [tilespmem:s19], [sflag:$0x4], $0x40, s0, s15, $0xb8;
	[tilespmem:$0x1F000] =	vst v63  }
0xee: {  	_ =	swait.ge [sflag:s24], $0x2000  }
0xef: {  	[sflag:s24] =	ssyncset.done $0x0  }
0xf0: {  	[sflag:s24] =	ssyncadd.s32 $0xFFFFE000  }
0xf1: {  	_ =	swait.ge [sflag:s24], $0x2000  }
0xf2: {  	[sflag:s24] =	ssyncset.done $0x0  }
0xf3: {  	[sflag:s24] =	ssyncadd.s32 $0xFFFFE000  }
0xf4: {  	_ =	swait.ge [sflag:s24], $0x2000  }
0xf5: {  	[sflag:s24] =	ssyncset.done $0x0  }
0xf6: {  	[sflag:s24] =	ssyncadd.s32 $0xFFFFE000  }
0xf7: {  	_ =	swait.ge [sflag:s24], $0x2000  }
0xf8: {  	[sflag:s24] =	ssyncset.done $0x0  }
0xf9: {  	[sflag:s24] =	ssyncadd.s32 $0xFFFFE000  }
0xfa: {  	_ =	swait.ge [sflag:s25], $0x2000  }
0xfb: {  	[sflag:s25] =	ssyncset.done $0x0  }
0xfc: {  	[sflag:s25] =	ssyncadd.s32 $0xFFFFE000  }
0xfd: {  	_ =	swait.ge [sflag:s25], $0x2000  }
0xfe: {  	[sflag:s25] =	ssyncset.done $0x0  }
0xff: {  	[sflag:s25] =	ssyncadd.s32 $0xFFFFE000  }
0x100: {  	_ =	swait.ge [sflag:s25], $0x2000  }
0x101: {  	[sflag:s25] =	ssyncset.done $0x0  }
0x102: {  	[sflag:s25] =	ssyncadd.s32 $0xFFFFE000  }
0x103: {  	_ =	swait.ge [sflag:s25], $0x2000  }
0x104: {  	s17 =	sadd.s32 $0x1, s17;
	[sflag:s25] =	ssyncset.done $0x0  }
0x105: {  	p0 =	sne.s32 s17, s10;
	[sflag:s25] =	ssyncadd.s32 $0xFFFFE000  }
.Ltmp1:
0x106: {  	[bflag:$0x0] =	sbarrier.arrive $0xFFFF;
	(pc) =	sbr.rel @p0 .LBB2_1-.Ltmp1, $4  }
0x107: {  	[hbm:s9], [sflag:s6] =	dma.local [spmem:s11], $0x1400  }
0x108: {  	_ =	swait.ge [sflag:s12], $0x1400  }
0x109: {  	[sflag:s12] =	ssyncset.done $0x0  }
0x10a: {  	[sflag:s12] =	ssyncadd.s32 $0xFFFFEC00  }
0x10b: {  	_ =	sfence.sel $0x180000  }
0x10c: {  	[bflag:$0x0] =	sbarrier.arrive $0xFFFF  }
0x10d: {  	_ =	strace $0x9000004D  }
0x10e: {  	s0 =	stileid.u32;
	[bflag:$0x2] =	sbarrier.arrive $0xFFFF  }
0x10f: {  	p0 =	sne.s32 s0, $0x0;
	s0 =	rddreg [dreg:$0x3]  }
0x110: {  	s0 =	sadd.s32 @!p0 $0x100000, s0  }
0x111: {  	[sflag:s0] =	ssyncadd.tile.s32 @!p0 $0x1;
	_ =	shalt  }
.Lfunc_end2:
_tile_overlayer_lowered:
.L_overlay_start_2:
0x112: {  	(tag) =	ssettag $0x2  }
0x113: {  	s0 =	rddreg [dreg:$0x0];
	s2 =	stileid.u32  }
0x114: {  	s1 =	rddreg [dreg:$0x1];
	p0 =	sne.s32 s2, $0x0  }
0x115: {  	s3 =	rddreg [dreg:$0x2];
	[bflag:$0x3] =	sbarrier.arrive $0xFFFF;
	s2 =	simm.s32 @!p0 $0x1C05  }
0x116: {  	[timem:s3], [sflag:s2] =	dma.local @!p0 [hbm:s0], s1  }
0x117: {  	s0 =	simm.s32 @!p0 $0x5  }
0x118: {  	_ =	swait.ge @!p0 [sflag:s0], s1  }
0x119: {  	s1 =	ssub.s32 @!p0 $0x0, s1;
	[sflag:s0] =	ssyncset.done @!p0 $0x0  }
0x11a: {  	[sflag:s0] =	ssyncadd.s32 @!p0 s1  }
0x11b: {  	[bflag:$0x3] =	sbarrier.arrive $0xFFFF  }
0x11c: {  	_ =	shalt  }

// kernel: kernel.9.cloned.1.call-start
scs
__scs_entry_jumppad:
0x0: {  	(pc) =	sbr.rel $0x88, $3  }
0x1: {  	(tag) =	ssettag $0x0;
	lr =	simm.s32 $0x1  }
0x2: {  	[smem:$0x3F9D] =	sst lr;
	_ =	strace $0xD0000000  }
0x3: {  	_ = 	snop  }
0x4: {  	_ = 	snop  }
0x5: {  	_ = 	snop  }
0x6: {  	_ = 	snop  }
0x7: {  	_ = 	snop  }
__scs_overlays_trampoline_lowered:
0x8: {  	[smem:$0x3FAC] =	sst s0  }
0x9: {  	[smem:$0x3FAD] =	sst s1  }
0xa: {  	[smem:$0x3FAE] =	sst s2  }
0xb: {  	[smem:$0x3FAF] =	sst s3  }
0xc: {  	[smem:$0x3FB0] =	sst s4  }
0xd: {  	[smem:$0x3FB1] =	sst s5  }
0xe: {  	[smem:$0x3FB2] =	sst s6  }
0xf: {  	[smem:$0x3FB3] =	sst s7  }
0x10: {  	[smem:$0x3FB4] =	sst s8  }
0x11: {  	[smem:$0x3FB5] =	sst s9;
	s0 =	simm.s32 @!p0 $0x0  }
0x12: {  	s1 =	sld [smem:$0x3F9B];
	s0 =	simm.s32 @p0 $0x1  }
0x13: {  	[smem:$0x3FB6] =	sst s0;
	s0 =	simm.s32 @!p1 $0x0  }
0x14: {  	s2 =	sld [smem:$0x3F9A];
	s0 =	simm.s32 @p1 $0x1  }
0x15: {  	[smem:$0x3FB7] =	sst s0;
	s0 =	simm.s32 @!p2 $0x0  }
0x16: {  	s3 =	sld [smem:$0x3FDB];
	s0 =	simm.s32 @p2 $0x1  }
0x17: {  	s4 =	simm.s32 $0x1BF5;
	[smem:$0x3FB9] =	sst s0  }
0x18: {  	s0 =	sld [smem:$0x3F9C];
	_ =	swait.ge [sflag:s4], $0x0  }
0x19: {  	s7 =	sld [smem:$0x3F9D]  }
0x1a: {  	s8 =	sadd.s32 $0xFFFFE003, lr  }
0x1b: {  	s9 =	sadd.s32 $0xFFFFFEF7, lr;
	s5 =	simm.s32 $0xFFFFFFFF;
	p2 =	slt.u32 s8, $0xFFFFF086  }
0x1c: {  	p1 =	slt.u32 s9, $0xF7A;
	s5 =	simm.s32 @!p2 $0x0  }
0x1d: {  	s5 =	simm.s32 @p1 $0x1;
	p0 =	seq.s32 s7, s2  }
0x1e: {  	s7 =	smul.u32 @!p0 $0xF7A, s2;
	p2 =	seq.s32 @!p0 s5, $0x0  }
0x1f: {  	s9 =	smul.u32 $0xF7A, s1;
	s8 =	simm.s32 @!p0 $0x1BF5;
	p2 =	por !p2, p0  }
0x20: {  	[sflag:s8] =	ssyncset.s32 @!p0 $0xFFFFF086;
	s6 =	sadd.s32 @!p0 s3, s7;
	s7 =	simm.s32 @!p0 $0x108  }
0x21: {  	s3 =	sadd.s32 s3, s9;
	s6 =	sadd.s32 @!p0 $0x88, s6;
	s7 =	simm.s32 @p2 $0x1082  }
0x22: {  	[simem:s7], [sflag:s8] =	dma.local @!p0 [hbm:s6], $0xF7A  }
0x23: {  	s9 =	sor.u32 $0xD0000000, s2;
	s6 =	simm.s32 $0x108;
	_ =	swait.ge @!p0 [sflag:s8], $0x0  }
0x24: {  	s3 =	sadd.s32 $0x88, s3;
	s6 =	simm.s32 @!p1 $0x1082;
	[sflag:s4] =	ssyncset.s32 $0xFFFFF086  }
0x25: {  	[simem:s6], [sflag:s4] =	dma.local [hbm:s3], $0xF7A  }
0x26: {  	[smem:$0x3F9D] =	sst s1;
	(tag) =	ssettag s2;
	_ =	strace s9  }
0x27: {  	s1 =	sld [smem:$0x3FAD]  }
0x28: {  	s2 =	sld [smem:$0x3FAE]  }
0x29: {  	s4 =	sld [smem:$0x3FB0]  }
0x2a: {  	p0 =	seq.s32 s5, $0x0;
	s5 =	sld [smem:$0x3FB1]  }
0x2b: {  	s6 =	sld [smem:$0x3FB2]  }
0x2c: {  	s7 =	sld [smem:$0x3FB3]  }
0x2d: {  	s3 =	simm.s32 $0x108;
	s8 =	sld [smem:$0x3FB4]  }
0x2e: {  	s3 =	simm.s32 @!p0 $0x1082;
	s9 =	sld [smem:$0x3FB5]  }
0x2f: {  	lr =	sadd.s32 s0, s3;
	s0 =	sld [smem:$0x3FAC]  }
0x30: {  	s3 =	sld [smem:$0x3FAF]  }
0x31: {  	[smem:$0x3FB8] =	sst s10  }
0x32: {  	s10 =	sld [smem:$0x3FB6];
	_ =	sdelay $0x3  }
0x33: {  	p0 =	seq.s32 s10, $0x1;
	s10 =	sld [smem:$0x3FB8];
	_ =	sdelay $0x3  }
0x34: {  	[smem:$0x3FB8] =	sst s10  }
0x35: {  	s10 =	sld [smem:$0x3FB7];
	_ =	sdelay $0x3  }
0x36: {  	p1 =	seq.s32 s10, $0x1;
	s10 =	sld [smem:$0x3FB8];
	_ =	sdelay $0x3  }
0x37: {  	[smem:$0x3FB8] =	sst s10  }
0x38: {  	s10 =	sld [smem:$0x3FB9]  }
0x39: {  	_ = 	snop;
	(pc) =	sbr.ind lr, $3  }
0x3a: {  	_ = 	snop  }
0x3b: {  	_ = 	snop  }
0x3c: {  	p2 =	seq.s32 s10, $0x1;
	s10 =	sld [smem:$0x3FB8]  }
0x3d: {  	_ =	shalt  }
0x3e: {  	_ =	shalt  }
0x3f: {  	_ =	shalt  }
0x40: {  	_ =	shalt  }
0x41: {  	_ =	shalt  }
0x42: {  	_ =	shalt  }
0x43: {  	_ =	shalt  }
0x44: {  	_ =	shalt  }
0x45: {  	_ =	shalt  }
0x46: {  	_ =	shalt  }
0x47: {  	_ =	shalt  }
0x48: {  	_ =	shalt  }
0x49: {  	_ =	shalt  }
0x4a: {  	_ =	shalt  }
0x4b: {  	_ =	shalt  }
0x4c: {  	_ =	shalt  }
0x4d: {  	_ =	shalt  }
0x4e: {  	_ =	shalt  }
0x4f: {  	_ =	shalt  }
0x50: {  	_ =	shalt  }
0x51: {  	_ =	shalt  }
0x52: {  	_ =	shalt  }
0x53: {  	_ =	shalt  }
0x54: {  	_ =	shalt  }
0x55: {  	_ =	shalt  }
0x56: {  	_ =	shalt  }
0x57: {  	_ =	shalt  }
0x58: {  	_ =	shalt  }
0x59: {  	_ =	shalt  }
0x5a: {  	_ =	shalt  }
0x5b: {  	_ =	shalt  }
0x5c: {  	_ =	shalt  }
0x5d: {  	_ =	shalt  }
0x5e: {  	_ =	shalt  }
0x5f: {  	_ =	shalt  }
0x60: {  	_ =	shalt  }
0x61: {  	_ =	shalt  }
0x62: {  	_ =	shalt  }
0x63: {  	_ =	shalt  }
0x64: {  	_ =	shalt  }
0x65: {  	_ =	shalt  }
0x66: {  	_ =	shalt  }
0x67: {  	_ =	shalt  }
0x68: {  	_ =	shalt  }
0x69: {  	_ =	shalt  }
0x6a: {  	_ =	shalt  }
0x6b: {  	_ =	shalt  }
0x6c: {  	_ =	shalt  }
0x6d: {  	_ =	shalt  }
0x6e: {  	_ =	shalt  }
0x6f: {  	_ =	shalt  }
0x70: {  	_ =	shalt  }
0x71: {  	_ =	shalt  }
0x72: {  	_ =	shalt  }
0x73: {  	_ =	shalt  }
0x74: {  	_ =	shalt  }
0x75: {  	_ =	shalt  }
0x76: {  	_ =	shalt  }
0x77: {  	_ =	shalt  }
0x78: {  	_ =	shalt  }
0x79: {  	_ =	shalt  }
0x7a: {  	_ =	shalt  }
0x7b: {  	_ =	shalt  }
0x7c: {  	_ =	shalt  }
0x7d: {  	_ =	shalt  }
0x7e: {  	_ =	shalt  }
0x7f: {  	_ =	shalt  }
0x80: {  	_ =	shalt  }
0x81: {  	_ =	shalt  }
0x82: {  	_ =	shalt  }
0x83: {  	_ =	shalt  }
0x84: {  	_ =	shalt  }
0x85: {  	_ =	shalt  }
0x86: {  	_ =	shalt  }
0x87: {  	_ =	shalt  }
.Lfunc_end0:
.L_simem_size_0:
called_computation_lowered:
.L_overlay_start_0:
0x88: {  	s2 =	sld [smem:$0x3FD9]  }
0x89: {  	s3 =	sld [smem:$0x3FFE];
	_ =	sdelay $0x1  }
0x8a: {  	s1 =	srdreg.scid  }
0x8b: {  	s0 =	sand.u32 $0x1, s1  }
0x8c: {  	s16 =	sshll.u32 s0, $0xA;
	s2 =	sadd.s32 s3, s2  }
0x8d: {  	s2 =	sadd.s32 s2, s16  }
0x8e: {  	[smem:$0x3FC4] =	sst s2  }
0x8f: {  	_ = 	snop  }
0x90: {  	(tm) =	ssettm $0x1  }
0x91: {  	s17 =	sld [smem:$0x3FFB];
	_ =	sdelay $0x3  }
0x92: {  	_ =	strace s17  }
0x93: {  	s2 =	sld [smem:$0x3FFC];
	_ =	sdelay $0x3  }
0x94: {  	_ =	strace s2  }
0x95: {  	s2 =	sld [smem:$0x3FFD];
	_ =	sdelay $0x3  }
0x96: {  	_ =	strace s2  }
0x97: {  	_ =	strace $0x8FFFFFFF  }
0x98: {  	s18 =	sld [smem:$0x3FDB];
	_ =	sdelay $0x1  }
0x99: {  	s19 =	simm.s32 $_scs_section_size  }
0x9a: {  	s4 =	simm.s32 $_size__tile_overlayer_lowered;
	s5 =	simm.s32 $_tile_overlayer_lowered  }
0x9b: {  	s22 =	simm.s32 $0x1BFF;
	s21 =	sshll.u32 s5, $0x1;
	s2 =	sadd.s32 s19, s18  }
0x9c: {  	s6 =	simm.s32 $0x0;
	s20 =	sshll.u32 s4, $0x1;
	s4 =	sadd.s32 s21, s2  }
0x9d: {  	[timem:s6], [sflag:s22] =	dma.local [hbm:s4], s20  }
0x9e: {  	_ =	swait.ge [sflag:s22], s20  }
0x9f: {  	s3 =	ssub.s32 $0x0, s20;
	[sflag:s22] =	ssyncset.done $0x0  }
0xa0: {  	[sflag:s22] =	ssyncadd.s32 s3;
	_ =	sdelay $0x1  }
0xa1: {  	s23 =	simm.s32 $0x1B8B  }
0xa2: {  	_ =	swait.ge [sflag:s23], $0x1  }
0xa3: {  	[sflag:s23] =	ssyncset.done $0x0  }
0xa4: {  	s25 =	simm.s32 $0x1B8E;
	s24 =	sld [smem:$0x3FFE];
	[sflag:s23] =	ssyncadd.s32 $0xFFFFFFFF  }
0xa5: {  	s26 =	simm.s32 $execute0_lowered;
	[smem:$0x3FD2] =	sst s25  }
0xa6: {  	s4 =	sshll.u32 s26, $0x1;
	_ =	strace $0x80000046;
	[dreg:$0x1] =	wrdreg $0xFFFFFFFF  }
0xa7: {  	s28 =	simm.s32 $_size_execute0_lowered;
	s2 =	sadd.s32 s2, s4;
	[dreg:$0x0] =	wrdreg $0x0  }
0xa8: {  	s4 =	sshll.u32 s28, $0x1;
	[dreg:$0x2] =	wrdreg s2  }
0xa9: {  	[dreg:$0x3] =	wrdreg s4  }
0xaa: {  	[dreg:$0x4] =	wrdreg $0xC0  }
0xab: {  	_ =	task [dreg:s6], $0x5FFFF  }
0xac: {  	[dreg:$0x1] =	wrdreg $0xFFFFFFFF  }
0xad: {  	[dreg:$0x0] =	wrdreg $0x60  }
0xae: {  	[dreg:$0x2] =	wrdreg s24  }
0xaf: {  	[dreg:$0x3] =	wrdreg $0x0  }
0xb0: {  	[dreg:$0x4] =	wrdreg $0x9  }
0xb1: {  	_ =	task.clear_ibuf [dreg:s6], $0x5FFFF;
	_ =	strace $0x90000046  }
0xb2: {  	s29 =	simm.s32 $0x9;
	_ =	strace $0x80000048  }
0xb3: {  	_ =	swait.ge [sflag:s29], $0x1  }
0xb4: {  	[sflag:s29] =	ssyncadd.s32 $0xFFFFFFFF  }
0xb5: {  	_ =	strace $0x90000048  }
0xb6: {  	_ =	sfence  }
0xb7: {  	s30 =	sld [smem:$0x0];
	_ =	sdelay $0x2  }
0xb8: {  	s31 =	sshll.u32 s1, $0xD;
	s1 =	sshrl.u32 s1, $0x2  }
0xb9: {  	s3 =	sand.u32 $0x4000, s31;
	s1 =	sadd.s32 s1, s30  }
0xba: {  	s0 =	sor.u32 s3, s0;
	s1 =	sshll.u32 s1, $0x11  }
0xbb: {  	s0 =	sor.u32 s1, s0  }
0xbc: {  	s0 =	sadd.s32 $0x8F2B, s0  }
0xbd: {  	[sflag:s0] =	ssyncadd.remote.s32 $0x1  }
0xbe: {  	_ =	sfence.sel $0xFFFF  }
0xbf: {  	[dreg:$0x0] =	wrdreg $0xFFFFFFFF;
	(pc) =	sbr.abs _section_cstart, $3  }
0xc0: {  	[dreg:$0x1] =	wrdreg $0xFFFFFFFF  }
0xc1: {  	_ =	task.clear_ibuf [dreg:s6], $0x2FFFF;
	_ =	strace $0x9FFFFFFF  }
0xc2: {  	(tm) =	ssettm $0x7FFFFFFF  }
0xc3: {  	_ =	shalt  }
tec
execute0_lowered:
.L_overlay_start_1:
0x0: {  	(tag) =	ssettag $0x1  }
0x1: {  	s0 =	srdreg.scid;
	s5 =	rddreg [dreg:$0x0]  }
0x2: {  	s2 =	rddreg [dreg:$0x1];
	s3 =	simm.s32 $0x0;
	s11 =	simm.s32 $0x2800  }
0x3: {  	s14 =	simm.s32 $0x80;
	s15 =	simm.s32 $0x2880;
	s16 =	simm.s32 $0x2900  }
0x4: {  	s17 =	simm.s32 $0x2980;
	s4 =	sand.u32 $0x1, s0;
	s0 =	stileid.u32  }
0x5: {  	s18 =	simm.s32 $0x1;
	s19 =	simm.s32 $0x0;
	s7 =	smul.u32 $0x2800, s0  }
0x6: {  	[smem:$0x7FF] =	sst s3;
	s1 =	sshll.u32 s4, $0x4;
	s8 =	smul.u32 $0x28000, s4  }
0x7: {  	s10 =	ssub.s32 $0x2, s4;
	s4 =	sadd.s32 $0xB800, s5;
	s12 =	sshll.u32 s0, $0x6  }
0x8: {  	s1 =	sor.u32 s0, s1;
	s31 =	sshrl.u32 s10, $0x1;
	s12 =	sor.u32 $0x1C02, s12  }
0x9: {  	s6 =	smul.u32 $0x500, s1;
	s1 =	rddreg [dreg:$0x2];
	_ =	strace $0x80000047  }
0xa: {  	s9 =	sshrl.u32 s7, $0x3;
	s8 =	sadd.s32 s7, s8;
	s10 =	ssub.s32 s10, s31  }
0xb: {  	s13 =	sadd.s32 s7, s2;
	s9 =	sadd.s32 s9, s5;
	s8 =	sshrl.u32 s8, $0x3  }
0xc: {  	s13 =	sshrl.u32 s13, $0x3;
	s6 =	sadd.s32 s6, s5;
	s8 =	sadd.s32 s8, s5  }
0xd: {  	s5 =	sadd.s32 $0x1800, s6;
	s6 =	sadd.s32 $0xBA00, s9;
	s7 =	sadd.s32 $0x10A00, s8  }
0xe: {  	s8 =	smax.u32 s10, $0x1;
	s9 =	simm.s32 $0x5000;
	s10 =	simm.s32 $0x2  }
.LBB2_1:
0xf: {  	[tilespmem:s9], [sflag:$0x2] =	stream.linear.gather [hbm4b:s4+s3], $0x800, $0x38;
	[tilespmem:$0x5800] =	vst v63  }
0x10: {  	_ =	swait.ge [sflag:s10], $0x800  }
0x11: {  	[sflag:s10] =	ssyncset.done $0x0  }
0x12: {  	[sflag:s10] =	ssyncadd.s32 $0xFFFFF800  }
0x13: {  	[tilespmem:s11], [sflag:$0x2] =	stream.linear.gather [hbm4b:s5+s3], $0x2800, $0x38;
	[tilespmem:$0x5800] =	vst v63  }
0x14: {  	_ =	swait.ge [sflag:s10], $0x2800  }
0x15: {  	[sflag:s10] =	ssyncset.done $0x0  }
0x16: {  	[sflag:s10] =	ssyncadd.s32 $0xFFFFD800  }
0x17: {  	[spmem:s13], [sflag:s12] =	dma.local [hbm:s6], $0x500  }
0x18: {  	_ =	swait.ge [sflag:s10], $0x500  }
0x19: {  	[sflag:s10] =	ssyncset.done $0x0  }
0x1a: {  	[sflag:s10] =	ssyncadd.s32 $0xFFFFFB00  }
0x1b: {  	[bflag:$0x0] =	sbarrier.arrive $0xFFFF  }
0x1c: {  	[spmem:s2] =	stream.indirect.scatter.add.f32 [tilespmem:s9], [sflag:$0x1], $0x10, s11, s14, $0xb8;
	[tilespmem:$0x5800] =	vst v63  }
0x1d: {  	_ = 	snop  }
0x1e: {  	[spmem:s2] =	stream.indirect.scatter.add.f32 [tilespmem:s9], [sflag:$0x1], $0x10, s15, s14, $0xb8;
	[tilespmem:$0x5800] =	vst v63  }
0x1f: {  	_ = 	snop  }
0x20: {  	[spmem:s2] =	stream.indirect.scatter.add.f32 [tilespmem:s9], [sflag:$0x1], $0x10, s16, s14, $0xb8;
	[tilespmem:$0x5800] =	vst v63  }
0x21: {  	_ = 	snop  }
0x22: {  	[spmem:s2] =	stream.indirect.scatter.add.f32 [tilespmem:s9], [sflag:$0x1], $0x10, s17, s14, $0xb8;
	[tilespmem:$0x5800] =	vst v63  }
0x23: {  	s20 =	simm.s32 $0x2A00  }
0x24: {  	[spmem:s2] =	stream.indirect.scatter.add.f32 [tilespmem:s9], [sflag:$0x1], $0x10, s20, s14, $0xb8;
	[tilespmem:$0x5800] =	vst v63  }
0x25: {  	s29 =	simm.s32 $0x2A80  }
0x26: {  	[spmem:s2] =	stream.indirect.scatter.add.f32 [tilespmem:s9], [sflag:$0x1], $0x10, s29, s14, $0xb8;
	[tilespmem:$0x5800] =	vst v63  }
0x27: {  	s30 =	simm.s32 $0x2B00  }
0x28: {  	[spmem:s2] =	stream.indirect.scatter.add.f32 [tilespmem:s9], [sflag:$0x1], $0x10, s30, s14, $0xb8;
	[tilespmem:$0x5800] =	vst v63  }
0x29: {  	s31 =	simm.s32 $0x2B80  }
0x2a: {  	[spmem:s2] =	stream.indirect.scatter.add.f32 [tilespmem:s9], [sflag:$0x1], $0x10, s31, s14, $0xb8;
	[tilespmem:$0x5800] =	vst v63  }
0x2b: {  	_ =	swait.ge [sflag:s18], $0x800  }
0x2c: {  	[sflag:s18] =	ssyncset.done $0x0  }
0x2d: {  	[sflag:s18] =	ssyncadd.s32 $0xFFFFF800  }
0x2e: {  	_ =	swait.ge [sflag:s18], $0x800  }
0x2f: {  	[sflag:s18] =	ssyncset.done $0x0  }
0x30: {  	[sflag:s18] =	ssyncadd.s32 $0xFFFFF800  }
0x31: {  	_ =	swait.ge [sflag:s18], $0x800  }
0x32: {  	[sflag:s18] =	ssyncset.done $0x0  }
0x33: {  	[sflag:s18] =	ssyncadd.s32 $0xFFFFF800  }
0x34: {  	_ =	swait.ge [sflag:s18], $0x800  }
0x35: {  	s21 =	simm.s32 $0xFFFF7800;
	s20 =	simm.s32 $0xFFFFDC00;
	[sflag:s18] =	ssyncset.done $0x0  }
.LBB2_2:
0x36: {  	s22 =	sadd.s32 $0x5000, s20  }
0x37: {  	[sflag:s18] =	ssyncadd.s32 $0xFFFFF800;
	s23 =	smov.u32 s21;
	s24 =	sadd.s32 $0x800, s21  }
0x38: {  	[spmem:s2] =	stream.indirect.scatter.add.f32 [tilespmem:s9], [sflag:$0x1], $0x10, s22, s14, $0xb8;
	[tilespmem:$0x5800] =	vst v63  }
0x39: {  	p0 =	sne.s32 s21, $0xFFFFF800;
	s21 =	sadd.s32 $0x5080, s20  }
0x3a: {  	[spmem:s2] =	stream.indirect.scatter.add.f32 [tilespmem:s9], [sflag:$0x1], $0x10, s21, s14, $0xb8;
	[tilespmem:$0x5800] =	vst v63  }
0x3b: {  	s21 =	sadd.s32 $0x5100, s20  }
0x3c: {  	[spmem:s2] =	stream.indirect.scatter.add.f32 [tilespmem:s9], [sflag:$0x1], $0x10, s21, s14, $0xb8;
	[tilespmem:$0x5800] =	vst v63  }
0x3d: {  	s20 =	sadd.s32 $0x5180, s20  }
0x3e: {  	[spmem:s2] =	stream.indirect.scatter.add.f32 [tilespmem:s9], [sflag:$0x1], $0x10, s20, s14, $0xb8;
	[tilespmem:$0x5800] =	vst v63  }
0x3f: {  	_ =	swait.ge [sflag:s18], $0x800  }
0x40: {  	[sflag:s18] =	ssyncset.done $0x0  }
0x41: {  	[sflag:s18] =	ssyncadd.s32 $0xFFFFF800  }
0x42: {  	_ =	swait.ge [sflag:s18], $0x800  }
0x43: {  	[sflag:s18] =	ssyncset.done $0x0  }
0x44: {  	[sflag:s18] =	ssyncadd.s32 $0xFFFFF800  }
.Ltmp0:
0x45: {  	_ =	swait.ge [sflag:s18], $0x800;
	(pc) =	sbr.rel @p0 .LBB2_2-.Ltmp0, $4  }
0x46: {  	[sflag:s18] =	ssyncset.done $0x0  }
0x47: {  	[sflag:s18] =	ssyncadd.s32 $0xFFFFF800  }
0x48: {  	_ =	swait.ge [sflag:s18], $0x800  }
0x49: {  	s21 =	smov.u32 s24;
	s20 =	sshra.s32 s23, $0x2;
	[sflag:s18] =	ssyncset.done $0x0  }
0x4a: {  	s21 =	sadd.s32 $0x5000, s20;
	[sflag:s18] =	ssyncadd.s32 $0xFFFFF800  }
0x4b: {  	[spmem:s2] =	stream.indirect.scatter.add.f32 [tilespmem:s9], [sflag:$0x1], $0x10, s21, s14, $0xb8;
	[tilespmem:$0x5800] =	vst v63  }
0x4c: {  	s29 =	sadd.s32 $0x5080, s20  }
0x4d: {  	[spmem:s2] =	stream.indirect.scatter.add.f32 [tilespmem:s9], [sflag:$0x1], $0x10, s29, s14, $0xb8;
	[tilespmem:$0x5800] =	vst v63  }
0x4e: {  	s30 =	sadd.s32 $0x5100, s20  }
0x4f: {  	[spmem:s2] =	stream.indirect.scatter.add.f32 [tilespmem:s9], [sflag:$0x1], $0x10, s30, s14, $0xb8;
	[tilespmem:$0x5800] =	vst v63  }
0x50: {  	s31 =	sadd.s32 $0x5180, s20  }
0x51: {  	[spmem:s2] =	stream.indirect.scatter.add.f32 [tilespmem:s9], [sflag:$0x1], $0x10, s31, s14, $0xb8;
	[tilespmem:$0x5800] =	vst v63  }
0x52: {  	_ =	swait.ge [sflag:s18], $0x800  }
0x53: {  	[sflag:s18] =	ssyncset.done $0x0  }
0x54: {  	[sflag:s18] =	ssyncadd.s32 $0xFFFFF800  }
0x55: {  	_ =	swait.ge [sflag:s18], $0x800  }
0x56: {  	[sflag:s18] =	ssyncset.done $0x0  }
0x57: {  	[sflag:s18] =	ssyncadd.s32 $0xFFFFF800  }
0x58: {  	_ =	swait.ge [sflag:s18], $0x800  }
0x59: {  	[sflag:s18] =	ssyncset.done $0x0  }
0x5a: {  	[sflag:s18] =	ssyncadd.s32 $0xFFFFF800  }
0x5b: {  	_ =	swait.ge [sflag:s18], $0x800  }
0x5c: {  	[sflag:s18] =	ssyncset.done $0x0  }
0x5d: {  	[sflag:s18] =	ssyncadd.s32 $0xFFFFF800  }
0x5e: {  	_ =	swait.ge [sflag:s18], $0x800  }
0x5f: {  	[sflag:s18] =	ssyncset.done $0x0  }
0x60: {  	[sflag:s18] =	ssyncadd.s32 $0xFFFFF800  }
0x61: {  	_ =	swait.ge [sflag:s18], $0x800  }
0x62: {  	[sflag:s18] =	ssyncset.done $0x0  }
0x63: {  	[sflag:s18] =	ssyncadd.s32 $0xFFFFF800  }
0x64: {  	_ =	swait.ge [sflag:s18], $0x800  }
0x65: {  	[sflag:s18] =	ssyncset.done $0x0  }
0x66: {  	[sflag:s18] =	ssyncadd.s32 $0xFFFFF800  }
0x67: {  	_ =	swait.ge [sflag:s18], $0x800  }
0x68: {  	s19 =	sadd.s32 $0x1, s19;
	[sflag:s18] =	ssyncset.done $0x0  }
0x69: {  	p0 =	sne.s32 s19, s8;
	[sflag:s18] =	ssyncadd.s32 $0xFFFFF800  }
.Ltmp1:
0x6a: {  	[bflag:$0x0] =	sbarrier.arrive $0xFFFF;
	(pc) =	sbr.rel @p0 .LBB2_1-.Ltmp1, $4  }
0x6b: {  	[hbm:s7], [sflag:s12] =	dma.local [spmem:s13], $0x500  }
0x6c: {  	_ =	swait.ge [sflag:s10], $0x500  }
0x6d: {  	[sflag:s10] =	ssyncset.done $0x0  }
0x6e: {  	[sflag:s10] =	ssyncadd.s32 $0xFFFFFB00  }
0x6f: {  	_ =	sfence.sel $0x180000  }
0x70: {  	[bflag:$0x0] =	sbarrier.arrive $0xFFFF  }
0x71: {  	p0 =	sne.s32 s0, $0x0;
	_ =	strace $0x90000047  }
0x72: {  	s0 =	sadd.s32 @!p0 $0x100000, s1;
	[bflag:$0x2] =	sbarrier.arrive $0xFFFF  }
0x73: {  	[sflag:s0] =	ssyncadd.tile.s32 @!p0 $0x1;
	_ =	shalt  }
.Lfunc_end2:
_tile_overlayer_lowered:
.L_overlay_start_2:
0x74: {  	(tag) =	ssettag $0x2  }
0x75: {  	s0 =	rddreg [dreg:$0x0];
	s2 =	stileid.u32  }
0x76: {  	s1 =	rddreg [dreg:$0x1];
	p0 =	sne.s32 s2, $0x0  }
0x77: {  	s3 =	rddreg [dreg:$0x2];
	[bflag:$0x3] =	sbarrier.arrive $0xFFFF;
	s2 =	simm.s32 @!p0 $0x1C02  }
0x78: {  	[timem:s3], [sflag:s2] =	dma.local @!p0 [hbm:s0], s1  }
0x79: {  	s0 =	simm.s32 @!p0 $0x2  }
0x7a: {  	_ =	swait.ge @!p0 [sflag:s0], s1  }
0x7b: {  	s1 =	ssub.s32 @!p0 $0x0, s1;
	[sflag:s0] =	ssyncset.done @!p0 $0x0  }
0x7c: {  	[sflag:s0] =	ssyncadd.s32 @!p0 s1  }
0x7d: {  	[bflag:$0x3] =	sbarrier.arrive $0xFFFF  }
0x7e: {  	_ =	shalt  }

</sc_bundles>
